<compile_context>
chip_gen: v7x
topology: tpu7x:2x2x1
jax: 0.10.2.dev20260603
libtpu: 0.0.44.dev20260713+nightly
codegen_flags: <defaults>
</compile_context>

<pallas_src>
import functools

import jax
import jax.numpy as jnp
from jax import lax
from jax.experimental import pallas as pl
from jax.experimental.pallas import tpu as pltpu
from jax.experimental.pallas import tpu_sc as plsc

N = 10000
E = 320000
IN_DIM = 128
HID = 16
OUT2 = 8

NC = 2
NS = 16
BLK = 128
EB = E // BLK
B0 = 120
B1 = 36
BMAX = max(B0, B1 + 1)
NPAD = 10240
RPT = NPAD // NS
NBUF = 4


def _tile_rows(c, s):
    row0 = jnp.where(c == 0, s * B0, NS * B0 + s * B1)
    return row0


@functools.cache
def _make_sc_degree():
  kern = functools.partial(
      pl.kernel,
      out_type=jax.ShapeDtypeStruct((NC, NPAD, HID), jnp.float32),
      mesh=plsc.VectorSubcoreMesh(core_axis_name="c", subcore_axis_name="s"),
      scratch_types=[
          pltpu.VMEM((BMAX, BLK), jnp.int32),
          pltpu.VMEM((BLK,), jnp.float32),
          pltpu.VMEM((BLK,), jnp.float32),
          pltpu.VMEM((RPT,), jnp.float32),
          pltpu.VMEM((RPT, HID), jnp.float32),
          pltpu.VMEM_SHARED((NPAD,), jnp.float32),
          pltpu.SemaphoreType.DMA,
      ],
      compiler_params=pltpu.CompilerParams(use_tc_tiling_on_sc=False,
                                           needs_layout_passes=False),
  )
  return kern(_sc_degree_body)


def _sc_degree_body(dst_hbm, out_hbm, dstv, ones_v, zbuf, degv, e16, acc,
                    sem):
    c = lax.axis_index("c")
    s = lax.axis_index("s")
    row0 = _tile_rows(c, s)

    def fill(i, _):
        zbuf[pl.ds(i * 16, 16)] = jnp.zeros((16,), jnp.float32)
        ones_v[pl.ds(i * 16, 16)] = jnp.ones((16,), jnp.float32)
        return 0

    lax.fori_loop(0, BLK // 16, fill, 0)

    def zero(i, _):
        pltpu.sync_copy(zbuf, acc.at[pl.ds(s * RPT + i * BLK, BLK)])
        return 0

    lax.fori_loop(0, RPT // BLK, zero, 0)
    plsc.subcore_barrier()

    extra = jnp.logical_and(c == 1, s < 4)

    def run(nblk):
        pltpu.sync_copy(dst_hbm.at[pl.ds(row0, nblk)],
                        dstv.at[pl.ds(0, nblk)])
        if nblk == B1:
            @pl.when(extra)
            def _():
                pltpu.sync_copy(dst_hbm.at[NS * B0 + NS * B1 + s],
                                dstv.at[B1])
        nrun = nblk + extra.astype(jnp.int32) if nblk == B1 else nblk

        def blk(j, _):
            pltpu.async_copy(ones_v, acc.at[dstv.at[j]], sem, add=True)
            return 0

        lax.fori_loop(0, nrun, blk, 0)

        def drain(j, _):
            pltpu.make_async_copy(ones_v, acc.at[dstv.at[j]], sem).wait()
            return 0

        lax.fori_loop(0, nrun, drain, 0)

    @pl.when(c == 0)
    def _():
        run(B0)

    @pl.when(c == 1)
    def _():
        run(B1)

    plsc.subcore_barrier()
    pltpu.sync_copy(acc.at[pl.ds(s * RPT, RPT)], degv)

    def expand(i, _):
        idx = jnp.full((16,), i, jnp.int32)
        e16[i] = plsc.load_gather(degv, [idx])
        return 0

    lax.fori_loop(0, RPT, expand, 0)
    pltpu.sync_copy(e16, out_hbm.at[c, pl.ds(s * RPT, RPT)])


@functools.cache
def _make_sc_aggregate(width):
  kern = functools.partial(
      pl.kernel,
      out_type=jax.ShapeDtypeStruct((NC, NPAD, width), jnp.float32),
      mesh=plsc.VectorSubcoreMesh(core_axis_name="c", subcore_axis_name="s"),
      scratch_types=(
          [pltpu.VMEM((BMAX, BLK), jnp.int32),
           pltpu.VMEM((BMAX, BLK), jnp.int32)]
          + [pltpu.VMEM((BLK, width), jnp.float32) for _ in range(NBUF)]
          + [pltpu.VMEM_SHARED((NPAD, width), jnp.float32)]
          + [pltpu.SemaphoreType.DMA for _ in range(NBUF)]
      ),
      compiler_params=pltpu.CompilerParams(use_tc_tiling_on_sc=False),
  )
  return kern(functools.partial(_sc_aggregate_body, width))


def _sc_aggregate_body(width, g_hbm, src_hbm, dst_hbm, zeros_hbm, out_hbm,
                       srcv, dstv, *rest):
    bufs = rest[:NBUF]
    acc = rest[NBUF]
    sems = rest[NBUF + 1:]
    c = lax.axis_index("c")
    s = lax.axis_index("s")
    row0 = _tile_rows(c, s)

    pltpu.sync_copy(zeros_hbm, acc.at[pl.ds(s * RPT, RPT)])
    plsc.subcore_barrier()

    extra = jnp.logical_and(c == 1, s < 4)

    def run(nblk):
        pltpu.sync_copy(src_hbm.at[pl.ds(row0, nblk)],
                        srcv.at[pl.ds(0, nblk)])
        pltpu.sync_copy(dst_hbm.at[pl.ds(row0, nblk)],
                        dstv.at[pl.ds(0, nblk)])
        if nblk == B1:
            @pl.when(extra)
            def _():
                pltpu.sync_copy(src_hbm.at[NS * B0 + NS * B1 + s],
                                srcv.at[B1])
                pltpu.sync_copy(dst_hbm.at[NS * B0 + NS * B1 + s],
                                dstv.at[B1])

        def ring(i, _):
            for k in range(NBUF):
                j = i * NBUF + k

                @pl.when(i > 0)
                def _():
                    pltpu.make_async_copy(bufs[k],
                                          acc.at[dstv.at[j - NBUF]],
                                          sems[k]).wait()
                pltpu.async_copy(g_hbm.at[srcv.at[j]], bufs[k], sems[k])
            for k in range(NBUF):
                j = i * NBUF + k
                pltpu.make_async_copy(g_hbm.at[srcv.at[j]], bufs[k],
                                      sems[k]).wait()
                pltpu.async_copy(bufs[k], acc.at[dstv.at[j]], sems[k],
                                 add=True)
            return 0

        lax.fori_loop(0, nblk // NBUF, ring, 0)
        for k in range(NBUF):
            pltpu.make_async_copy(bufs[k], acc.at[dstv.at[nblk - NBUF + k]],
                                  sems[k]).wait()
        if nblk == B1:
            @pl.when(extra)
            def _():
                pltpu.async_copy(g_hbm.at[srcv.at[B1]], bufs[0], sems[0])
                pltpu.make_async_copy(g_hbm.at[srcv.at[B1]], bufs[0],
                                      sems[0]).wait()
                pltpu.async_copy(bufs[0], acc.at[dstv.at[B1]], sems[0],
                                 add=True)
                pltpu.make_async_copy(bufs[0], acc.at[dstv.at[B1]],
                                      sems[0]).wait()

    @pl.when(c == 0)
    def _():
        run(B0)

    @pl.when(c == 1)
    def _():
        run(B1)

    plsc.subcore_barrier()
    pltpu.sync_copy(acc.at[pl.ds(s * RPT, RPT)],
                    out_hbm.at[c, pl.ds(s * RPT, RPT)])


PR = NPAD // 8
_BR = 128
_GRID = PR // _BR


def _tc_mm_prep_body(xg_ref, wbd_ref, deg_ref, g_ref, dinv_ref):
    h = jnp.dot(xg_ref[...], wbd_ref[...], preferred_element_type=jnp.float32, precision=lax.Precision.HIGHEST)
    dinv = lax.rsqrt(deg_ref[0] + deg_ref[1] + 1.0)
    dinv_ref[...] = dinv
    g_ref[...] = h * dinv


def _tc_layer2_body(q_ref, g1_ref, dinv_ref, b1_ref, w2bd_ref, g2_ref):
    dinv = dinv_ref[...]
    z = (q_ref[0] + q_ref[1] + g1_ref[...]) * dinv + b1_ref[...]
    z = jnp.maximum(z, 0.0)
    h2 = jnp.dot(z, w2bd_ref[...], preferred_element_type=jnp.float32, precision=lax.Precision.HIGHEST)
    g2_ref[...] = h2 * dinv


def _tc_final_body(r_ref, g2_ref, dinv_ref, b2_ref, gsum_ref, o_ref):
    logits = (r_ref[0] + r_ref[1] + g2_ref[...]) * dinv_ref[...] + b2_ref[...]
    mask = lax.broadcasted_iota(jnp.int32, logits.shape, 1) % HID < 7
    lm = jnp.where(mask, logits, -jnp.inf)
    mx = jnp.max(lm, axis=1, keepdims=True)
    ex = jnp.where(mask, jnp.exp(logits - mx), 0.0)
    gs = jnp.dot(ex, gsum_ref[...], preferred_element_type=jnp.float32, precision=lax.Precision.HIGHEST)
    o_ref[...] = logits - mx - jnp.log(gs)


_tc_mm_prep = pl.pallas_call(
    _tc_mm_prep_body,
    grid=(_GRID,),
    in_specs=[pl.BlockSpec((_BR, 8 * IN_DIM), lambda i: (i, 0)),
              pl.BlockSpec((8 * IN_DIM, 128), lambda i: (0, 0)),
              pl.BlockSpec((NC, _BR, 128), lambda i: (0, i, 0))],
    out_specs=[pl.BlockSpec((_BR, 128), lambda i: (i, 0)),
               pl.BlockSpec((_BR, 128), lambda i: (i, 0))],
    out_shape=[jax.ShapeDtypeStruct((PR, 128), jnp.float32),
               jax.ShapeDtypeStruct((PR, 128), jnp.float32)],
)

_tc_layer2 = pl.pallas_call(
    _tc_layer2_body,
    grid=(_GRID,),
    in_specs=[pl.BlockSpec((NC, _BR, 128), lambda i: (0, i, 0)),
              pl.BlockSpec((_BR, 128), lambda i: (i, 0)),
              pl.BlockSpec((_BR, 128), lambda i: (i, 0)),
              pl.BlockSpec((1, 128), lambda i: (0, 0)),
              pl.BlockSpec((128, 128), lambda i: (0, 0))],
    out_specs=pl.BlockSpec((_BR, 128), lambda i: (i, 0)),
    out_shape=jax.ShapeDtypeStruct((PR, 128), jnp.float32),
)

_tc_final = pl.pallas_call(
    _tc_final_body,
    grid=(_GRID,),
    in_specs=[pl.BlockSpec((NC, _BR, 128), lambda i: (0, i, 0)),
              pl.BlockSpec((_BR, 128), lambda i: (i, 0)),
              pl.BlockSpec((_BR, 128), lambda i: (i, 0)),
              pl.BlockSpec((1, 128), lambda i: (0, 0)),
              pl.BlockSpec((128, 128), lambda i: (0, 0))],
    out_specs=pl.BlockSpec((_BR, 128), lambda i: (i, 0)),
    out_shape=jax.ShapeDtypeStruct((PR, 128), jnp.float32),
)


@jax.jit
def kernel(x, edge_index, W1, b1, W2, b2):
    ei = edge_index.astype(jnp.int32)
    src2 = ei[0].reshape(EB, BLK)
    dst2 = ei[1].reshape(EB, BLK)
    xg = jnp.pad(x, ((0, NPAD - N), (0, 0))).reshape(PR, 8 * IN_DIM)
    eye8 = jnp.eye(8, dtype=jnp.float32)
    w1bd = jnp.kron(eye8, W1)
    w2p = jnp.zeros((HID, HID), jnp.float32).at[:, :7].set(W2)
    w2bd = jnp.kron(eye8, w2p)
    gsum = jnp.kron(eye8, jnp.ones((HID, HID), jnp.float32))
    b1t = jnp.tile(b1, 8).reshape(1, 128)
    b2p = jnp.zeros((HID,), jnp.float32).at[:7].set(b2)
    b2t = jnp.tile(b2p, 8).reshape(1, 128)
    z16 = jnp.zeros((RPT, HID), jnp.float32)

    deg16 = _make_sc_degree()(dst2).reshape(NC, PR, 128)
    g1p, dinvp = _tc_mm_prep(xg, w1bd, deg16)
    g1 = g1p.reshape(NPAD, HID)
    q = _make_sc_aggregate(HID)(g1, src2, dst2, z16)
    g2p = _tc_layer2(q.reshape(NC, PR, 128), g1p, dinvp, b1t, w2bd)
    r = _make_sc_aggregate(HID)(g2p.reshape(NPAD, HID), src2, dst2, z16)
    outp = _tc_final(r.reshape(NC, PR, 128), g2p, dinvp, b2t, gsum)
    return outp.reshape(NPAD, HID)[:N, :7]

# --- scband reference (transcript-rebuilt; emitter-appended) ---
"""Pipeline reference for scband-gcnmodel-2147483648540 (READ-ONLY COPY).

The authoritative reference and input builder live on the scoring server;
editing this copy changes nothing except your own understanding.
"""

import jax, jax.numpy as jnp
import numpy as np

N_NODES = 10000
N_EDGES = 320000
IN_DIM = 128
HID_DIM = 16
OUT_DIM = 7


def gcn_conv(x, src, dst, W, b, num_nodes):
    # PyG-style GCNConv: add self-loops, symmetric normalization, linear, aggregate, bias
    loop = jnp.arange(num_nodes, dtype=src.dtype)
    src_sl = jnp.concatenate([src, loop])
    dst_sl = jnp.concatenate([dst, loop])
    deg = jnp.zeros((num_nodes,), dtype=x.dtype).at[dst_sl].add(1.0)
    deg_inv_sqrt = jnp.where(deg > 0, jax.lax.rsqrt(deg), 0.0)
    norm = deg_inv_sqrt[src_sl] * deg_inv_sqrt[dst_sl]
    h = x @ W
    msg = jnp.take(h, src_sl, axis=0) * norm[:, None]
    out = jax.ops.segment_sum(msg, dst_sl, num_segments=num_nodes)
    return out + b


def setup_inputs(seed: int = 0) -> dict:
    key = jax.random.key(seed)
    k1, k2, k3, k4, k5, k6 = jax.random.split(key, 6)
    x = jax.random.normal(k1, (N_NODES, IN_DIM), dtype=jnp.float32)
    edge_index = jax.random.randint(k2, (2, N_EDGES), 0, N_NODES, dtype=jnp.int64)
    W1 = jax.random.normal(k3, (IN_DIM, HID_DIM), dtype=jnp.float32) * (1.0 / np.sqrt(IN_DIM))
    b1 = jnp.zeros((HID_DIM,), dtype=jnp.float32)
    W2 = jax.random.normal(k4, (HID_DIM, OUT_DIM), dtype=jnp.float32) * (1.0 / np.sqrt(HID_DIM))
    b2 = jnp.zeros((OUT_DIM,), dtype=jnp.float32)
    return {"x": x, "edge_index": edge_index, "W1": W1, "b1": b1, "W2": W2, "b2": b2}


def reference(x, edge_index, W1, b1, W2, b2):
    num_nodes = x.shape[0]
    src = edge_index[0]
    dst = edge_index[1]
    h = gcn_conv(x, src, dst, W1, b1, num_nodes)
    h = jax.nn.relu(h)
    h = gcn_conv(h, src, dst, W2, b2, num_nodes)
    return jax.nn.log_softmax(h, axis=1)

if __name__ == "__main__":
    import jax
    _d = setup_inputs()
    print(jax.jit(kernel)(*tuple(_d.values())))

</pallas_src>

<mosaic_0001>
#map = affine_map<(d0, d1) -> (0, 0)>
#map1 = affine_map<(d0, d1) -> (0, 0, 0)>
module attributes {stable_mosaic.version = 14 : i64} {
  func.func @_sc_aggregate_body(%arg0: i32, %arg1: i32, %arg2: memref<10240x16xf32, #tpu.memory_space<hbm>>, %arg3: memref<2500x128xi32, #tpu.memory_space<hbm>>, %arg4: memref<2500x128xi32, #tpu.memory_space<hbm>>, %arg5: memref<640x16xf32, #tpu.memory_space<hbm>>, %arg6: memref<2x10240x16xf32, #tpu.memory_space<hbm>>, %arg7: memref<120x128xi32, #tpu.memory_space<vmem>>, %arg8: memref<120x128xi32, #tpu.memory_space<vmem>>, %arg9: memref<128x16xf32, #tpu.memory_space<vmem>>, %arg10: memref<128x16xf32, #tpu.memory_space<vmem>>, %arg11: memref<128x16xf32, #tpu.memory_space<vmem>>, %arg12: memref<128x16xf32, #tpu.memory_space<vmem>>, %arg13: memref<10240x16xf32, #tpu.memory_space<vmem_shared>>, %arg14: memref<!tpu.dma_semaphore, #tpu.memory_space<semaphore_mem>>, %arg15: memref<!tpu.dma_semaphore, #tpu.memory_space<semaphore_mem>>, %arg16: memref<!tpu.dma_semaphore, #tpu.memory_space<semaphore_mem>>, %arg17: memref<!tpu.dma_semaphore, #tpu.memory_space<semaphore_mem>>) attributes {dimension_semantics = [#tpu.dimension_semantics<core_parallel>, #tpu.dimension_semantics<subcore_parallel>], iteration_bounds = array<i64: 2, 16>, scalar_prefetch = 0 : i64, scratch_operands = 11 : i64, tpu.core_type = #tpu.core_type<sc_vector_subcore>, window_params = [{transform_indices = #map}, {transform_indices = #map}, {transform_indices = #map}, {transform_indices = #map}, {transform_indices = #map1}]} {
    %eq3A = arith.constant 0 : i32
    %eq3A_0 = arith.cmpi eq, %arg0, %eq3A : i32
    %mul3A = arith.constant 120 : i32
    %mul3A_1 = arith.muli %arg1, %mul3A : i32
    %mul3A_2 = arith.constant 36 : i32
    %mul3A_3 = arith.muli %arg1, %mul3A_2 : i32
    %add3A = arith.constant 1920 : i32
    %add3A_4 = arith.addi %add3A, %mul3A_3 : i32
    %select_n3A = arith.select %eq3A_0, %mul3A_1, %add3A_4 : i32
    %mul3A_5 = arith.constant 640 : i32
    %mul3A_6 = arith.muli %arg1, %mul3A_5 : i32
    "tpu.region"() ({
      %run_scoped3A = tpu.sem_alloc : memref<!tpu.dma_semaphore, #tpu.memory_space<semaphore_mem>>
      %dma_start3A = arith.constant 0 : i32
      %dma_start3A_23 = tpu.memref_slice %arg13[%mul3A_6, %dma_start3A] : memref<10240x16xf32, #tpu.memory_space<vmem_shared>> -> memref<640x16xf32, #tpu.memory_space<vmem_shared>>
      tpu.enqueue_dma source(%arg5 : memref<640x16xf32, #tpu.memory_space<hbm>>) target(%dma_start3A_23 : memref<640x16xf32, #tpu.memory_space<vmem_shared>>) target_semaphore(%run_scoped3A : memref<!tpu.dma_semaphore, #tpu.memory_space<semaphore_mem>>)
      %dma_wait3A = arith.constant 0 : i32
      %dma_wait3A_24 = tpu.memref_slice %arg13[%mul3A_6, %dma_wait3A] : memref<10240x16xf32, #tpu.memory_space<vmem_shared>> -> memref<640x16xf32, #tpu.memory_space<vmem_shared>>
      tpu.wait_dma2 semaphore(%run_scoped3A : memref<!tpu.dma_semaphore, #tpu.memory_space<semaphore_mem>>) src(%arg5 : memref<640x16xf32, #tpu.memory_space<hbm>>) dst(%dma_wait3A_24 : memref<640x16xf32, #tpu.memory_space<vmem_shared>>)
      tpu.yield
    }) : () -> ()
    %barrier3A = arith.constant 0 : index
    tpu.barrier barrier_id(%barrier3A)
    %eq3A_7 = arith.constant 1 : i32
    %eq3A_8 = arith.cmpi eq, %arg0, %eq3A_7 : i32
    %lt3A = arith.constant 4 : i32
    %lt3A_9 = arith.cmpi slt, %arg1, %lt3A : i32
    %and3A = arith.andi %eq3A_8, %lt3A_9 : i1
    %eq3A_10 = arith.constant 0 : i32
    %eq3A_11 = arith.cmpi eq, %arg0, %eq3A_10 : i32
    %convert_element_type3A = arith.extui %eq3A_11 : i1 to i32
    %cond3A = arith.constant 0 : i32
    %cond3A_12 = arith.cmpi ne, %convert_element_type3A, %cond3A : i32
    scf.if %cond3A_12 {
      "tpu.region"() ({
        %run_scoped3A = tpu.sem_alloc : memref<!tpu.dma_semaphore, #tpu.memory_space<semaphore_mem>>
        %dma_start3A = arith.constant 0 : i32
        %dma_start3A_56 = arith.constant 0 : i32
        %dma_start3A_57 = tpu.memref_slice %arg7[%dma_start3A, %dma_start3A_56] : memref<120x128xi32, #tpu.memory_space<vmem>> -> memref<120x128xi32, #tpu.memory_space<vmem>>
        %dma_start3A_58 = arith.constant 0 : i32
        %dma_start3A_59 = tpu.memref_slice %arg3[%select_n3A, %dma_start3A_58] : memref<2500x128xi32, #tpu.memory_space<hbm>> -> memref<120x128xi32, #tpu.memory_space<hbm>>
        %dma_start3A_60 = arith.constant 0 : i32
        %dma_start3A_61 = arith.constant 0 : i32
        %dma_start3A_62 = tpu.memref_slice %arg7[%dma_start3A_60, %dma_start3A_61] : memref<120x128xi32, #tpu.memory_space<vmem>> -> memref<120x128xi32, #tpu.memory_space<vmem>>
        %dma_start3A_63 = arith.constant 0 : i32
        %dma_start3A_64 = tpu.memref_slice %arg3[%select_n3A, %dma_start3A_63] : memref<2500x128xi32, #tpu.memory_space<hbm>> -> memref<120x128xi32, #tpu.memory_space<hbm>>
        tpu.enqueue_dma source(%dma_start3A_64 : memref<120x128xi32, #tpu.memory_space<hbm>>) target(%dma_start3A_62 : memref<120x128xi32, #tpu.memory_space<vmem>>) target_semaphore(%run_scoped3A : memref<!tpu.dma_semaphore, #tpu.memory_space<semaphore_mem>>)
        %dma_wait3A_65 = arith.constant 0 : i32
        %dma_wait3A_66 = arith.constant 0 : i32
        %dma_wait3A_67 = tpu.memref_slice %arg7[%dma_wait3A_65, %dma_wait3A_66] : memref<120x128xi32, #tpu.memory_space<vmem>> -> memref<120x128xi32, #tpu.memory_space<vmem>>
        %dma_wait3A_68 = arith.constant 0 : i32
        %dma_wait3A_69 = tpu.memref_slice %arg3[%select_n3A, %dma_wait3A_68] : memref<2500x128xi32, #tpu.memory_space<hbm>> -> memref<120x128xi32, #tpu.memory_space<hbm>>
        %dma_wait3A_70 = arith.constant 0 : i32
        %dma_wait3A_71 = arith.constant 0 : i32
        %dma_wait3A_72 = tpu.memref_slice %arg7[%dma_wait3A_70, %dma_wait3A_71] : memref<120x128xi32, #tpu.memory_space<vmem>> -> memref<120x128xi32, #tpu.memory_space<vmem>>
        %dma_wait3A_73 = arith.constant 0 : i32
        %dma_wait3A_74 = tpu.memref_slice %arg3[%select_n3A, %dma_wait3A_73] : memref<2500x128xi32, #tpu.memory_space<hbm>> -> memref<120x128xi32, #tpu.memory_space<hbm>>
        tpu.wait_dma2 semaphore(%run_scoped3A : memref<!tpu.dma_semaphore, #tpu.memory_space<semaphore_mem>>) src(%dma_wait3A_74 : memref<120x128xi32, #tpu.memory_space<hbm>>) dst(%dma_wait3A_72 : memref<120x128xi32, #tpu.memory_space<vmem>>)
        tpu.yield
      }) : () -> ()
      "tpu.region"() ({
        %run_scoped3A = tpu.sem_alloc : memref<!tpu.dma_semaphore, #tpu.memory_space<semaphore_mem>>
        %dma_start3A = arith.constant 0 : i32
        %dma_start3A_56 = arith.constant 0 : i32
        %dma_start3A_57 = tpu.memref_slice %arg8[%dma_start3A, %dma_start3A_56] : memref<120x128xi32, #tpu.memory_space<vmem>> -> memref<120x128xi32, #tpu.memory_space<vmem>>
        %dma_start3A_58 = arith.constant 0 : i32
        %dma_start3A_59 = tpu.memref_slice %arg4[%select_n3A, %dma_start3A_58] : memref<2500x128xi32, #tpu.memory_space<hbm>> -> memref<120x128xi32, #tpu.memory_space<hbm>>
        %dma_start3A_60 = arith.constant 0 : i32
        %dma_start3A_61 = arith.constant 0 : i32
        %dma_start3A_62 = tpu.memref_slice %arg8[%dma_start3A_60, %dma_start3A_61] : memref<120x128xi32, #tpu.memory_space<vmem>> -> memref<120x128xi32, #tpu.memory_space<vmem>>
        %dma_start3A_63 = arith.constant 0 : i32
        %dma_start3A_64 = tpu.memref_slice %arg4[%select_n3A, %dma_start3A_63] : memref<2500x128xi32, #tpu.memory_space<hbm>> -> memref<120x128xi32, #tpu.memory_space<hbm>>
        tpu.enqueue_dma source(%dma_start3A_64 : memref<120x128xi32, #tpu.memory_space<hbm>>) target(%dma_start3A_62 : memref<120x128xi32, #tpu.memory_space<vmem>>) target_semaphore(%run_scoped3A : memref<!tpu.dma_semaphore, #tpu.memory_space<semaphore_mem>>)
        %dma_wait3A_65 = arith.constant 0 : i32
        %dma_wait3A_66 = arith.constant 0 : i32
        %dma_wait3A_67 = tpu.memref_slice %arg8[%dma_wait3A_65, %dma_wait3A_66] : memref<120x128xi32, #tpu.memory_space<vmem>> -> memref<120x128xi32, #tpu.memory_space<vmem>>
        %dma_wait3A_68 = arith.constant 0 : i32
        %dma_wait3A_69 = tpu.memref_slice %arg4[%select_n3A, %dma_wait3A_68] : memref<2500x128xi32, #tpu.memory_space<hbm>> -> memref<120x128xi32, #tpu.memory_space<hbm>>
        %dma_wait3A_70 = arith.constant 0 : i32
        %dma_wait3A_71 = arith.constant 0 : i32
        %dma_wait3A_72 = tpu.memref_slice %arg8[%dma_wait3A_70, %dma_wait3A_71] : memref<120x128xi32, #tpu.memory_space<vmem>> -> memref<120x128xi32, #tpu.memory_space<vmem>>
        %dma_wait3A_73 = arith.constant 0 : i32
        %dma_wait3A_74 = tpu.memref_slice %arg4[%select_n3A, %dma_wait3A_73] : memref<2500x128xi32, #tpu.memory_space<hbm>> -> memref<120x128xi32, #tpu.memory_space<hbm>>
        tpu.wait_dma2 semaphore(%run_scoped3A : memref<!tpu.dma_semaphore, #tpu.memory_space<semaphore_mem>>) src(%dma_wait3A_74 : memref<120x128xi32, #tpu.memory_space<hbm>>) dst(%dma_wait3A_72 : memref<120x128xi32, #tpu.memory_space<vmem>>)
        tpu.yield
      }) : () -> ()
      %scan3A = arith.constant 0 : i32
      %scan3A_23 = arith.constant 0 : i32
      %scan3A_24 = arith.constant 30 : i32
      %scan3A_25 = arith.addi %scan3A_23, %scan3A_24 : i32
      %scan3A_26 = arith.constant 1 : i32
      %scan3A_27 = scf.for %scan3A_56 = %scan3A_23 to %scan3A_25 step %scan3A_26 iter_args(%scan3A_57 = %scan3A) -> (i32)  : i32 {
        %mul3A_58 = arith.constant 4 : i32
        %mul3A_59 = arith.muli %scan3A_56, %mul3A_58 : i32
        %add3A_60 = arith.constant 0 : i32
        %add3A_61 = arith.addi %mul3A_59, %add3A_60 : i32
        %gt3A = arith.constant 0 : i32
        %gt3A_62 = arith.cmpi sgt, %scan3A_56, %gt3A : i32
        %convert_element_type3A_63 = arith.extui %gt3A_62 : i1 to i32
        %cond3A_64 = arith.constant 0 : i32
        %cond3A_65 = arith.cmpi ne, %convert_element_type3A_63, %cond3A_64 : i32
        scf.if %cond3A_65 {
          %sub3A = arith.constant 4 : i32
          %sub3A_181 = arith.subi %add3A_61, %sub3A : i32
          %dma_wait3A_182 = arith.constant 0 : i32
          %dma_wait3A_183 = tpu.memref_slice %arg8[%sub3A_181, %dma_wait3A_182] : memref<120x128xi32, #tpu.memory_space<vmem>> -> memref<1x128xi32, #tpu.memory_space<vmem>>
          %dma_wait3A_184 = tpu.memref_squeeze %dma_wait3A_183 : memref<1x128xi32, #tpu.memory_space<vmem>> -> memref<128xi32, #tpu.memory_space<vmem>>
          %dma_wait3A_185 = arith.constant 0 : i32
          %dma_wait3A_186 = arith.constant 0 : i32
          %dma_wait3A_187 = tpu.memref_slice %arg13[%dma_wait3A_185, %dma_wait3A_186] : memref<10240x16xf32, #tpu.memory_space<vmem_shared>> -> memref<10240x16xf32, #tpu.memory_space<vmem_shared>>
          tpu.wait_indirect_dma semaphore(%arg14 : memref<!tpu.dma_semaphore, #tpu.memory_space<semaphore_mem>>) src(%arg9 : memref<128x16xf32, #tpu.memory_space<vmem>>) dst(%dma_wait3A_187 : memref<10240x16xf32, #tpu.memory_space<vmem_shared>>)
        } else {
        }
        %dma_start3A = arith.constant 0 : i32
        %dma_start3A_66 = tpu.memref_slice %arg7[%add3A_61, %dma_start3A] : memref<120x128xi32, #tpu.memory_space<vmem>> -> memref<1x128xi32, #tpu.memory_space<vmem>>
        %dma_start3A_67 = tpu.memref_squeeze %dma_start3A_66 : memref<1x128xi32, #tpu.memory_space<vmem>> -> memref<128xi32, #tpu.memory_space<vmem>>
        %dma_start3A_68 = arith.constant 0 : i32
        %dma_start3A_69 = arith.constant 0 : i32
        %dma_start3A_70 = tpu.memref_slice %arg2[%dma_start3A_68, %dma_start3A_69] : memref<10240x16xf32, #tpu.memory_space<hbm>> -> memref<10240x16xf32, #tpu.memory_space<hbm>>
        tpu.enqueue_indirect_dma source(%dma_start3A_70 : memref<10240x16xf32, #tpu.memory_space<hbm>>) target(%arg9 : memref<128x16xf32, #tpu.memory_space<vmem>>) offsets(%dma_start3A_67 : memref<128xi32, #tpu.memory_space<vmem>>) semaphore(%arg14 : memref<!tpu.dma_semaphore, #tpu.memory_space<semaphore_mem>>)
        %mul3A_71 = arith.constant 4 : i32
        %mul3A_72 = arith.muli %scan3A_56, %mul3A_71 : i32
        %add3A_73 = arith.constant 1 : i32
        %add3A_74 = arith.addi %mul3A_72, %add3A_73 : i32
        %gt3A_75 = arith.constant 0 : i32
        %gt3A_76 = arith.cmpi sgt, %scan3A_56, %gt3A_75 : i32
        %convert_element_type3A_77 = arith.extui %gt3A_76 : i1 to i32
        %cond3A_78 = arith.constant 0 : i32
        %cond3A_79 = arith.cmpi ne, %convert_element_type3A_77, %cond3A_78 : i32
        scf.if %cond3A_79 {
          %sub3A = arith.constant 4 : i32
          %sub3A_181 = arith.subi %add3A_74, %sub3A : i32
          %dma_wait3A_182 = arith.constant 0 : i32
          %dma_wait3A_183 = tpu.memref_slice %arg8[%sub3A_181, %dma_wait3A_182] : memref<120x128xi32, #tpu.memory_space<vmem>> -> memref<1x128xi32, #tpu.memory_space<vmem>>
          %dma_wait3A_184 = tpu.memref_squeeze %dma_wait3A_183 : memref<1x128xi32, #tpu.memory_space<vmem>> -> memref<128xi32, #tpu.memory_space<vmem>>
          %dma_wait3A_185 = arith.constant 0 : i32
          %dma_wait3A_186 = arith.constant 0 : i32
          %dma_wait3A_187 = tpu.memref_slice %arg13[%dma_wait3A_185, %dma_wait3A_186] : memref<10240x16xf32, #tpu.memory_space<vmem_shared>> -> memref<10240x16xf32, #tpu.memory_space<vmem_shared>>
          tpu.wait_indirect_dma semaphore(%arg15 : memref<!tpu.dma_semaphore, #tpu.memory_space<semaphore_mem>>) src(%arg10 : memref<128x16xf32, #tpu.memory_space<vmem>>) dst(%dma_wait3A_187 : memref<10240x16xf32, #tpu.memory_space<vmem_shared>>)
        } else {
        }
        %dma_start3A_80 = arith.constant 0 : i32
        %dma_start3A_81 = tpu.memref_slice %arg7[%add3A_74, %dma_start3A_80] : memref<120x128xi32, #tpu.memory_space<vmem>> -> memref<1x128xi32, #tpu.memory_space<vmem>>
        %dma_start3A_82 = tpu.memref_squeeze %dma_start3A_81 : memref<1x128xi32, #tpu.memory_space<vmem>> -> memref<128xi32, #tpu.memory_space<vmem>>
        %dma_start3A_83 = arith.constant 0 : i32
        %dma_start3A_84 = arith.constant 0 : i32
        %dma_start3A_85 = tpu.memref_slice %arg2[%dma_start3A_83, %dma_start3A_84] : memref<10240x16xf32, #tpu.memory_space<hbm>> -> memref<10240x16xf32, #tpu.memory_space<hbm>>
        tpu.enqueue_indirect_dma source(%dma_start3A_85 : memref<10240x16xf32, #tpu.memory_space<hbm>>) target(%arg10 : memref<128x16xf32, #tpu.memory_space<vmem>>) offsets(%dma_start3A_82 : memref<128xi32, #tpu.memory_space<vmem>>) semaphore(%arg15 : memref<!tpu.dma_semaphore, #tpu.memory_space<semaphore_mem>>)
        %mul3A_86 = arith.constant 4 : i32
        %mul3A_87 = arith.muli %scan3A_56, %mul3A_86 : i32
        %add3A_88 = arith.constant 2 : i32
        %add3A_89 = arith.addi %mul3A_87, %add3A_88 : i32
        %gt3A_90 = arith.constant 0 : i32
        %gt3A_91 = arith.cmpi sgt, %scan3A_56, %gt3A_90 : i32
        %convert_element_type3A_92 = arith.extui %gt3A_91 : i1 to i32
        %cond3A_93 = arith.constant 0 : i32
        %cond3A_94 = arith.cmpi ne, %convert_element_type3A_92, %cond3A_93 : i32
        scf.if %cond3A_94 {
          %sub3A = arith.constant 4 : i32
          %sub3A_181 = arith.subi %add3A_89, %sub3A : i32
          %dma_wait3A_182 = arith.constant 0 : i32
          %dma_wait3A_183 = tpu.memref_slice %arg8[%sub3A_181, %dma_wait3A_182] : memref<120x128xi32, #tpu.memory_space<vmem>> -> memref<1x128xi32, #tpu.memory_space<vmem>>
          %dma_wait3A_184 = tpu.memref_squeeze %dma_wait3A_183 : memref<1x128xi32, #tpu.memory_space<vmem>> -> memref<128xi32, #tpu.memory_space<vmem>>
          %dma_wait3A_185 = arith.constant 0 : i32
          %dma_wait3A_186 = arith.constant 0 : i32
          %dma_wait3A_187 = tpu.memref_slice %arg13[%dma_wait3A_185, %dma_wait3A_186] : memref<10240x16xf32, #tpu.memory_space<vmem_shared>> -> memref<10240x16xf32, #tpu.memory_space<vmem_shared>>
          tpu.wait_indirect_dma semaphore(%arg16 : memref<!tpu.dma_semaphore, #tpu.memory_space<semaphore_mem>>) src(%arg11 : memref<128x16xf32, #tpu.memory_space<vmem>>) dst(%dma_wait3A_187 : memref<10240x16xf32, #tpu.memory_space<vmem_shared>>)
        } else {
        }
        %dma_start3A_95 = arith.constant 0 : i32
        %dma_start3A_96 = tpu.memref_slice %arg7[%add3A_89, %dma_start3A_95] : memref<120x128xi32, #tpu.memory_space<vmem>> -> memref<1x128xi32, #tpu.memory_space<vmem>>
        %dma_start3A_97 = tpu.memref_squeeze %dma_start3A_96 : memref<1x128xi32, #tpu.memory_space<vmem>> -> memref<128xi32, #tpu.memory_space<vmem>>
        %dma_start3A_98 = arith.constant 0 : i32
        %dma_start3A_99 = arith.constant 0 : i32
        %dma_start3A_100 = tpu.memref_slice %arg2[%dma_start3A_98, %dma_start3A_99] : memref<10240x16xf32, #tpu.memory_space<hbm>> -> memref<10240x16xf32, #tpu.memory_space<hbm>>
        tpu.enqueue_indirect_dma source(%dma_start3A_100 : memref<10240x16xf32, #tpu.memory_space<hbm>>) target(%arg11 : memref<128x16xf32, #tpu.memory_space<vmem>>) offsets(%dma_start3A_97 : memref<128xi32, #tpu.memory_space<vmem>>) semaphore(%arg16 : memref<!tpu.dma_semaphore, #tpu.memory_space<semaphore_mem>>)
        %mul3A_101 = arith.constant 4 : i32
        %mul3A_102 = arith.muli %scan3A_56, %mul3A_101 : i32
        %add3A_103 = arith.constant 3 : i32
        %add3A_104 = arith.addi %mul3A_102, %add3A_103 : i32
        %gt3A_105 = arith.constant 0 : i32
        %gt3A_106 = arith.cmpi sgt, %scan3A_56, %gt3A_105 : i32
        %convert_element_type3A_107 = arith.extui %gt3A_106 : i1 to i32
        %cond3A_108 = arith.constant 0 : i32
        %cond3A_109 = arith.cmpi ne, %convert_element_type3A_107, %cond3A_108 : i32
        scf.if %cond3A_109 {
          %sub3A = arith.constant 4 : i32
          %sub3A_181 = arith.subi %add3A_104, %sub3A : i32
          %dma_wait3A_182 = arith.constant 0 : i32
          %dma_wait3A_183 = tpu.memref_slice %arg8[%sub3A_181, %dma_wait3A_182] : memref<120x128xi32, #tpu.memory_space<vmem>> -> memref<1x128xi32, #tpu.memory_space<vmem>>
          %dma_wait3A_184 = tpu.memref_squeeze %dma_wait3A_183 : memref<1x128xi32, #tpu.memory_space<vmem>> -> memref<128xi32, #tpu.memory_space<vmem>>
          %dma_wait3A_185 = arith.constant 0 : i32
          %dma_wait3A_186 = arith.constant 0 : i32
          %dma_wait3A_187 = tpu.memref_slice %arg13[%dma_wait3A_185, %dma_wait3A_186] : memref<10240x16xf32, #tpu.memory_space<vmem_shared>> -> memref<10240x16xf32, #tpu.memory_space<vmem_shared>>
          tpu.wait_indirect_dma semaphore(%arg17 : memref<!tpu.dma_semaphore, #tpu.memory_space<semaphore_mem>>) src(%arg12 : memref<128x16xf32, #tpu.memory_space<vmem>>) dst(%dma_wait3A_187 : memref<10240x16xf32, #tpu.memory_space<vmem_shared>>)
        } else {
        }
        %dma_start3A_110 = arith.constant 0 : i32
        %dma_start3A_111 = tpu.memref_slice %arg7[%add3A_104, %dma_start3A_110] : memref<120x128xi32, #tpu.memory_space<vmem>> -> memref<1x128xi32, #tpu.memory_space<vmem>>
        %dma_start3A_112 = tpu.memref_squeeze %dma_start3A_111 : memref<1x128xi32, #tpu.memory_space<vmem>> -> memref<128xi32, #tpu.memory_space<vmem>>
        %dma_start3A_113 = arith.constant 0 : i32
        %dma_start3A_114 = arith.constant 0 : i32
        %dma_start3A_115 = tpu.memref_slice %arg2[%dma_start3A_113, %dma_start3A_114] : memref<10240x16xf32, #tpu.memory_space<hbm>> -> memref<10240x16xf32, #tpu.memory_space<hbm>>
        tpu.enqueue_indirect_dma source(%dma_start3A_115 : memref<10240x16xf32, #tpu.memory_space<hbm>>) target(%arg12 : memref<128x16xf32, #tpu.memory_space<vmem>>) offsets(%dma_start3A_112 : memref<128xi32, #tpu.memory_space<vmem>>) semaphore(%arg17 : memref<!tpu.dma_semaphore, #tpu.memory_space<semaphore_mem>>)
        %mul3A_116 = arith.constant 4 : i32
        %mul3A_117 = arith.muli %scan3A_56, %mul3A_116 : i32
        %add3A_118 = arith.constant 0 : i32
        %add3A_119 = arith.addi %mul3A_117, %add3A_118 : i32
        %dma_wait3A_120 = arith.constant 0 : i32
        %dma_wait3A_121 = tpu.memref_slice %arg7[%add3A_119, %dma_wait3A_120] : memref<120x128xi32, #tpu.memory_space<vmem>> -> memref<1x128xi32, #tpu.memory_space<vmem>>
        %dma_wait3A_122 = tpu.memref_squeeze %dma_wait3A_121 : memref<1x128xi32, #tpu.memory_space<vmem>> -> memref<128xi32, #tpu.memory_space<vmem>>
        %dma_wait3A_123 = arith.constant 0 : i32
        %dma_wait3A_124 = arith.constant 0 : i32
        %dma_wait3A_125 = tpu.memref_slice %arg2[%dma_wait3A_123, %dma_wait3A_124] : memref<10240x16xf32, #tpu.memory_space<hbm>> -> memref<10240x16xf32, #tpu.memory_space<hbm>>
        tpu.wait_indirect_dma semaphore(%arg14 : memref<!tpu.dma_semaphore, #tpu.memory_space<semaphore_mem>>) src(%dma_wait3A_125 : memref<10240x16xf32, #tpu.memory_space<hbm>>) dst(%arg9 : memref<128x16xf32, #tpu.memory_space<vmem>>)
        %dma_start3A_126 = arith.constant 0 : i32
        %dma_start3A_127 = tpu.memref_slice %arg8[%add3A_119, %dma_start3A_126] : memref<120x128xi32, #tpu.memory_space<vmem>> -> memref<1x128xi32, #tpu.memory_space<vmem>>
        %dma_start3A_128 = tpu.memref_squeeze %dma_start3A_127 : memref<1x128xi32, #tpu.memory_space<vmem>> -> memref<128xi32, #tpu.memory_space<vmem>>
        %dma_start3A_129 = arith.constant 0 : i32
        %dma_start3A_130 = arith.constant 0 : i32
        %dma_start3A_131 = tpu.memref_slice %arg13[%dma_start3A_129, %dma_start3A_130] : memref<10240x16xf32, #tpu.memory_space<vmem_shared>> -> memref<10240x16xf32, #tpu.memory_space<vmem_shared>>
        tpu.enqueue_indirect_dma source(%arg9 : memref<128x16xf32, #tpu.memory_space<vmem>>) target(%dma_start3A_131 : memref<10240x16xf32, #tpu.memory_space<vmem_shared>>) offsets(%dma_start3A_128 : memref<128xi32, #tpu.memory_space<vmem>>) semaphore(%arg14 : memref<!tpu.dma_semaphore, #tpu.memory_space<semaphore_mem>>) {add = true}
        %mul3A_132 = arith.constant 4 : i32
        %mul3A_133 = arith.muli %scan3A_56, %mul3A_132 : i32
        %add3A_134 = arith.constant 1 : i32
        %add3A_135 = arith.addi %mul3A_133, %add3A_134 : i32
        %dma_wait3A_136 = arith.constant 0 : i32
        %dma_wait3A_137 = tpu.memref_slice %arg7[%add3A_135, %dma_wait3A_136] : memref<120x128xi32, #tpu.memory_space<vmem>> -> memref<1x128xi32, #tpu.memory_space<vmem>>
        %dma_wait3A_138 = tpu.memref_squeeze %dma_wait3A_137 : memref<1x128xi32, #tpu.memory_space<vmem>> -> memref<128xi32, #tpu.memory_space<vmem>>
        %dma_wait3A_139 = arith.constant 0 : i32
        %dma_wait3A_140 = arith.constant 0 : i32
        %dma_wait3A_141 = tpu.memref_slice %arg2[%dma_wait3A_139, %dma_wait3A_140] : memref<10240x16xf32, #tpu.memory_space<hbm>> -> memref<10240x16xf32, #tpu.memory_space<hbm>>
        tpu.wait_indirect_dma semaphore(%arg15 : memref<!tpu.dma_semaphore, #tpu.memory_space<semaphore_mem>>) src(%dma_wait3A_141 : memref<10240x16xf32, #tpu.memory_space<hbm>>) dst(%arg10 : memref<128x16xf32, #tpu.memory_space<vmem>>)
        %dma_start3A_142 = arith.constant 0 : i32
        %dma_start3A_143 = tpu.memref_slice %arg8[%add3A_135, %dma_start3A_142] : memref<120x128xi32, #tpu.memory_space<vmem>> -> memref<1x128xi32, #tpu.memory_space<vmem>>
        %dma_start3A_144 = tpu.memref_squeeze %dma_start3A_143 : memref<1x128xi32, #tpu.memory_space<vmem>> -> memref<128xi32, #tpu.memory_space<vmem>>
        %dma_start3A_145 = arith.constant 0 : i32
        %dma_start3A_146 = arith.constant 0 : i32
        %dma_start3A_147 = tpu.memref_slice %arg13[%dma_start3A_145, %dma_start3A_146] : memref<10240x16xf32, #tpu.memory_space<vmem_shared>> -> memref<10240x16xf32, #tpu.memory_space<vmem_shared>>
        tpu.enqueue_indirect_dma source(%arg10 : memref<128x16xf32, #tpu.memory_space<vmem>>) target(%dma_start3A_147 : memref<10240x16xf32, #tpu.memory_space<vmem_shared>>) offsets(%dma_start3A_144 : memref<128xi32, #tpu.memory_space<vmem>>) semaphore(%arg15 : memref<!tpu.dma_semaphore, #tpu.memory_space<semaphore_mem>>) {add = true}
        %mul3A_148 = arith.constant 4 : i32
        %mul3A_149 = arith.muli %scan3A_56, %mul3A_148 : i32
        %add3A_150 = arith.constant 2 : i32
        %add3A_151 = arith.addi %mul3A_149, %add3A_150 : i32
        %dma_wait3A_152 = arith.constant 0 : i32
        %dma_wait3A_153 = tpu.memref_slice %arg7[%add3A_151, %dma_wait3A_152] : memref<120x128xi32, #tpu.memory_space<vmem>> -> memref<1x128xi32, #tpu.memory_space<vmem>>
        %dma_wait3A_154 = tpu.memref_squeeze %dma_wait3A_153 : memref<1x128xi32, #tpu.memory_space<vmem>> -> memref<128xi32, #tpu.memory_space<vmem>>
        %dma_wait3A_155 = arith.constant 0 : i32
        %dma_wait3A_156 = arith.constant 0 : i32
        %dma_wait3A_157 = tpu.memref_slice %arg2[%dma_wait3A_155, %dma_wait3A_156] : memref<10240x16xf32, #tpu.memory_space<hbm>> -> memref<10240x16xf32, #tpu.memory_space<hbm>>
        tpu.wait_indirect_dma semaphore(%arg16 : memref<!tpu.dma_semaphore, #tpu.memory_space<semaphore_mem>>) src(%dma_wait3A_157 : memref<10240x16xf32, #tpu.memory_space<hbm>>) dst(%arg11 : memref<128x16xf32, #tpu.memory_space<vmem>>)
        %dma_start3A_158 = arith.constant 0 : i32
        %dma_start3A_159 = tpu.memref_slice %arg8[%add3A_151, %dma_start3A_158] : memref<120x128xi32, #tpu.memory_space<vmem>> -> memref<1x128xi32, #tpu.memory_space<vmem>>
        %dma_start3A_160 = tpu.memref_squeeze %dma_start3A_159 : memref<1x128xi32, #tpu.memory_space<vmem>> -> memref<128xi32, #tpu.memory_space<vmem>>
        %dma_start3A_161 = arith.constant 0 : i32
        %dma_start3A_162 = arith.constant 0 : i32
        %dma_start3A_163 = tpu.memref_slice %arg13[%dma_start3A_161, %dma_start3A_162] : memref<10240x16xf32, #tpu.memory_space<vmem_shared>> -> memref<10240x16xf32, #tpu.memory_space<vmem_shared>>
        tpu.enqueue_indirect_dma source(%arg11 : memref<128x16xf32, #tpu.memory_space<vmem>>) target(%dma_start3A_163 : memref<10240x16xf32, #tpu.memory_space<vmem_shared>>) offsets(%dma_start3A_160 : memref<128xi32, #tpu.memory_space<vmem>>) semaphore(%arg16 : memref<!tpu.dma_semaphore, #tpu.memory_space<semaphore_mem>>) {add = true}
        %mul3A_164 = arith.constant 4 : i32
        %mul3A_165 = arith.muli %scan3A_56, %mul3A_164 : i32
        %add3A_166 = arith.constant 3 : i32
        %add3A_167 = arith.addi %mul3A_165, %add3A_166 : i32
        %dma_wait3A_168 = arith.constant 0 : i32
        %dma_wait3A_169 = tpu.memref_slice %arg7[%add3A_167, %dma_wait3A_168] : memref<120x128xi32, #tpu.memory_space<vmem>> -> memref<1x128xi32, #tpu.memory_space<vmem>>
        %dma_wait3A_170 = tpu.memref_squeeze %dma_wait3A_169 : memref<1x128xi32, #tpu.memory_space<vmem>> -> memref<128xi32, #tpu.memory_space<vmem>>
        %dma_wait3A_171 = arith.constant 0 : i32
        %dma_wait3A_172 = arith.constant 0 : i32
        %dma_wait3A_173 = tpu.memref_slice %arg2[%dma_wait3A_171, %dma_wait3A_172] : memref<10240x16xf32, #tpu.memory_space<hbm>> -> memref<10240x16xf32, #tpu.memory_space<hbm>>
        tpu.wait_indirect_dma semaphore(%arg17 : memref<!tpu.dma_semaphore, #tpu.memory_space<semaphore_mem>>) src(%dma_wait3A_173 : memref<10240x16xf32, #tpu.memory_space<hbm>>) dst(%arg12 : memref<128x16xf32, #tpu.memory_space<vmem>>)
        %dma_start3A_174 = arith.constant 0 : i32
        %dma_start3A_175 = tpu.memref_slice %arg8[%add3A_167, %dma_start3A_174] : memref<120x128xi32, #tpu.memory_space<vmem>> -> memref<1x128xi32, #tpu.memory_space<vmem>>
        %dma_start3A_176 = tpu.memref_squeeze %dma_start3A_175 : memref<1x128xi32, #tpu.memory_space<vmem>> -> memref<128xi32, #tpu.memory_space<vmem>>
        %dma_start3A_177 = arith.constant 0 : i32
        %dma_start3A_178 = arith.constant 0 : i32
        %dma_start3A_179 = tpu.memref_slice %arg13[%dma_start3A_177, %dma_start3A_178] : memref<10240x16xf32, #tpu.memory_space<vmem_shared>> -> memref<10240x16xf32, #tpu.memory_space<vmem_shared>>
        tpu.enqueue_indirect_dma source(%arg12 : memref<128x16xf32, #tpu.memory_space<vmem>>) target(%dma_start3A_179 : memref<10240x16xf32, #tpu.memory_space<vmem_shared>>) offsets(%dma_start3A_176 : memref<128xi32, #tpu.memory_space<vmem>>) semaphore(%arg17 : memref<!tpu.dma_semaphore, #tpu.memory_space<semaphore_mem>>) {add = true}
        %scan3A_180 = arith.constant 0 : i32
        scf.yield %scan3A_180 : i32
      }
      %scan3A_28 = arith.constant 30 : i32
      %dma_wait3A = arith.constant 116 : i32
      %dma_wait3A_29 = arith.constant 0 : i32
      %dma_wait3A_30 = tpu.memref_slice %arg8[%dma_wait3A, %dma_wait3A_29] : memref<120x128xi32, #tpu.memory_space<vmem>> -> memref<1x128xi32, #tpu.memory_space<vmem>>
      %dma_wait3A_31 = tpu.memref_squeeze %dma_wait3A_30 : memref<1x128xi32, #tpu.memory_space<vmem>> -> memref<128xi32, #tpu.memory_space<vmem>>
      %dma_wait3A_32 = arith.constant 0 : i32
      %dma_wait3A_33 = arith.constant 0 : i32
      %dma_wait3A_34 = tpu.memref_slice %arg13[%dma_wait3A_32, %dma_wait3A_33] : memref<10240x16xf32, #tpu.memory_space<vmem_shared>> -> memref<10240x16xf32, #tpu.memory_space<vmem_shared>>
      tpu.wait_indirect_dma semaphore(%arg14 : memref<!tpu.dma_semaphore, #tpu.memory_space<semaphore_mem>>) src(%arg9 : memref<128x16xf32, #tpu.memory_space<vmem>>) dst(%dma_wait3A_34 : memref<10240x16xf32, #tpu.memory_space<vmem_shared>>)
      %dma_wait3A_35 = arith.constant 117 : i32
      %dma_wait3A_36 = arith.constant 0 : i32
      %dma_wait3A_37 = tpu.memref_slice %arg8[%dma_wait3A_35, %dma_wait3A_36] : memref<120x128xi32, #tpu.memory_space<vmem>> -> memref<1x128xi32, #tpu.memory_space<vmem>>
      %dma_wait3A_38 = tpu.memref_squeeze %dma_wait3A_37 : memref<1x128xi32, #tpu.memory_space<vmem>> -> memref<128xi32, #tpu.memory_space<vmem>>
      %dma_wait3A_39 = arith.constant 0 : i32
      %dma_wait3A_40 = arith.constant 0 : i32
      %dma_wait3A_41 = tpu.memref_slice %arg13[%dma_wait3A_39, %dma_wait3A_40] : memref<10240x16xf32, #tpu.memory_space<vmem_shared>> -> memref<10240x16xf32, #tpu.memory_space<vmem_shared>>
      tpu.wait_indirect_dma semaphore(%arg15 : memref<!tpu.dma_semaphore, #tpu.memory_space<semaphore_mem>>) src(%arg10 : memref<128x16xf32, #tpu.memory_space<vmem>>) dst(%dma_wait3A_41 : memref<10240x16xf32, #tpu.memory_space<vmem_shared>>)
      %dma_wait3A_42 = arith.constant 118 : i32
      %dma_wait3A_43 = arith.constant 0 : i32
      %dma_wait3A_44 = tpu.memref_slice %arg8[%dma_wait3A_42, %dma_wait3A_43] : memref<120x128xi32, #tpu.memory_space<vmem>> -> memref<1x128xi32, #tpu.memory_space<vmem>>
      %dma_wait3A_45 = tpu.memref_squeeze %dma_wait3A_44 : memref<1x128xi32, #tpu.memory_space<vmem>> -> memref<128xi32, #tpu.memory_space<vmem>>
      %dma_wait3A_46 = arith.constant 0 : i32
      %dma_wait3A_47 = arith.constant 0 : i32
      %dma_wait3A_48 = tpu.memref_slice %arg13[%dma_wait3A_46, %dma_wait3A_47] : memref<10240x16xf32, #tpu.memory_space<vmem_shared>> -> memref<10240x16xf32, #tpu.memory_space<vmem_shared>>
      tpu.wait_indirect_dma semaphore(%arg16 : memref<!tpu.dma_semaphore, #tpu.memory_space<semaphore_mem>>) src(%arg11 : memref<128x16xf32, #tpu.memory_space<vmem>>) dst(%dma_wait3A_48 : memref<10240x16xf32, #tpu.memory_space<vmem_shared>>)
      %dma_wait3A_49 = arith.constant 119 : i32
      %dma_wait3A_50 = arith.constant 0 : i32
      %dma_wait3A_51 = tpu.memref_slice %arg8[%dma_wait3A_49, %dma_wait3A_50] : memref<120x128xi32, #tpu.memory_space<vmem>> -> memref<1x128xi32, #tpu.memory_space<vmem>>
      %dma_wait3A_52 = tpu.memref_squeeze %dma_wait3A_51 : memref<1x128xi32, #tpu.memory_space<vmem>> -> memref<128xi32, #tpu.memory_space<vmem>>
      %dma_wait3A_53 = arith.constant 0 : i32
      %dma_wait3A_54 = arith.constant 0 : i32
      %dma_wait3A_55 = tpu.memref_slice %arg13[%dma_wait3A_53, %dma_wait3A_54] : memref<10240x16xf32, #tpu.memory_space<vmem_shared>> -> memref<10240x16xf32, #tpu.memory_space<vmem_shared>>
      tpu.wait_indirect_dma semaphore(%arg17 : memref<!tpu.dma_semaphore, #tpu.memory_space<semaphore_mem>>) src(%arg12 : memref<128x16xf32, #tpu.memory_space<vmem>>) dst(%dma_wait3A_55 : memref<10240x16xf32, #tpu.memory_space<vmem_shared>>)
    } else {
    }
    %eq3A_13 = arith.constant 1 : i32
    %eq3A_14 = arith.cmpi eq, %arg0, %eq3A_13 : i32
    %convert_element_type3A_15 = arith.extui %eq3A_14 : i1 to i32
    %cond3A_16 = arith.constant 0 : i32
    %cond3A_17 = arith.cmpi ne, %convert_element_type3A_15, %cond3A_16 : i32
    scf.if %cond3A_17 {
      "tpu.region"() ({
        %run_scoped3A = tpu.sem_alloc : memref<!tpu.dma_semaphore, #tpu.memory_space<semaphore_mem>>
        %dma_start3A = arith.constant 0 : i32
        %dma_start3A_62 = arith.constant 0 : i32
        %dma_start3A_63 = tpu.memref_slice %arg7[%dma_start3A, %dma_start3A_62] : memref<120x128xi32, #tpu.memory_space<vmem>> -> memref<36x128xi32, #tpu.memory_space<vmem>>
        %dma_start3A_64 = arith.constant 0 : i32
        %dma_start3A_65 = tpu.memref_slice %arg3[%select_n3A, %dma_start3A_64] : memref<2500x128xi32, #tpu.memory_space<hbm>> -> memref<36x128xi32, #tpu.memory_space<hbm>>
        %dma_start3A_66 = arith.constant 0 : i32
        %dma_start3A_67 = arith.constant 0 : i32
        %dma_start3A_68 = tpu.memref_slice %arg7[%dma_start3A_66, %dma_start3A_67] : memref<120x128xi32, #tpu.memory_space<vmem>> -> memref<36x128xi32, #tpu.memory_space<vmem>>
        %dma_start3A_69 = arith.constant 0 : i32
        %dma_start3A_70 = tpu.memref_slice %arg3[%select_n3A, %dma_start3A_69] : memref<2500x128xi32, #tpu.memory_space<hbm>> -> memref<36x128xi32, #tpu.memory_space<hbm>>
        tpu.enqueue_dma source(%dma_start3A_70 : memref<36x128xi32, #tpu.memory_space<hbm>>) target(%dma_start3A_68 : memref<36x128xi32, #tpu.memory_space<vmem>>) target_semaphore(%run_scoped3A : memref<!tpu.dma_semaphore, #tpu.memory_space<semaphore_mem>>)
        %dma_wait3A_71 = arith.constant 0 : i32
        %dma_wait3A_72 = arith.constant 0 : i32
        %dma_wait3A_73 = tpu.memref_slice %arg7[%dma_wait3A_71, %dma_wait3A_72] : memref<120x128xi32, #tpu.memory_space<vmem>> -> memref<36x128xi32, #tpu.memory_space<vmem>>
        %dma_wait3A_74 = arith.constant 0 : i32
        %dma_wait3A_75 = tpu.memref_slice %arg3[%select_n3A, %dma_wait3A_74] : memref<2500x128xi32, #tpu.memory_space<hbm>> -> memref<36x128xi32, #tpu.memory_space<hbm>>
        %dma_wait3A_76 = arith.constant 0 : i32
        %dma_wait3A_77 = arith.constant 0 : i32
        %dma_wait3A_78 = tpu.memref_slice %arg7[%dma_wait3A_76, %dma_wait3A_77] : memref<120x128xi32, #tpu.memory_space<vmem>> -> memref<36x128xi32, #tpu.memory_space<vmem>>
        %dma_wait3A_79 = arith.constant 0 : i32
        %dma_wait3A_80 = tpu.memref_slice %arg3[%select_n3A, %dma_wait3A_79] : memref<2500x128xi32, #tpu.memory_space<hbm>> -> memref<36x128xi32, #tpu.memory_space<hbm>>
        tpu.wait_dma2 semaphore(%run_scoped3A : memref<!tpu.dma_semaphore, #tpu.memory_space<semaphore_mem>>) src(%dma_wait3A_80 : memref<36x128xi32, #tpu.memory_space<hbm>>) dst(%dma_wait3A_78 : memref<36x128xi32, #tpu.memory_space<vmem>>)
        tpu.yield
      }) : () -> ()
      "tpu.region"() ({
        %run_scoped3A = tpu.sem_alloc : memref<!tpu.dma_semaphore, #tpu.memory_space<semaphore_mem>>
        %dma_start3A = arith.constant 0 : i32
        %dma_start3A_62 = arith.constant 0 : i32
        %dma_start3A_63 = tpu.memref_slice %arg8[%dma_start3A, %dma_start3A_62] : memref<120x128xi32, #tpu.memory_space<vmem>> -> memref<36x128xi32, #tpu.memory_space<vmem>>
        %dma_start3A_64 = arith.constant 0 : i32
        %dma_start3A_65 = tpu.memref_slice %arg4[%select_n3A, %dma_start3A_64] : memref<2500x128xi32, #tpu.memory_space<hbm>> -> memref<36x128xi32, #tpu.memory_space<hbm>>
        %dma_start3A_66 = arith.constant 0 : i32
        %dma_start3A_67 = arith.constant 0 : i32
        %dma_start3A_68 = tpu.memref_slice %arg8[%dma_start3A_66, %dma_start3A_67] : memref<120x128xi32, #tpu.memory_space<vmem>> -> memref<36x128xi32, #tpu.memory_space<vmem>>
        %dma_start3A_69 = arith.constant 0 : i32
        %dma_start3A_70 = tpu.memref_slice %arg4[%select_n3A, %dma_start3A_69] : memref<2500x128xi32, #tpu.memory_space<hbm>> -> memref<36x128xi32, #tpu.memory_space<hbm>>
        tpu.enqueue_dma source(%dma_start3A_70 : memref<36x128xi32, #tpu.memory_space<hbm>>) target(%dma_start3A_68 : memref<36x128xi32, #tpu.memory_space<vmem>>) target_semaphore(%run_scoped3A : memref<!tpu.dma_semaphore, #tpu.memory_space<semaphore_mem>>)
        %dma_wait3A_71 = arith.constant 0 : i32
        %dma_wait3A_72 = arith.constant 0 : i32
        %dma_wait3A_73 = tpu.memref_slice %arg8[%dma_wait3A_71, %dma_wait3A_72] : memref<120x128xi32, #tpu.memory_space<vmem>> -> memref<36x128xi32, #tpu.memory_space<vmem>>
        %dma_wait3A_74 = arith.constant 0 : i32
        %dma_wait3A_75 = tpu.memref_slice %arg4[%select_n3A, %dma_wait3A_74] : memref<2500x128xi32, #tpu.memory_space<hbm>> -> memref<36x128xi32, #tpu.memory_space<hbm>>
        %dma_wait3A_76 = arith.constant 0 : i32
        %dma_wait3A_77 = arith.constant 0 : i32
        %dma_wait3A_78 = tpu.memref_slice %arg8[%dma_wait3A_76, %dma_wait3A_77] : memref<120x128xi32, #tpu.memory_space<vmem>> -> memref<36x128xi32, #tpu.memory_space<vmem>>
        %dma_wait3A_79 = arith.constant 0 : i32
        %dma_wait3A_80 = tpu.memref_slice %arg4[%select_n3A, %dma_wait3A_79] : memref<2500x128xi32, #tpu.memory_space<hbm>> -> memref<36x128xi32, #tpu.memory_space<hbm>>
        tpu.wait_dma2 semaphore(%run_scoped3A : memref<!tpu.dma_semaphore, #tpu.memory_space<semaphore_mem>>) src(%dma_wait3A_80 : memref<36x128xi32, #tpu.memory_space<hbm>>) dst(%dma_wait3A_78 : memref<36x128xi32, #tpu.memory_space<vmem>>)
        tpu.yield
      }) : () -> ()
      %convert_element_type3A_23 = arith.extui %and3A : i1 to i32
      %cond3A_24 = arith.constant 0 : i32
      %cond3A_25 = arith.cmpi ne, %convert_element_type3A_23, %cond3A_24 : i32
      scf.if %cond3A_25 {
        %add3A_62 = arith.constant 2496 : i32
        %add3A_63 = arith.addi %add3A_62, %arg1 : i32
        %run_scoped3A = arith.constant 36 : i32
        "tpu.region"() ({
          %run_scoped3A_67 = tpu.sem_alloc : memref<!tpu.dma_semaphore, #tpu.memory_space<semaphore_mem>>
          %dma_start3A = arith.constant 0 : i32
          %dma_start3A_68 = tpu.memref_slice %arg7[%run_scoped3A, %dma_start3A] : memref<120x128xi32, #tpu.memory_space<vmem>> -> memref<1x128xi32, #tpu.memory_space<vmem>>
          %dma_start3A_69 = tpu.memref_squeeze %dma_start3A_68 : memref<1x128xi32, #tpu.memory_space<vmem>> -> memref<128xi32, #tpu.memory_space<vmem>>
          %dma_start3A_70 = arith.constant 0 : i32
          %dma_start3A_71 = tpu.memref_slice %arg3[%add3A_63, %dma_start3A_70] : memref<2500x128xi32, #tpu.memory_space<hbm>> -> memref<1x128xi32, #tpu.memory_space<hbm>>
          %dma_start3A_72 = tpu.memref_squeeze %dma_start3A_71 : memref<1x128xi32, #tpu.memory_space<hbm>> -> memref<128xi32, #tpu.memory_space<hbm>>
          %dma_start3A_73 = arith.constant 0 : i32
          %dma_start3A_74 = tpu.memref_slice %arg7[%run_scoped3A, %dma_start3A_73] : memref<120x128xi32, #tpu.memory_space<vmem>> -> memref<1x128xi32, #tpu.memory_space<vmem>>
          %dma_start3A_75 = tpu.memref_squeeze %dma_start3A_74 : memref<1x128xi32, #tpu.memory_space<vmem>> -> memref<128xi32, #tpu.memory_space<vmem>>
          %dma_start3A_76 = arith.constant 0 : i32
          %dma_start3A_77 = tpu.memref_slice %arg3[%add3A_63, %dma_start3A_76] : memref<2500x128xi32, #tpu.memory_space<hbm>> -> memref<1x128xi32, #tpu.memory_space<hbm>>
          %dma_start3A_78 = tpu.memref_squeeze %dma_start3A_77 : memref<1x128xi32, #tpu.memory_space<hbm>> -> memref<128xi32, #tpu.memory_space<hbm>>
          tpu.enqueue_dma source(%dma_start3A_78 : memref<128xi32, #tpu.memory_space<hbm>>) target(%dma_start3A_75 : memref<128xi32, #tpu.memory_space<vmem>>) target_semaphore(%run_scoped3A_67 : memref<!tpu.dma_semaphore, #tpu.memory_space<semaphore_mem>>)
          %dma_wait3A_79 = arith.constant 0 : i32
          %dma_wait3A_80 = tpu.memref_slice %arg7[%run_scoped3A, %dma_wait3A_79] : memref<120x128xi32, #tpu.memory_space<vmem>> -> memref<1x128xi32, #tpu.memory_space<vmem>>
          %dma_wait3A_81 = tpu.memref_squeeze %dma_wait3A_80 : memref<1x128xi32, #tpu.memory_space<vmem>> -> memref<128xi32, #tpu.memory_space<vmem>>
          %dma_wait3A_82 = arith.constant 0 : i32
          %dma_wait3A_83 = tpu.memref_slice %arg3[%add3A_63, %dma_wait3A_82] : memref<2500x128xi32, #tpu.memory_space<hbm>> -> memref<1x128xi32, #tpu.memory_space<hbm>>
          %dma_wait3A_84 = tpu.memref_squeeze %dma_wait3A_83 : memref<1x128xi32, #tpu.memory_space<hbm>> -> memref<128xi32, #tpu.memory_space<hbm>>
          %dma_wait3A_85 = arith.constant 0 : i32
          %dma_wait3A_86 = tpu.memref_slice %arg7[%run_scoped3A, %dma_wait3A_85] : memref<120x128xi32, #tpu.memory_space<vmem>> -> memref<1x128xi32, #tpu.memory_space<vmem>>
          %dma_wait3A_87 = tpu.memref_squeeze %dma_wait3A_86 : memref<1x128xi32, #tpu.memory_space<vmem>> -> memref<128xi32, #tpu.memory_space<vmem>>
          %dma_wait3A_88 = arith.constant 0 : i32
          %dma_wait3A_89 = tpu.memref_slice %arg3[%add3A_63, %dma_wait3A_88] : memref<2500x128xi32, #tpu.memory_space<hbm>> -> memref<1x128xi32, #tpu.memory_space<hbm>>
          %dma_wait3A_90 = tpu.memref_squeeze %dma_wait3A_89 : memref<1x128xi32, #tpu.memory_space<hbm>> -> memref<128xi32, #tpu.memory_space<hbm>>
          tpu.wait_dma2 semaphore(%run_scoped3A_67 : memref<!tpu.dma_semaphore, #tpu.memory_space<semaphore_mem>>) src(%dma_wait3A_90 : memref<128xi32, #tpu.memory_space<hbm>>) dst(%dma_wait3A_87 : memref<128xi32, #tpu.memory_space<vmem>>)
          tpu.yield
        }) : () -> ()
        %add3A_64 = arith.constant 2496 : i32
        %add3A_65 = arith.addi %add3A_64, %arg1 : i32
        %run_scoped3A_66 = arith.constant 36 : i32
        "tpu.region"() ({
          %run_scoped3A_67 = tpu.sem_alloc : memref<!tpu.dma_semaphore, #tpu.memory_space<semaphore_mem>>
          %dma_start3A = arith.constant 0 : i32
          %dma_start3A_68 = tpu.memref_slice %arg8[%run_scoped3A_66, %dma_start3A] : memref<120x128xi32, #tpu.memory_space<vmem>> -> memref<1x128xi32, #tpu.memory_space<vmem>>
          %dma_start3A_69 = tpu.memref_squeeze %dma_start3A_68 : memref<1x128xi32, #tpu.memory_space<vmem>> -> memref<128xi32, #tpu.memory_space<vmem>>
          %dma_start3A_70 = arith.constant 0 : i32
          %dma_start3A_71 = tpu.memref_slice %arg4[%add3A_65, %dma_start3A_70] : memref<2500x128xi32, #tpu.memory_space<hbm>> -> memref<1x128xi32, #tpu.memory_space<hbm>>
          %dma_start3A_72 = tpu.memref_squeeze %dma_start3A_71 : memref<1x128xi32, #tpu.memory_space<hbm>> -> memref<128xi32, #tpu.memory_space<hbm>>
          %dma_start3A_73 = arith.constant 0 : i32
          %dma_start3A_74 = tpu.memref_slice %arg8[%run_scoped3A_66, %dma_start3A_73] : memref<120x128xi32, #tpu.memory_space<vmem>> -> memref<1x128xi32, #tpu.memory_space<vmem>>
          %dma_start3A_75 = tpu.memref_squeeze %dma_start3A_74 : memref<1x128xi32, #tpu.memory_space<vmem>> -> memref<128xi32, #tpu.memory_space<vmem>>
          %dma_start3A_76 = arith.constant 0 : i32
          %dma_start3A_77 = tpu.memref_slice %arg4[%add3A_65, %dma_start3A_76] : memref<2500x128xi32, #tpu.memory_space<hbm>> -> memref<1x128xi32, #tpu.memory_space<hbm>>
          %dma_start3A_78 = tpu.memref_squeeze %dma_start3A_77 : memref<1x128xi32, #tpu.memory_space<hbm>> -> memref<128xi32, #tpu.memory_space<hbm>>
          tpu.enqueue_dma source(%dma_start3A_78 : memref<128xi32, #tpu.memory_space<hbm>>) target(%dma_start3A_75 : memref<128xi32, #tpu.memory_space<vmem>>) target_semaphore(%run_scoped3A_67 : memref<!tpu.dma_semaphore, #tpu.memory_space<semaphore_mem>>)
          %dma_wait3A_79 = arith.constant 0 : i32
          %dma_wait3A_80 = tpu.memref_slice %arg8[%run_scoped3A_66, %dma_wait3A_79] : memref<120x128xi32, #tpu.memory_space<vmem>> -> memref<1x128xi32, #tpu.memory_space<vmem>>
          %dma_wait3A_81 = tpu.memref_squeeze %dma_wait3A_80 : memref<1x128xi32, #tpu.memory_space<vmem>> -> memref<128xi32, #tpu.memory_space<vmem>>
          %dma_wait3A_82 = arith.constant 0 : i32
          %dma_wait3A_83 = tpu.memref_slice %arg4[%add3A_65, %dma_wait3A_82] : memref<2500x128xi32, #tpu.memory_space<hbm>> -> memref<1x128xi32, #tpu.memory_space<hbm>>
          %dma_wait3A_84 = tpu.memref_squeeze %dma_wait3A_83 : memref<1x128xi32, #tpu.memory_space<hbm>> -> memref<128xi32, #tpu.memory_space<hbm>>
          %dma_wait3A_85 = arith.constant 0 : i32
          %dma_wait3A_86 = tpu.memref_slice %arg8[%run_scoped3A_66, %dma_wait3A_85] : memref<120x128xi32, #tpu.memory_space<vmem>> -> memref<1x128xi32, #tpu.memory_space<vmem>>
          %dma_wait3A_87 = tpu.memref_squeeze %dma_wait3A_86 : memref<1x128xi32, #tpu.memory_space<vmem>> -> memref<128xi32, #tpu.memory_space<vmem>>
          %dma_wait3A_88 = arith.constant 0 : i32
          %dma_wait3A_89 = tpu.memref_slice %arg4[%add3A_65, %dma_wait3A_88] : memref<2500x128xi32, #tpu.memory_space<hbm>> -> memref<1x128xi32, #tpu.memory_space<hbm>>
          %dma_wait3A_90 = tpu.memref_squeeze %dma_wait3A_89 : memref<1x128xi32, #tpu.memory_space<hbm>> -> memref<128xi32, #tpu.memory_space<hbm>>
          tpu.wait_dma2 semaphore(%run_scoped3A_67 : memref<!tpu.dma_semaphore, #tpu.memory_space<semaphore_mem>>) src(%dma_wait3A_90 : memref<128xi32, #tpu.memory_space<hbm>>) dst(%dma_wait3A_87 : memref<128xi32, #tpu.memory_space<vmem>>)
          tpu.yield
        }) : () -> ()
      } else {
      }
      %scan3A = arith.constant 0 : i32
      %scan3A_26 = arith.constant 0 : i32
      %scan3A_27 = arith.constant 9 : i32
      %scan3A_28 = arith.addi %scan3A_26, %scan3A_27 : i32
      %scan3A_29 = arith.constant 1 : i32
      %scan3A_30 = scf.for %scan3A_62 = %scan3A_26 to %scan3A_28 step %scan3A_29 iter_args(%scan3A_63 = %scan3A) -> (i32)  : i32 {
        %mul3A_64 = arith.constant 4 : i32
        %mul3A_65 = arith.muli %scan3A_62, %mul3A_64 : i32
        %add3A_66 = arith.constant 0 : i32
        %add3A_67 = arith.addi %mul3A_65, %add3A_66 : i32
        %gt3A = arith.constant 0 : i32
        %gt3A_68 = arith.cmpi sgt, %scan3A_62, %gt3A : i32
        %convert_element_type3A_69 = arith.extui %gt3A_68 : i1 to i32
        %cond3A_70 = arith.constant 0 : i32
        %cond3A_71 = arith.cmpi ne, %convert_element_type3A_69, %cond3A_70 : i32
        scf.if %cond3A_71 {
          %sub3A = arith.constant 4 : i32
          %sub3A_187 = arith.subi %add3A_67, %sub3A : i32
          %dma_wait3A_188 = arith.constant 0 : i32
          %dma_wait3A_189 = tpu.memref_slice %arg8[%sub3A_187, %dma_wait3A_188] : memref<120x128xi32, #tpu.memory_space<vmem>> -> memref<1x128xi32, #tpu.memory_space<vmem>>
          %dma_wait3A_190 = tpu.memref_squeeze %dma_wait3A_189 : memref<1x128xi32, #tpu.memory_space<vmem>> -> memref<128xi32, #tpu.memory_space<vmem>>
          %dma_wait3A_191 = arith.constant 0 : i32
          %dma_wait3A_192 = arith.constant 0 : i32
          %dma_wait3A_193 = tpu.memref_slice %arg13[%dma_wait3A_191, %dma_wait3A_192] : memref<10240x16xf32, #tpu.memory_space<vmem_shared>> -> memref<10240x16xf32, #tpu.memory_space<vmem_shared>>
          tpu.wait_indirect_dma semaphore(%arg14 : memref<!tpu.dma_semaphore, #tpu.memory_space<semaphore_mem>>) src(%arg9 : memref<128x16xf32, #tpu.memory_space<vmem>>) dst(%dma_wait3A_193 : memref<10240x16xf32, #tpu.memory_space<vmem_shared>>)
        } else {
        }
        %dma_start3A = arith.constant 0 : i32
        %dma_start3A_72 = tpu.memref_slice %arg7[%add3A_67, %dma_start3A] : memref<120x128xi32, #tpu.memory_space<vmem>> -> memref<1x128xi32, #tpu.memory_space<vmem>>
        %dma_start3A_73 = tpu.memref_squeeze %dma_start3A_72 : memref<1x128xi32, #tpu.memory_space<vmem>> -> memref<128xi32, #tpu.memory_space<vmem>>
        %dma_start3A_74 = arith.constant 0 : i32
        %dma_start3A_75 = arith.constant 0 : i32
        %dma_start3A_76 = tpu.memref_slice %arg2[%dma_start3A_74, %dma_start3A_75] : memref<10240x16xf32, #tpu.memory_space<hbm>> -> memref<10240x16xf32, #tpu.memory_space<hbm>>
        tpu.enqueue_indirect_dma source(%dma_start3A_76 : memref<10240x16xf32, #tpu.memory_space<hbm>>) target(%arg9 : memref<128x16xf32, #tpu.memory_space<vmem>>) offsets(%dma_start3A_73 : memref<128xi32, #tpu.memory_space<vmem>>) semaphore(%arg14 : memref<!tpu.dma_semaphore, #tpu.memory_space<semaphore_mem>>)
        %mul3A_77 = arith.constant 4 : i32
        %mul3A_78 = arith.muli %scan3A_62, %mul3A_77 : i32
        %add3A_79 = arith.constant 1 : i32
        %add3A_80 = arith.addi %mul3A_78, %add3A_79 : i32
        %gt3A_81 = arith.constant 0 : i32
        %gt3A_82 = arith.cmpi sgt, %scan3A_62, %gt3A_81 : i32
        %convert_element_type3A_83 = arith.extui %gt3A_82 : i1 to i32
        %cond3A_84 = arith.constant 0 : i32
        %cond3A_85 = arith.cmpi ne, %convert_element_type3A_83, %cond3A_84 : i32
        scf.if %cond3A_85 {
          %sub3A = arith.constant 4 : i32
          %sub3A_187 = arith.subi %add3A_80, %sub3A : i32
          %dma_wait3A_188 = arith.constant 0 : i32
          %dma_wait3A_189 = tpu.memref_slice %arg8[%sub3A_187, %dma_wait3A_188] : memref<120x128xi32, #tpu.memory_space<vmem>> -> memref<1x128xi32, #tpu.memory_space<vmem>>
          %dma_wait3A_190 = tpu.memref_squeeze %dma_wait3A_189 : memref<1x128xi32, #tpu.memory_space<vmem>> -> memref<128xi32, #tpu.memory_space<vmem>>
          %dma_wait3A_191 = arith.constant 0 : i32
          %dma_wait3A_192 = arith.constant 0 : i32
          %dma_wait3A_193 = tpu.memref_slice %arg13[%dma_wait3A_191, %dma_wait3A_192] : memref<10240x16xf32, #tpu.memory_space<vmem_shared>> -> memref<10240x16xf32, #tpu.memory_space<vmem_shared>>
          tpu.wait_indirect_dma semaphore(%arg15 : memref<!tpu.dma_semaphore, #tpu.memory_space<semaphore_mem>>) src(%arg10 : memref<128x16xf32, #tpu.memory_space<vmem>>) dst(%dma_wait3A_193 : memref<10240x16xf32, #tpu.memory_space<vmem_shared>>)
        } else {
        }
        %dma_start3A_86 = arith.constant 0 : i32
        %dma_start3A_87 = tpu.memref_slice %arg7[%add3A_80, %dma_start3A_86] : memref<120x128xi32, #tpu.memory_space<vmem>> -> memref<1x128xi32, #tpu.memory_space<vmem>>
        %dma_start3A_88 = tpu.memref_squeeze %dma_start3A_87 : memref<1x128xi32, #tpu.memory_space<vmem>> -> memref<128xi32, #tpu.memory_space<vmem>>
        %dma_start3A_89 = arith.constant 0 : i32
        %dma_start3A_90 = arith.constant 0 : i32
        %dma_start3A_91 = tpu.memref_slice %arg2[%dma_start3A_89, %dma_start3A_90] : memref<10240x16xf32, #tpu.memory_space<hbm>> -> memref<10240x16xf32, #tpu.memory_space<hbm>>
        tpu.enqueue_indirect_dma source(%dma_start3A_91 : memref<10240x16xf32, #tpu.memory_space<hbm>>) target(%arg10 : memref<128x16xf32, #tpu.memory_space<vmem>>) offsets(%dma_start3A_88 : memref<128xi32, #tpu.memory_space<vmem>>) semaphore(%arg15 : memref<!tpu.dma_semaphore, #tpu.memory_space<semaphore_mem>>)
        %mul3A_92 = arith.constant 4 : i32
        %mul3A_93 = arith.muli %scan3A_62, %mul3A_92 : i32
        %add3A_94 = arith.constant 2 : i32
        %add3A_95 = arith.addi %mul3A_93, %add3A_94 : i32
        %gt3A_96 = arith.constant 0 : i32
        %gt3A_97 = arith.cmpi sgt, %scan3A_62, %gt3A_96 : i32
        %convert_element_type3A_98 = arith.extui %gt3A_97 : i1 to i32
        %cond3A_99 = arith.constant 0 : i32
        %cond3A_100 = arith.cmpi ne, %convert_element_type3A_98, %cond3A_99 : i32
        scf.if %cond3A_100 {
          %sub3A = arith.constant 4 : i32
          %sub3A_187 = arith.subi %add3A_95, %sub3A : i32
          %dma_wait3A_188 = arith.constant 0 : i32
          %dma_wait3A_189 = tpu.memref_slice %arg8[%sub3A_187, %dma_wait3A_188] : memref<120x128xi32, #tpu.memory_space<vmem>> -> memref<1x128xi32, #tpu.memory_space<vmem>>
          %dma_wait3A_190 = tpu.memref_squeeze %dma_wait3A_189 : memref<1x128xi32, #tpu.memory_space<vmem>> -> memref<128xi32, #tpu.memory_space<vmem>>
          %dma_wait3A_191 = arith.constant 0 : i32
          %dma_wait3A_192 = arith.constant 0 : i32
          %dma_wait3A_193 = tpu.memref_slice %arg13[%dma_wait3A_191, %dma_wait3A_192] : memref<10240x16xf32, #tpu.memory_space<vmem_shared>> -> memref<10240x16xf32, #tpu.memory_space<vmem_shared>>
          tpu.wait_indirect_dma semaphore(%arg16 : memref<!tpu.dma_semaphore, #tpu.memory_space<semaphore_mem>>) src(%arg11 : memref<128x16xf32, #tpu.memory_space<vmem>>) dst(%dma_wait3A_193 : memref<10240x16xf32, #tpu.memory_space<vmem_shared>>)
        } else {
        }
        %dma_start3A_101 = arith.constant 0 : i32
        %dma_start3A_102 = tpu.memref_slice %arg7[%add3A_95, %dma_start3A_101] : memref<120x128xi32, #tpu.memory_space<vmem>> -> memref<1x128xi32, #tpu.memory_space<vmem>>
        %dma_start3A_103 = tpu.memref_squeeze %dma_start3A_102 : memref<1x128xi32, #tpu.memory_space<vmem>> -> memref<128xi32, #tpu.memory_space<vmem>>
        %dma_start3A_104 = arith.constant 0 : i32
        %dma_start3A_105 = arith.constant 0 : i32
        %dma_start3A_106 = tpu.memref_slice %arg2[%dma_start3A_104, %dma_start3A_105] : memref<10240x16xf32, #tpu.memory_space<hbm>> -> memref<10240x16xf32, #tpu.memory_space<hbm>>
        tpu.enqueue_indirect_dma source(%dma_start3A_106 : memref<10240x16xf32, #tpu.memory_space<hbm>>) target(%arg11 : memref<128x16xf32, #tpu.memory_space<vmem>>) offsets(%dma_start3A_103 : memref<128xi32, #tpu.memory_space<vmem>>) semaphore(%arg16 : memref<!tpu.dma_semaphore, #tpu.memory_space<semaphore_mem>>)
        %mul3A_107 = arith.constant 4 : i32
        %mul3A_108 = arith.muli %scan3A_62, %mul3A_107 : i32
        %add3A_109 = arith.constant 3 : i32
        %add3A_110 = arith.addi %mul3A_108, %add3A_109 : i32
        %gt3A_111 = arith.constant 0 : i32
        %gt3A_112 = arith.cmpi sgt, %scan3A_62, %gt3A_111 : i32
        %convert_element_type3A_113 = arith.extui %gt3A_112 : i1 to i32
        %cond3A_114 = arith.constant 0 : i32
        %cond3A_115 = arith.cmpi ne, %convert_element_type3A_113, %cond3A_114 : i32
        scf.if %cond3A_115 {
          %sub3A = arith.constant 4 : i32
          %sub3A_187 = arith.subi %add3A_110, %sub3A : i32
          %dma_wait3A_188 = arith.constant 0 : i32
          %dma_wait3A_189 = tpu.memref_slice %arg8[%sub3A_187, %dma_wait3A_188] : memref<120x128xi32, #tpu.memory_space<vmem>> -> memref<1x128xi32, #tpu.memory_space<vmem>>
          %dma_wait3A_190 = tpu.memref_squeeze %dma_wait3A_189 : memref<1x128xi32, #tpu.memory_space<vmem>> -> memref<128xi32, #tpu.memory_space<vmem>>
          %dma_wait3A_191 = arith.constant 0 : i32
          %dma_wait3A_192 = arith.constant 0 : i32
          %dma_wait3A_193 = tpu.memref_slice %arg13[%dma_wait3A_191, %dma_wait3A_192] : memref<10240x16xf32, #tpu.memory_space<vmem_shared>> -> memref<10240x16xf32, #tpu.memory_space<vmem_shared>>
          tpu.wait_indirect_dma semaphore(%arg17 : memref<!tpu.dma_semaphore, #tpu.memory_space<semaphore_mem>>) src(%arg12 : memref<128x16xf32, #tpu.memory_space<vmem>>) dst(%dma_wait3A_193 : memref<10240x16xf32, #tpu.memory_space<vmem_shared>>)
        } else {
        }
        %dma_start3A_116 = arith.constant 0 : i32
        %dma_start3A_117 = tpu.memref_slice %arg7[%add3A_110, %dma_start3A_116] : memref<120x128xi32, #tpu.memory_space<vmem>> -> memref<1x128xi32, #tpu.memory_space<vmem>>
        %dma_start3A_118 = tpu.memref_squeeze %dma_start3A_117 : memref<1x128xi32, #tpu.memory_space<vmem>> -> memref<128xi32, #tpu.memory_space<vmem>>
        %dma_start3A_119 = arith.constant 0 : i32
        %dma_start3A_120 = arith.constant 0 : i32
        %dma_start3A_121 = tpu.memref_slice %arg2[%dma_start3A_119, %dma_start3A_120] : memref<10240x16xf32, #tpu.memory_space<hbm>> -> memref<10240x16xf32, #tpu.memory_space<hbm>>
        tpu.enqueue_indirect_dma source(%dma_start3A_121 : memref<10240x16xf32, #tpu.memory_space<hbm>>) target(%arg12 : memref<128x16xf32, #tpu.memory_space<vmem>>) offsets(%dma_start3A_118 : memref<128xi32, #tpu.memory_space<vmem>>) semaphore(%arg17 : memref<!tpu.dma_semaphore, #tpu.memory_space<semaphore_mem>>)
        %mul3A_122 = arith.constant 4 : i32
        %mul3A_123 = arith.muli %scan3A_62, %mul3A_122 : i32
        %add3A_124 = arith.constant 0 : i32
        %add3A_125 = arith.addi %mul3A_123, %add3A_124 : i32
        %dma_wait3A_126 = arith.constant 0 : i32
        %dma_wait3A_127 = tpu.memref_slice %arg7[%add3A_125, %dma_wait3A_126] : memref<120x128xi32, #tpu.memory_space<vmem>> -> memref<1x128xi32, #tpu.memory_space<vmem>>
        %dma_wait3A_128 = tpu.memref_squeeze %dma_wait3A_127 : memref<1x128xi32, #tpu.memory_space<vmem>> -> memref<128xi32, #tpu.memory_space<vmem>>
        %dma_wait3A_129 = arith.constant 0 : i32
        %dma_wait3A_130 = arith.constant 0 : i32
        %dma_wait3A_131 = tpu.memref_slice %arg2[%dma_wait3A_129, %dma_wait3A_130] : memref<10240x16xf32, #tpu.memory_space<hbm>> -> memref<10240x16xf32, #tpu.memory_space<hbm>>
        tpu.wait_indirect_dma semaphore(%arg14 : memref<!tpu.dma_semaphore, #tpu.memory_space<semaphore_mem>>) src(%dma_wait3A_131 : memref<10240x16xf32, #tpu.memory_space<hbm>>) dst(%arg9 : memref<128x16xf32, #tpu.memory_space<vmem>>)
        %dma_start3A_132 = arith.constant 0 : i32
        %dma_start3A_133 = tpu.memref_slice %arg8[%add3A_125, %dma_start3A_132] : memref<120x128xi32, #tpu.memory_space<vmem>> -> memref<1x128xi32, #tpu.memory_space<vmem>>
        %dma_start3A_134 = tpu.memref_squeeze %dma_start3A_133 : memref<1x128xi32, #tpu.memory_space<vmem>> -> memref<128xi32, #tpu.memory_space<vmem>>
        %dma_start3A_135 = arith.constant 0 : i32
        %dma_start3A_136 = arith.constant 0 : i32
        %dma_start3A_137 = tpu.memref_slice %arg13[%dma_start3A_135, %dma_start3A_136] : memref<10240x16xf32, #tpu.memory_space<vmem_shared>> -> memref<10240x16xf32, #tpu.memory_space<vmem_shared>>
        tpu.enqueue_indirect_dma source(%arg9 : memref<128x16xf32, #tpu.memory_space<vmem>>) target(%dma_start3A_137 : memref<10240x16xf32, #tpu.memory_space<vmem_shared>>) offsets(%dma_start3A_134 : memref<128xi32, #tpu.memory_space<vmem>>) semaphore(%arg14 : memref<!tpu.dma_semaphore, #tpu.memory_space<semaphore_mem>>) {add = true}
        %mul3A_138 = arith.constant 4 : i32
        %mul3A_139 = arith.muli %scan3A_62, %mul3A_138 : i32
        %add3A_140 = arith.constant 1 : i32
        %add3A_141 = arith.addi %mul3A_139, %add3A_140 : i32
        %dma_wait3A_142 = arith.constant 0 : i32
        %dma_wait3A_143 = tpu.memref_slice %arg7[%add3A_141, %dma_wait3A_142] : memref<120x128xi32, #tpu.memory_space<vmem>> -> memref<1x128xi32, #tpu.memory_space<vmem>>
        %dma_wait3A_144 = tpu.memref_squeeze %dma_wait3A_143 : memref<1x128xi32, #tpu.memory_space<vmem>> -> memref<128xi32, #tpu.memory_space<vmem>>
        %dma_wait3A_145 = arith.constant 0 : i32
        %dma_wait3A_146 = arith.constant 0 : i32
        %dma_wait3A_147 = tpu.memref_slice %arg2[%dma_wait3A_145, %dma_wait3A_146] : memref<10240x16xf32, #tpu.memory_space<hbm>> -> memref<10240x16xf32, #tpu.memory_space<hbm>>
        tpu.wait_indirect_dma semaphore(%arg15 : memref<!tpu.dma_semaphore, #tpu.memory_space<semaphore_mem>>) src(%dma_wait3A_147 : memref<10240x16xf32, #tpu.memory_space<hbm>>) dst(%arg10 : memref<128x16xf32, #tpu.memory_space<vmem>>)
        %dma_start3A_148 = arith.constant 0 : i32
        %dma_start3A_149 = tpu.memref_slice %arg8[%add3A_141, %dma_start3A_148] : memref<120x128xi32, #tpu.memory_space<vmem>> -> memref<1x128xi32, #tpu.memory_space<vmem>>
        %dma_start3A_150 = tpu.memref_squeeze %dma_start3A_149 : memref<1x128xi32, #tpu.memory_space<vmem>> -> memref<128xi32, #tpu.memory_space<vmem>>
        %dma_start3A_151 = arith.constant 0 : i32
        %dma_start3A_152 = arith.constant 0 : i32
        %dma_start3A_153 = tpu.memref_slice %arg13[%dma_start3A_151, %dma_start3A_152] : memref<10240x16xf32, #tpu.memory_space<vmem_shared>> -> memref<10240x16xf32, #tpu.memory_space<vmem_shared>>
        tpu.enqueue_indirect_dma source(%arg10 : memref<128x16xf32, #tpu.memory_space<vmem>>) target(%dma_start3A_153 : memref<10240x16xf32, #tpu.memory_space<vmem_shared>>) offsets(%dma_start3A_150 : memref<128xi32, #tpu.memory_space<vmem>>) semaphore(%arg15 : memref<!tpu.dma_semaphore, #tpu.memory_space<semaphore_mem>>) {add = true}
        %mul3A_154 = arith.constant 4 : i32
        %mul3A_155 = arith.muli %scan3A_62, %mul3A_154 : i32
        %add3A_156 = arith.constant 2 : i32
        %add3A_157 = arith.addi %mul3A_155, %add3A_156 : i32
        %dma_wait3A_158 = arith.constant 0 : i32
        %dma_wait3A_159 = tpu.memref_slice %arg7[%add3A_157, %dma_wait3A_158] : memref<120x128xi32, #tpu.memory_space<vmem>> -> memref<1x128xi32, #tpu.memory_space<vmem>>
        %dma_wait3A_160 = tpu.memref_squeeze %dma_wait3A_159 : memref<1x128xi32, #tpu.memory_space<vmem>> -> memref<128xi32, #tpu.memory_space<vmem>>
        %dma_wait3A_161 = arith.constant 0 : i32
        %dma_wait3A_162 = arith.constant 0 : i32
        %dma_wait3A_163 = tpu.memref_slice %arg2[%dma_wait3A_161, %dma_wait3A_162] : memref<10240x16xf32, #tpu.memory_space<hbm>> -> memref<10240x16xf32, #tpu.memory_space<hbm>>
        tpu.wait_indirect_dma semaphore(%arg16 : memref<!tpu.dma_semaphore, #tpu.memory_space<semaphore_mem>>) src(%dma_wait3A_163 : memref<10240x16xf32, #tpu.memory_space<hbm>>) dst(%arg11 : memref<128x16xf32, #tpu.memory_space<vmem>>)
        %dma_start3A_164 = arith.constant 0 : i32
        %dma_start3A_165 = tpu.memref_slice %arg8[%add3A_157, %dma_start3A_164] : memref<120x128xi32, #tpu.memory_space<vmem>> -> memref<1x128xi32, #tpu.memory_space<vmem>>
        %dma_start3A_166 = tpu.memref_squeeze %dma_start3A_165 : memref<1x128xi32, #tpu.memory_space<vmem>> -> memref<128xi32, #tpu.memory_space<vmem>>
        %dma_start3A_167 = arith.constant 0 : i32
        %dma_start3A_168 = arith.constant 0 : i32
        %dma_start3A_169 = tpu.memref_slice %arg13[%dma_start3A_167, %dma_start3A_168] : memref<10240x16xf32, #tpu.memory_space<vmem_shared>> -> memref<10240x16xf32, #tpu.memory_space<vmem_shared>>
        tpu.enqueue_indirect_dma source(%arg11 : memref<128x16xf32, #tpu.memory_space<vmem>>) target(%dma_start3A_169 : memref<10240x16xf32, #tpu.memory_space<vmem_shared>>) offsets(%dma_start3A_166 : memref<128xi32, #tpu.memory_space<vmem>>) semaphore(%arg16 : memref<!tpu.dma_semaphore, #tpu.memory_space<semaphore_mem>>) {add = true}
        %mul3A_170 = arith.constant 4 : i32
        %mul3A_171 = arith.muli %scan3A_62, %mul3A_170 : i32
        %add3A_172 = arith.constant 3 : i32
        %add3A_173 = arith.addi %mul3A_171, %add3A_172 : i32
        %dma_wait3A_174 = arith.constant 0 : i32
        %dma_wait3A_175 = tpu.memref_slice %arg7[%add3A_173, %dma_wait3A_174] : memref<120x128xi32, #tpu.memory_space<vmem>> -> memref<1x128xi32, #tpu.memory_space<vmem>>
        %dma_wait3A_176 = tpu.memref_squeeze %dma_wait3A_175 : memref<1x128xi32, #tpu.memory_space<vmem>> -> memref<128xi32, #tpu.memory_space<vmem>>
        %dma_wait3A_177 = arith.constant 0 : i32
        %dma_wait3A_178 = arith.constant 0 : i32
        %dma_wait3A_179 = tpu.memref_slice %arg2[%dma_wait3A_177, %dma_wait3A_178] : memref<10240x16xf32, #tpu.memory_space<hbm>> -> memref<10240x16xf32, #tpu.memory_space<hbm>>
        tpu.wait_indirect_dma semaphore(%arg17 : memref<!tpu.dma_semaphore, #tpu.memory_space<semaphore_mem>>) src(%dma_wait3A_179 : memref<10240x16xf32, #tpu.memory_space<hbm>>) dst(%arg12 : memref<128x16xf32, #tpu.memory_space<vmem>>)
        %dma_start3A_180 = arith.constant 0 : i32
        %dma_start3A_181 = tpu.memref_slice %arg8[%add3A_173, %dma_start3A_180] : memref<120x128xi32, #tpu.memory_space<vmem>> -> memref<1x128xi32, #tpu.memory_space<vmem>>
        %dma_start3A_182 = tpu.memref_squeeze %dma_start3A_181 : memref<1x128xi32, #tpu.memory_space<vmem>> -> memref<128xi32, #tpu.memory_space<vmem>>
        %dma_start3A_183 = arith.constant 0 : i32
        %dma_start3A_184 = arith.constant 0 : i32
        %dma_start3A_185 = tpu.memref_slice %arg13[%dma_start3A_183, %dma_start3A_184] : memref<10240x16xf32, #tpu.memory_space<vmem_shared>> -> memref<10240x16xf32, #tpu.memory_space<vmem_shared>>
        tpu.enqueue_indirect_dma source(%arg12 : memref<128x16xf32, #tpu.memory_space<vmem>>) target(%dma_start3A_185 : memref<10240x16xf32, #tpu.memory_space<vmem_shared>>) offsets(%dma_start3A_182 : memref<128xi32, #tpu.memory_space<vmem>>) semaphore(%arg17 : memref<!tpu.dma_semaphore, #tpu.memory_space<semaphore_mem>>) {add = true}
        %scan3A_186 = arith.constant 0 : i32
        scf.yield %scan3A_186 : i32
      }
      %scan3A_31 = arith.constant 9 : i32
      %dma_wait3A = arith.constant 32 : i32
      %dma_wait3A_32 = arith.constant 0 : i32
      %dma_wait3A_33 = tpu.memref_slice %arg8[%dma_wait3A, %dma_wait3A_32] : memref<120x128xi32, #tpu.memory_space<vmem>> -> memref<1x128xi32, #tpu.memory_space<vmem>>
      %dma_wait3A_34 = tpu.memref_squeeze %dma_wait3A_33 : memref<1x128xi32, #tpu.memory_space<vmem>> -> memref<128xi32, #tpu.memory_space<vmem>>
      %dma_wait3A_35 = arith.constant 0 : i32
      %dma_wait3A_36 = arith.constant 0 : i32
      %dma_wait3A_37 = tpu.memref_slice %arg13[%dma_wait3A_35, %dma_wait3A_36] : memref<10240x16xf32, #tpu.memory_space<vmem_shared>> -> memref<10240x16xf32, #tpu.memory_space<vmem_shared>>
      tpu.wait_indirect_dma semaphore(%arg14 : memref<!tpu.dma_semaphore, #tpu.memory_space<semaphore_mem>>) src(%arg9 : memref<128x16xf32, #tpu.memory_space<vmem>>) dst(%dma_wait3A_37 : memref<10240x16xf32, #tpu.memory_space<vmem_shared>>)
      %dma_wait3A_38 = arith.constant 33 : i32
      %dma_wait3A_39 = arith.constant 0 : i32
      %dma_wait3A_40 = tpu.memref_slice %arg8[%dma_wait3A_38, %dma_wait3A_39] : memref<120x128xi32, #tpu.memory_space<vmem>> -> memref<1x128xi32, #tpu.memory_space<vmem>>
      %dma_wait3A_41 = tpu.memref_squeeze %dma_wait3A_40 : memref<1x128xi32, #tpu.memory_space<vmem>> -> memref<128xi32, #tpu.memory_space<vmem>>
      %dma_wait3A_42 = arith.constant 0 : i32
      %dma_wait3A_43 = arith.constant 0 : i32
      %dma_wait3A_44 = tpu.memref_slice %arg13[%dma_wait3A_42, %dma_wait3A_43] : memref<10240x16xf32, #tpu.memory_space<vmem_shared>> -> memref<10240x16xf32, #tpu.memory_space<vmem_shared>>
      tpu.wait_indirect_dma semaphore(%arg15 : memref<!tpu.dma_semaphore, #tpu.memory_space<semaphore_mem>>) src(%arg10 : memref<128x16xf32, #tpu.memory_space<vmem>>) dst(%dma_wait3A_44 : memref<10240x16xf32, #tpu.memory_space<vmem_shared>>)
      %dma_wait3A_45 = arith.constant 34 : i32
      %dma_wait3A_46 = arith.constant 0 : i32
      %dma_wait3A_47 = tpu.memref_slice %arg8[%dma_wait3A_45, %dma_wait3A_46] : memref<120x128xi32, #tpu.memory_space<vmem>> -> memref<1x128xi32, #tpu.memory_space<vmem>>
      %dma_wait3A_48 = tpu.memref_squeeze %dma_wait3A_47 : memref<1x128xi32, #tpu.memory_space<vmem>> -> memref<128xi32, #tpu.memory_space<vmem>>
      %dma_wait3A_49 = arith.constant 0 : i32
      %dma_wait3A_50 = arith.constant 0 : i32
      %dma_wait3A_51 = tpu.memref_slice %arg13[%dma_wait3A_49, %dma_wait3A_50] : memref<10240x16xf32, #tpu.memory_space<vmem_shared>> -> memref<10240x16xf32, #tpu.memory_space<vmem_shared>>
      tpu.wait_indirect_dma semaphore(%arg16 : memref<!tpu.dma_semaphore, #tpu.memory_space<semaphore_mem>>) src(%arg11 : memref<128x16xf32, #tpu.memory_space<vmem>>) dst(%dma_wait3A_51 : memref<10240x16xf32, #tpu.memory_space<vmem_shared>>)
      %dma_wait3A_52 = arith.constant 35 : i32
      %dma_wait3A_53 = arith.constant 0 : i32
      %dma_wait3A_54 = tpu.memref_slice %arg8[%dma_wait3A_52, %dma_wait3A_53] : memref<120x128xi32, #tpu.memory_space<vmem>> -> memref<1x128xi32, #tpu.memory_space<vmem>>
      %dma_wait3A_55 = tpu.memref_squeeze %dma_wait3A_54 : memref<1x128xi32, #tpu.memory_space<vmem>> -> memref<128xi32, #tpu.memory_space<vmem>>
      %dma_wait3A_56 = arith.constant 0 : i32
      %dma_wait3A_57 = arith.constant 0 : i32
      %dma_wait3A_58 = tpu.memref_slice %arg13[%dma_wait3A_56, %dma_wait3A_57] : memref<10240x16xf32, #tpu.memory_space<vmem_shared>> -> memref<10240x16xf32, #tpu.memory_space<vmem_shared>>
      tpu.wait_indirect_dma semaphore(%arg17 : memref<!tpu.dma_semaphore, #tpu.memory_space<semaphore_mem>>) src(%arg12 : memref<128x16xf32, #tpu.memory_space<vmem>>) dst(%dma_wait3A_58 : memref<10240x16xf32, #tpu.memory_space<vmem_shared>>)
      %convert_element_type3A_59 = arith.extui %and3A : i1 to i32
      %cond3A_60 = arith.constant 0 : i32
      %cond3A_61 = arith.cmpi ne, %convert_element_type3A_59, %cond3A_60 : i32
      scf.if %cond3A_61 {
        %dma_start3A = arith.constant 36 : i32
        %dma_start3A_62 = arith.constant 0 : i32
        %dma_start3A_63 = tpu.memref_slice %arg7[%dma_start3A, %dma_start3A_62] : memref<120x128xi32, #tpu.memory_space<vmem>> -> memref<1x128xi32, #tpu.memory_space<vmem>>
        %dma_start3A_64 = tpu.memref_squeeze %dma_start3A_63 : memref<1x128xi32, #tpu.memory_space<vmem>> -> memref<128xi32, #tpu.memory_space<vmem>>
        %dma_start3A_65 = arith.constant 0 : i32
        %dma_start3A_66 = arith.constant 0 : i32
        %dma_start3A_67 = tpu.memref_slice %arg2[%dma_start3A_65, %dma_start3A_66] : memref<10240x16xf32, #tpu.memory_space<hbm>> -> memref<10240x16xf32, #tpu.memory_space<hbm>>
        tpu.enqueue_indirect_dma source(%dma_start3A_67 : memref<10240x16xf32, #tpu.memory_space<hbm>>) target(%arg9 : memref<128x16xf32, #tpu.memory_space<vmem>>) offsets(%dma_start3A_64 : memref<128xi32, #tpu.memory_space<vmem>>) semaphore(%arg14 : memref<!tpu.dma_semaphore, #tpu.memory_space<semaphore_mem>>)
        %dma_wait3A_68 = arith.constant 36 : i32
        %dma_wait3A_69 = arith.constant 0 : i32
        %dma_wait3A_70 = tpu.memref_slice %arg7[%dma_wait3A_68, %dma_wait3A_69] : memref<120x128xi32, #tpu.memory_space<vmem>> -> memref<1x128xi32, #tpu.memory_space<vmem>>
        %dma_wait3A_71 = tpu.memref_squeeze %dma_wait3A_70 : memref<1x128xi32, #tpu.memory_space<vmem>> -> memref<128xi32, #tpu.memory_space<vmem>>
        %dma_wait3A_72 = arith.constant 0 : i32
        %dma_wait3A_73 = arith.constant 0 : i32
        %dma_wait3A_74 = tpu.memref_slice %arg2[%dma_wait3A_72, %dma_wait3A_73] : memref<10240x16xf32, #tpu.memory_space<hbm>> -> memref<10240x16xf32, #tpu.memory_space<hbm>>
        tpu.wait_indirect_dma semaphore(%arg14 : memref<!tpu.dma_semaphore, #tpu.memory_space<semaphore_mem>>) src(%dma_wait3A_74 : memref<10240x16xf32, #tpu.memory_space<hbm>>) dst(%arg9 : memref<128x16xf32, #tpu.memory_space<vmem>>)
        %dma_start3A_75 = arith.constant 36 : i32
        %dma_start3A_76 = arith.constant 0 : i32
        %dma_start3A_77 = tpu.memref_slice %arg8[%dma_start3A_75, %dma_start3A_76] : memref<120x128xi32, #tpu.memory_space<vmem>> -> memref<1x128xi32, #tpu.memory_space<vmem>>
        %dma_start3A_78 = tpu.memref_squeeze %dma_start3A_77 : memref<1x128xi32, #tpu.memory_space<vmem>> -> memref<128xi32, #tpu.memory_space<vmem>>
        %dma_start3A_79 = arith.constant 0 : i32
        %dma_start3A_80 = arith.constant 0 : i32
        %dma_start3A_81 = tpu.memref_slice %arg13[%dma_start3A_79, %dma_start3A_80] : memref<10240x16xf32, #tpu.memory_space<vmem_shared>> -> memref<10240x16xf32, #tpu.memory_space<vmem_shared>>
        tpu.enqueue_indirect_dma source(%arg9 : memref<128x16xf32, #tpu.memory_space<vmem>>) target(%dma_start3A_81 : memref<10240x16xf32, #tpu.memory_space<vmem_shared>>) offsets(%dma_start3A_78 : memref<128xi32, #tpu.memory_space<vmem>>) semaphore(%arg14 : memref<!tpu.dma_semaphore, #tpu.memory_space<semaphore_mem>>) {add = true}
        %dma_wait3A_82 = arith.constant 36 : i32
        %dma_wait3A_83 = arith.constant 0 : i32
        %dma_wait3A_84 = tpu.memref_slice %arg8[%dma_wait3A_82, %dma_wait3A_83] : memref<120x128xi32, #tpu.memory_space<vmem>> -> memref<1x128xi32, #tpu.memory_space<vmem>>
        %dma_wait3A_85 = tpu.memref_squeeze %dma_wait3A_84 : memref<1x128xi32, #tpu.memory_space<vmem>> -> memref<128xi32, #tpu.memory_space<vmem>>
        %dma_wait3A_86 = arith.constant 0 : i32
        %dma_wait3A_87 = arith.constant 0 : i32
        %dma_wait3A_88 = tpu.memref_slice %arg13[%dma_wait3A_86, %dma_wait3A_87] : memref<10240x16xf32, #tpu.memory_space<vmem_shared>> -> memref<10240x16xf32, #tpu.memory_space<vmem_shared>>
        tpu.wait_indirect_dma semaphore(%arg14 : memref<!tpu.dma_semaphore, #tpu.memory_space<semaphore_mem>>) src(%arg9 : memref<128x16xf32, #tpu.memory_space<vmem>>) dst(%dma_wait3A_88 : memref<10240x16xf32, #tpu.memory_space<vmem_shared>>)
      } else {
      }
    } else {
    }
    %barrier3A_18 = arith.constant 0 : index
    tpu.barrier barrier_id(%barrier3A_18)
    %mul3A_19 = arith.constant 640 : i32
    %mul3A_20 = arith.muli %arg1, %mul3A_19 : i32
    %mul3A_21 = arith.constant 640 : i32
    %mul3A_22 = arith.muli %arg1, %mul3A_21 : i32
    "tpu.region"() ({
      %run_scoped3A = tpu.sem_alloc : memref<!tpu.dma_semaphore, #tpu.memory_space<semaphore_mem>>
      %dma_start3A = arith.constant 0 : i32
      %dma_start3A_23 = tpu.memref_slice %arg6[%arg0, %mul3A_22, %dma_start3A] : memref<2x10240x16xf32, #tpu.memory_space<hbm>> -> memref<1x640x16xf32, #tpu.memory_space<hbm>>
      %dma_start3A_24 = tpu.memref_squeeze %dma_start3A_23 : memref<1x640x16xf32, #tpu.memory_space<hbm>> -> memref<640x16xf32, #tpu.memory_space<hbm>>
      %dma_start3A_25 = arith.constant 0 : i32
      %dma_start3A_26 = tpu.memref_slice %arg13[%mul3A_20, %dma_start3A_25] : memref<10240x16xf32, #tpu.memory_space<vmem_shared>> -> memref<640x16xf32, #tpu.memory_space<vmem_shared>>
      tpu.enqueue_dma source(%dma_start3A_26 : memref<640x16xf32, #tpu.memory_space<vmem_shared>>) target(%dma_start3A_24 : memref<640x16xf32, #tpu.memory_space<hbm>>) target_semaphore(%run_scoped3A : memref<!tpu.dma_semaphore, #tpu.memory_space<semaphore_mem>>)
      %dma_wait3A = arith.constant 0 : i32
      %dma_wait3A_27 = tpu.memref_slice %arg6[%arg0, %mul3A_22, %dma_wait3A] : memref<2x10240x16xf32, #tpu.memory_space<hbm>> -> memref<1x640x16xf32, #tpu.memory_space<hbm>>
      %dma_wait3A_28 = tpu.memref_squeeze %dma_wait3A_27 : memref<1x640x16xf32, #tpu.memory_space<hbm>> -> memref<640x16xf32, #tpu.memory_space<hbm>>
      %dma_wait3A_29 = arith.constant 0 : i32
      %dma_wait3A_30 = tpu.memref_slice %arg13[%mul3A_20, %dma_wait3A_29] : memref<10240x16xf32, #tpu.memory_space<vmem_shared>> -> memref<640x16xf32, #tpu.memory_space<vmem_shared>>
      tpu.wait_dma2 semaphore(%run_scoped3A : memref<!tpu.dma_semaphore, #tpu.memory_space<semaphore_mem>>) src(%dma_wait3A_30 : memref<640x16xf32, #tpu.memory_space<vmem_shared>>) dst(%dma_wait3A_28 : memref<640x16xf32, #tpu.memory_space<hbm>>)
      tpu.yield
    }) : () -> ()
    return
  }
}

#map = affine_map<(d0, d1) -> (0, 0)>
#map1 = affine_map<(d0, d1) -> (0, 0, 0)>
module attributes {stable_mosaic.version = 14 : i64} {
  func.func @_sc_degree_body(%arg0: i32, %arg1: i32, %arg2: memref<2500x128xi32, #tpu.memory_space<hbm>>, %arg3: memref<2x10240x16xf32, #tpu.memory_space<hbm>>, %arg4: memref<120x128xi32, #tpu.memory_space<vmem>>, %arg5: memref<128xf32, #tpu.memory_space<vmem>>, %arg6: memref<128xf32, #tpu.memory_space<vmem>>, %arg7: memref<640xf32, #tpu.memory_space<vmem>>, %arg8: memref<640x16xf32, #tpu.memory_space<vmem>>, %arg9: memref<10240xf32, #tpu.memory_space<vmem_shared>>, %arg10: memref<!tpu.dma_semaphore, #tpu.memory_space<semaphore_mem>>) attributes {dimension_semantics = [#tpu.dimension_semantics<core_parallel>, #tpu.dimension_semantics<subcore_parallel>], iteration_bounds = array<i64: 2, 16>, scalar_prefetch = 0 : i64, scratch_operands = 7 : i64, tpu.core_type = #tpu.core_type<sc_vector_subcore>, window_params = [{transform_indices = #map}, {transform_indices = #map1}]} {
    %eq3A = arith.constant 0 : i32
    %eq3A_0 = arith.cmpi eq, %arg0, %eq3A : i32
    %mul3A = arith.constant 120 : i32
    %mul3A_1 = arith.muli %arg1, %mul3A : i32
    %mul3A_2 = arith.constant 36 : i32
    %mul3A_3 = arith.muli %arg1, %mul3A_2 : i32
    %add3A = arith.constant 1920 : i32
    %add3A_4 = arith.addi %add3A, %mul3A_3 : i32
    %select_n3A = arith.select %eq3A_0, %mul3A_1, %add3A_4 : i32
    %scan3A = arith.constant 0 : i32
    %scan3A_5 = arith.constant 0 : i32
    %scan3A_6 = arith.constant 8 : i32
    %scan3A_7 = arith.addi %scan3A_5, %scan3A_6 : i32
    %scan3A_8 = arith.constant 1 : i32
    %scan3A_9 = scf.for %scan3A_41 = %scan3A_5 to %scan3A_7 step %scan3A_8 iter_args(%scan3A_42 = %scan3A) -> (i32)  : i32 {
      %broadcast_in_dim3A = arith.constant 0.000000e+00 : f32
      %broadcast_in_dim3A_43 = vector.broadcast %broadcast_in_dim3A : f32 to vector<16xf32>
      %mul3A_44 = arith.constant 16 : i32
      %mul3A_45 = arith.muli %scan3A_41, %mul3A_44 : i32
      %swap3A = arith.index_cast %mul3A_45 : i32 to index
      %swap3A_46 = tpu.vector_load %arg6[%swap3A] {strides = array<i32>} : memref<128xf32, #tpu.memory_space<vmem>>, vector<16xf32>,
      tpu.vector_store %arg6[%swap3A], %broadcast_in_dim3A_43 {strides = array<i32>} : memref<128xf32, #tpu.memory_space<vmem>>, vector<16xf32>,
      %broadcast_in_dim3A_47 = arith.constant 1.000000e+00 : f32
      %broadcast_in_dim3A_48 = vector.broadcast %broadcast_in_dim3A_47 : f32 to vector<16xf32>
      %mul3A_49 = arith.constant 16 : i32
      %mul3A_50 = arith.muli %scan3A_41, %mul3A_49 : i32
      %swap3A_51 = arith.index_cast %mul3A_50 : i32 to index
      %swap3A_52 = tpu.vector_load %arg5[%swap3A_51] {strides = array<i32>} : memref<128xf32, #tpu.memory_space<vmem>>, vector<16xf32>,
      tpu.vector_store %arg5[%swap3A_51], %broadcast_in_dim3A_48 {strides = array<i32>} : memref<128xf32, #tpu.memory_space<vmem>>, vector<16xf32>,
      %scan3A_53 = arith.constant 0 : i32
      scf.yield %scan3A_53 : i32
    }
    %scan3A_10 = arith.constant 8 : i32
    %scan3A_11 = arith.constant 0 : i32
    %scan3A_12 = arith.constant 0 : i32
    %scan3A_13 = arith.constant 5 : i32
    %scan3A_14 = arith.addi %scan3A_12, %scan3A_13 : i32
    %scan3A_15 = arith.constant 1 : i32
    %scan3A_16 = scf.for %scan3A_41 = %scan3A_12 to %scan3A_14 step %scan3A_15 iter_args(%scan3A_42 = %scan3A_11) -> (i32)  : i32 {
      %mul3A_43 = arith.constant 640 : i32
      %mul3A_44 = arith.muli %arg1, %mul3A_43 : i32
      %mul3A_45 = arith.constant 128 : i32
      %mul3A_46 = arith.muli %scan3A_41, %mul3A_45 : i32
      %add3A_47 = arith.addi %mul3A_44, %mul3A_46 : i32
      "tpu.region"() ({
        %run_scoped3A = tpu.sem_alloc : memref<!tpu.dma_semaphore, #tpu.memory_space<semaphore_mem>>
        %dma_start3A = tpu.memref_slice %arg9[%add3A_47] : memref<10240xf32, #tpu.memory_space<vmem_shared>> -> memref<128xf32, #tpu.memory_space<vmem_shared>>
        %dma_start3A_49 = tpu.memref_slice %arg9[%add3A_47] : memref<10240xf32, #tpu.memory_space<vmem_shared>> -> memref<128xf32, #tpu.memory_space<vmem_shared>>
        tpu.enqueue_dma source(%arg6 : memref<128xf32, #tpu.memory_space<vmem>>) target(%dma_start3A_49 : memref<128xf32, #tpu.memory_space<vmem_shared>>) target_semaphore(%run_scoped3A : memref<!tpu.dma_semaphore, #tpu.memory_space<semaphore_mem>>)
        %dma_wait3A = tpu.memref_slice %arg9[%add3A_47] : memref<10240xf32, #tpu.memory_space<vmem_shared>> -> memref<128xf32, #tpu.memory_space<vmem_shared>>
        %dma_wait3A_50 = tpu.memref_slice %arg9[%add3A_47] : memref<10240xf32, #tpu.memory_space<vmem_shared>> -> memref<128xf32, #tpu.memory_space<vmem_shared>>
        tpu.wait_dma2 semaphore(%run_scoped3A : memref<!tpu.dma_semaphore, #tpu.memory_space<semaphore_mem>>) src(%arg6 : memref<128xf32, #tpu.memory_space<vmem>>) dst(%dma_wait3A_50 : memref<128xf32, #tpu.memory_space<vmem_shared>>)
        tpu.yield
      }) : () -> ()
      %scan3A_48 = arith.constant 0 : i32
      scf.yield %scan3A_48 : i32
    }
    %scan3A_17 = arith.constant 5 : i32
    %barrier3A = arith.constant 0 : index
    tpu.barrier barrier_id(%barrier3A)
    %eq3A_18 = arith.constant 1 : i32
    %eq3A_19 = arith.cmpi eq, %arg0, %eq3A_18 : i32
    %lt3A = arith.constant 4 : i32
    %lt3A_20 = arith.cmpi slt, %arg1, %lt3A : i32
    %and3A = arith.andi %eq3A_19, %lt3A_20 : i1
    %eq3A_21 = arith.constant 0 : i32
    %eq3A_22 = arith.cmpi eq, %arg0, %eq3A_21 : i32
    %convert_element_type3A = arith.extui %eq3A_22 : i1 to i32
    %cond3A = arith.constant 0 : i32
    %cond3A_23 = arith.cmpi ne, %convert_element_type3A, %cond3A : i32
    scf.if %cond3A_23 {
      "tpu.region"() ({
        %run_scoped3A = tpu.sem_alloc : memref<!tpu.dma_semaphore, #tpu.memory_space<semaphore_mem>>
        %dma_start3A = arith.constant 0 : i32
        %dma_start3A_55 = arith.constant 0 : i32
        %dma_start3A_56 = tpu.memref_slice %arg4[%dma_start3A, %dma_start3A_55] : memref<120x128xi32, #tpu.memory_space<vmem>> -> memref<120x128xi32, #tpu.memory_space<vmem>>
        %dma_start3A_57 = arith.constant 0 : i32
        %dma_start3A_58 = tpu.memref_slice %arg2[%select_n3A, %dma_start3A_57] : memref<2500x128xi32, #tpu.memory_space<hbm>> -> memref<120x128xi32, #tpu.memory_space<hbm>>
        %dma_start3A_59 = arith.constant 0 : i32
        %dma_start3A_60 = arith.constant 0 : i32
        %dma_start3A_61 = tpu.memref_slice %arg4[%dma_start3A_59, %dma_start3A_60] : memref<120x128xi32, #tpu.memory_space<vmem>> -> memref<120x128xi32, #tpu.memory_space<vmem>>
        %dma_start3A_62 = arith.constant 0 : i32
        %dma_start3A_63 = tpu.memref_slice %arg2[%select_n3A, %dma_start3A_62] : memref<2500x128xi32, #tpu.memory_space<hbm>> -> memref<120x128xi32, #tpu.memory_space<hbm>>
        tpu.enqueue_dma source(%dma_start3A_63 : memref<120x128xi32, #tpu.memory_space<hbm>>) target(%dma_start3A_61 : memref<120x128xi32, #tpu.memory_space<vmem>>) target_semaphore(%run_scoped3A : memref<!tpu.dma_semaphore, #tpu.memory_space<semaphore_mem>>)
        %dma_wait3A = arith.constant 0 : i32
        %dma_wait3A_64 = arith.constant 0 : i32
        %dma_wait3A_65 = tpu.memref_slice %arg4[%dma_wait3A, %dma_wait3A_64] : memref<120x128xi32, #tpu.memory_space<vmem>> -> memref<120x128xi32, #tpu.memory_space<vmem>>
        %dma_wait3A_66 = arith.constant 0 : i32
        %dma_wait3A_67 = tpu.memref_slice %arg2[%select_n3A, %dma_wait3A_66] : memref<2500x128xi32, #tpu.memory_space<hbm>> -> memref<120x128xi32, #tpu.memory_space<hbm>>
        %dma_wait3A_68 = arith.constant 0 : i32
        %dma_wait3A_69 = arith.constant 0 : i32
        %dma_wait3A_70 = tpu.memref_slice %arg4[%dma_wait3A_68, %dma_wait3A_69] : memref<120x128xi32, #tpu.memory_space<vmem>> -> memref<120x128xi32, #tpu.memory_space<vmem>>
        %dma_wait3A_71 = arith.constant 0 : i32
        %dma_wait3A_72 = tpu.memref_slice %arg2[%select_n3A, %dma_wait3A_71] : memref<2500x128xi32, #tpu.memory_space<hbm>> -> memref<120x128xi32, #tpu.memory_space<hbm>>
        tpu.wait_dma2 semaphore(%run_scoped3A : memref<!tpu.dma_semaphore, #tpu.memory_space<semaphore_mem>>) src(%dma_wait3A_72 : memref<120x128xi32, #tpu.memory_space<hbm>>) dst(%dma_wait3A_70 : memref<120x128xi32, #tpu.memory_space<vmem>>)
        tpu.yield
      }) : () -> ()
      %scan3A_41 = arith.constant 0 : i32
      %scan3A_42 = arith.constant 0 : i32
      %scan3A_43 = arith.constant 120 : i32
      %scan3A_44 = arith.addi %scan3A_42, %scan3A_43 : i32
      %scan3A_45 = arith.constant 1 : i32
      %scan3A_46 = scf.for %scan3A_55 = %scan3A_42 to %scan3A_44 step %scan3A_45 iter_args(%scan3A_56 = %scan3A_41) -> (i32)  : i32 {
        %dma_start3A = arith.constant 0 : i32
        %dma_start3A_57 = tpu.memref_slice %arg4[%scan3A_55, %dma_start3A] : memref<120x128xi32, #tpu.memory_space<vmem>> -> memref<1x128xi32, #tpu.memory_space<vmem>>
        %dma_start3A_58 = tpu.memref_squeeze %dma_start3A_57 : memref<1x128xi32, #tpu.memory_space<vmem>> -> memref<128xi32, #tpu.memory_space<vmem>>
        %dma_start3A_59 = arith.constant 0 : i32
        %dma_start3A_60 = tpu.memref_slice %arg9[%dma_start3A_59] : memref<10240xf32, #tpu.memory_space<vmem_shared>> -> memref<10240xf32, #tpu.memory_space<vmem_shared>>
        tpu.enqueue_indirect_dma source(%arg5 : memref<128xf32, #tpu.memory_space<vmem>>) target(%dma_start3A_60 : memref<10240xf32, #tpu.memory_space<vmem_shared>>) offsets(%dma_start3A_58 : memref<128xi32, #tpu.memory_space<vmem>>) semaphore(%arg10 : memref<!tpu.dma_semaphore, #tpu.memory_space<semaphore_mem>>) {add = true}
        %scan3A_61 = arith.constant 0 : i32
        scf.yield %scan3A_61 : i32
      }
      %scan3A_47 = arith.constant 120 : i32
      %scan3A_48 = arith.constant 0 : i32
      %scan3A_49 = arith.constant 0 : i32
      %scan3A_50 = arith.constant 120 : i32
      %scan3A_51 = arith.addi %scan3A_49, %scan3A_50 : i32
      %scan3A_52 = arith.constant 1 : i32
      %scan3A_53 = scf.for %scan3A_55 = %scan3A_49 to %scan3A_51 step %scan3A_52 iter_args(%scan3A_56 = %scan3A_48) -> (i32)  : i32 {
        %dma_wait3A = arith.constant 0 : i32
        %dma_wait3A_57 = tpu.memref_slice %arg4[%scan3A_55, %dma_wait3A] : memref<120x128xi32, #tpu.memory_space<vmem>> -> memref<1x128xi32, #tpu.memory_space<vmem>>
        %dma_wait3A_58 = tpu.memref_squeeze %dma_wait3A_57 : memref<1x128xi32, #tpu.memory_space<vmem>> -> memref<128xi32, #tpu.memory_space<vmem>>
        %dma_wait3A_59 = arith.constant 0 : i32
        %dma_wait3A_60 = tpu.memref_slice %arg9[%dma_wait3A_59] : memref<10240xf32, #tpu.memory_space<vmem_shared>> -> memref<10240xf32, #tpu.memory_space<vmem_shared>>
        tpu.wait_indirect_dma semaphore(%arg10 : memref<!tpu.dma_semaphore, #tpu.memory_space<semaphore_mem>>) src(%arg5 : memref<128xf32, #tpu.memory_space<vmem>>) dst(%dma_wait3A_60 : memref<10240xf32, #tpu.memory_space<vmem_shared>>)
        %scan3A_61 = arith.constant 0 : i32
        scf.yield %scan3A_61 : i32
      }
      %scan3A_54 = arith.constant 120 : i32
    } else {
    }
    %eq3A_24 = arith.constant 1 : i32
    %eq3A_25 = arith.cmpi eq, %arg0, %eq3A_24 : i32
    %convert_element_type3A_26 = arith.extui %eq3A_25 : i1 to i32
    %cond3A_27 = arith.constant 0 : i32
    %cond3A_28 = arith.cmpi ne, %convert_element_type3A_26, %cond3A_27 : i32
    scf.if %cond3A_28 {
      "tpu.region"() ({
        %run_scoped3A = tpu.sem_alloc : memref<!tpu.dma_semaphore, #tpu.memory_space<semaphore_mem>>
        %dma_start3A = arith.constant 0 : i32
        %dma_start3A_70 = arith.constant 0 : i32
        %dma_start3A_71 = tpu.memref_slice %arg4[%dma_start3A, %dma_start3A_70] : memref<120x128xi32, #tpu.memory_space<vmem>> -> memref<36x128xi32, #tpu.memory_space<vmem>>
        %dma_start3A_72 = arith.constant 0 : i32
        %dma_start3A_73 = tpu.memref_slice %arg2[%select_n3A, %dma_start3A_72] : memref<2500x128xi32, #tpu.memory_space<hbm>> -> memref<36x128xi32, #tpu.memory_space<hbm>>
        %dma_start3A_74 = arith.constant 0 : i32
        %dma_start3A_75 = arith.constant 0 : i32
        %dma_start3A_76 = tpu.memref_slice %arg4[%dma_start3A_74, %dma_start3A_75] : memref<120x128xi32, #tpu.memory_space<vmem>> -> memref<36x128xi32, #tpu.memory_space<vmem>>
        %dma_start3A_77 = arith.constant 0 : i32
        %dma_start3A_78 = tpu.memref_slice %arg2[%select_n3A, %dma_start3A_77] : memref<2500x128xi32, #tpu.memory_space<hbm>> -> memref<36x128xi32, #tpu.memory_space<hbm>>
        tpu.enqueue_dma source(%dma_start3A_78 : memref<36x128xi32, #tpu.memory_space<hbm>>) target(%dma_start3A_76 : memref<36x128xi32, #tpu.memory_space<vmem>>) target_semaphore(%run_scoped3A : memref<!tpu.dma_semaphore, #tpu.memory_space<semaphore_mem>>)
        %dma_wait3A = arith.constant 0 : i32
        %dma_wait3A_79 = arith.constant 0 : i32
        %dma_wait3A_80 = tpu.memref_slice %arg4[%dma_wait3A, %dma_wait3A_79] : memref<120x128xi32, #tpu.memory_space<vmem>> -> memref<36x128xi32, #tpu.memory_space<vmem>>
        %dma_wait3A_81 = arith.constant 0 : i32
        %dma_wait3A_82 = tpu.memref_slice %arg2[%select_n3A, %dma_wait3A_81] : memref<2500x128xi32, #tpu.memory_space<hbm>> -> memref<36x128xi32, #tpu.memory_space<hbm>>
        %dma_wait3A_83 = arith.constant 0 : i32
        %dma_wait3A_84 = arith.constant 0 : i32
        %dma_wait3A_85 = tpu.memref_slice %arg4[%dma_wait3A_83, %dma_wait3A_84] : memref<120x128xi32, #tpu.memory_space<vmem>> -> memref<36x128xi32, #tpu.memory_space<vmem>>
        %dma_wait3A_86 = arith.constant 0 : i32
        %dma_wait3A_87 = tpu.memref_slice %arg2[%select_n3A, %dma_wait3A_86] : memref<2500x128xi32, #tpu.memory_space<hbm>> -> memref<36x128xi32, #tpu.memory_space<hbm>>
        tpu.wait_dma2 semaphore(%run_scoped3A : memref<!tpu.dma_semaphore, #tpu.memory_space<semaphore_mem>>) src(%dma_wait3A_87 : memref<36x128xi32, #tpu.memory_space<hbm>>) dst(%dma_wait3A_85 : memref<36x128xi32, #tpu.memory_space<vmem>>)
        tpu.yield
      }) : () -> ()
      %convert_element_type3A_41 = arith.extui %and3A : i1 to i32
      %cond3A_42 = arith.constant 0 : i32
      %cond3A_43 = arith.cmpi ne, %convert_element_type3A_41, %cond3A_42 : i32
      scf.if %cond3A_43 {
        %add3A_70 = arith.constant 2496 : i32
        %add3A_71 = arith.addi %add3A_70, %arg1 : i32
        %run_scoped3A = arith.constant 36 : i32
        "tpu.region"() ({
          %run_scoped3A_72 = tpu.sem_alloc : memref<!tpu.dma_semaphore, #tpu.memory_space<semaphore_mem>>
          %dma_start3A = arith.constant 0 : i32
          %dma_start3A_73 = tpu.memref_slice %arg4[%run_scoped3A, %dma_start3A] : memref<120x128xi32, #tpu.memory_space<vmem>> -> memref<1x128xi32, #tpu.memory_space<vmem>>
          %dma_start3A_74 = tpu.memref_squeeze %dma_start3A_73 : memref<1x128xi32, #tpu.memory_space<vmem>> -> memref<128xi32, #tpu.memory_space<vmem>>
          %dma_start3A_75 = arith.constant 0 : i32
          %dma_start3A_76 = tpu.memref_slice %arg2[%add3A_71, %dma_start3A_75] : memref<2500x128xi32, #tpu.memory_space<hbm>> -> memref<1x128xi32, #tpu.memory_space<hbm>>
          %dma_start3A_77 = tpu.memref_squeeze %dma_start3A_76 : memref<1x128xi32, #tpu.memory_space<hbm>> -> memref<128xi32, #tpu.memory_space<hbm>>
          %dma_start3A_78 = arith.constant 0 : i32
          %dma_start3A_79 = tpu.memref_slice %arg4[%run_scoped3A, %dma_start3A_78] : memref<120x128xi32, #tpu.memory_space<vmem>> -> memref<1x128xi32, #tpu.memory_space<vmem>>
          %dma_start3A_80 = tpu.memref_squeeze %dma_start3A_79 : memref<1x128xi32, #tpu.memory_space<vmem>> -> memref<128xi32, #tpu.memory_space<vmem>>
          %dma_start3A_81 = arith.constant 0 : i32
          %dma_start3A_82 = tpu.memref_slice %arg2[%add3A_71, %dma_start3A_81] : memref<2500x128xi32, #tpu.memory_space<hbm>> -> memref<1x128xi32, #tpu.memory_space<hbm>>
          %dma_start3A_83 = tpu.memref_squeeze %dma_start3A_82 : memref<1x128xi32, #tpu.memory_space<hbm>> -> memref<128xi32, #tpu.memory_space<hbm>>
          tpu.enqueue_dma source(%dma_start3A_83 : memref<128xi32, #tpu.memory_space<hbm>>) target(%dma_start3A_80 : memref<128xi32, #tpu.memory_space<vmem>>) target_semaphore(%run_scoped3A_72 : memref<!tpu.dma_semaphore, #tpu.memory_space<semaphore_mem>>)
          %dma_wait3A = arith.constant 0 : i32
          %dma_wait3A_84 = tpu.memref_slice %arg4[%run_scoped3A, %dma_wait3A] : memref<120x128xi32, #tpu.memory_space<vmem>> -> memref<1x128xi32, #tpu.memory_space<vmem>>
          %dma_wait3A_85 = tpu.memref_squeeze %dma_wait3A_84 : memref<1x128xi32, #tpu.memory_space<vmem>> -> memref<128xi32, #tpu.memory_space<vmem>>
          %dma_wait3A_86 = arith.constant 0 : i32
          %dma_wait3A_87 = tpu.memref_slice %arg2[%add3A_71, %dma_wait3A_86] : memref<2500x128xi32, #tpu.memory_space<hbm>> -> memref<1x128xi32, #tpu.memory_space<hbm>>
          %dma_wait3A_88 = tpu.memref_squeeze %dma_wait3A_87 : memref<1x128xi32, #tpu.memory_space<hbm>> -> memref<128xi32, #tpu.memory_space<hbm>>
          %dma_wait3A_89 = arith.constant 0 : i32
          %dma_wait3A_90 = tpu.memref_slice %arg4[%run_scoped3A, %dma_wait3A_89] : memref<120x128xi32, #tpu.memory_space<vmem>> -> memref<1x128xi32, #tpu.memory_space<vmem>>
          %dma_wait3A_91 = tpu.memref_squeeze %dma_wait3A_90 : memref<1x128xi32, #tpu.memory_space<vmem>> -> memref<128xi32, #tpu.memory_space<vmem>>
          %dma_wait3A_92 = arith.constant 0 : i32
          %dma_wait3A_93 = tpu.memref_slice %arg2[%add3A_71, %dma_wait3A_92] : memref<2500x128xi32, #tpu.memory_space<hbm>> -> memref<1x128xi32, #tpu.memory_space<hbm>>
          %dma_wait3A_94 = tpu.memref_squeeze %dma_wait3A_93 : memref<1x128xi32, #tpu.memory_space<hbm>> -> memref<128xi32, #tpu.memory_space<hbm>>
          tpu.wait_dma2 semaphore(%run_scoped3A_72 : memref<!tpu.dma_semaphore, #tpu.memory_space<semaphore_mem>>) src(%dma_wait3A_94 : memref<128xi32, #tpu.memory_space<hbm>>) dst(%dma_wait3A_91 : memref<128xi32, #tpu.memory_space<vmem>>)
          tpu.yield
        }) : () -> ()
      } else {
      }
      %convert_element_type3A_44 = arith.extui %and3A : i1 to i32
      %add3A_45 = arith.constant 36 : i32
      %add3A_46 = arith.addi %add3A_45, %convert_element_type3A_44 : i32
      %while3A = arith.constant 0 : i32
      %while3A_47 = arith.constant 0 : i32
      %while3A_48 = arith.subi %add3A_46, %while3A : i32
      %while3A_49 = arith.addi %while3A, %while3A_48 : i32
      %while3A_50 = arith.constant 1 : i32
      %while3A_51 = arith.divsi %while3A_48, %while3A_50 : i32
      %while3A_52 = arith.muli %while3A_51, %while3A_50 : i32
      %while3A_53 = arith.addi %while3A, %while3A_52 : i32
      %while3A_54 = arith.constant 1 : i32
      %while3A_55 = scf.for %while3A_70 = %while3A to %while3A_53 step %while3A_54 iter_args(%while3A_71 = %while3A_47) -> (i32)  : i32 {
        %dma_start3A = arith.constant 0 : i32
        %dma_start3A_72 = tpu.memref_slice %arg4[%while3A_70, %dma_start3A] : memref<120x128xi32, #tpu.memory_space<vmem>> -> memref<1x128xi32, #tpu.memory_space<vmem>>
        %dma_start3A_73 = tpu.memref_squeeze %dma_start3A_72 : memref<1x128xi32, #tpu.memory_space<vmem>> -> memref<128xi32, #tpu.memory_space<vmem>>
        %dma_start3A_74 = arith.constant 0 : i32
        %dma_start3A_75 = tpu.memref_slice %arg9[%dma_start3A_74] : memref<10240xf32, #tpu.memory_space<vmem_shared>> -> memref<10240xf32, #tpu.memory_space<vmem_shared>>
        tpu.enqueue_indirect_dma source(%arg5 : memref<128xf32, #tpu.memory_space<vmem>>) target(%dma_start3A_75 : memref<10240xf32, #tpu.memory_space<vmem_shared>>) offsets(%dma_start3A_73 : memref<128xi32, #tpu.memory_space<vmem>>) semaphore(%arg10 : memref<!tpu.dma_semaphore, #tpu.memory_space<semaphore_mem>>) {add = true}
        %while3A_76 = arith.constant 0 : i32
        scf.yield %while3A_76 : i32
      }
      %while3A_56 = arith.constant 1 : i32
      %while3A_57 = scf.for %while3A_70 = %while3A_53 to %while3A_49 step %while3A_56 iter_args(%while3A_71 = %while3A_55) -> (i32)  : i32 {
        %dma_start3A = arith.constant 0 : i32
        %dma_start3A_72 = tpu.memref_slice %arg4[%while3A_70, %dma_start3A] : memref<120x128xi32, #tpu.memory_space<vmem>> -> memref<1x128xi32, #tpu.memory_space<vmem>>
        %dma_start3A_73 = tpu.memref_squeeze %dma_start3A_72 : memref<1x128xi32, #tpu.memory_space<vmem>> -> memref<128xi32, #tpu.memory_space<vmem>>
        %dma_start3A_74 = arith.constant 0 : i32
        %dma_start3A_75 = tpu.memref_slice %arg9[%dma_start3A_74] : memref<10240xf32, #tpu.memory_space<vmem_shared>> -> memref<10240xf32, #tpu.memory_space<vmem_shared>>
        tpu.enqueue_indirect_dma source(%arg5 : memref<128xf32, #tpu.memory_space<vmem>>) target(%dma_start3A_75 : memref<10240xf32, #tpu.memory_space<vmem_shared>>) offsets(%dma_start3A_73 : memref<128xi32, #tpu.memory_space<vmem>>) semaphore(%arg10 : memref<!tpu.dma_semaphore, #tpu.memory_space<semaphore_mem>>) {add = true}
        %while3A_76 = arith.constant 0 : i32
        scf.yield %while3A_76 : i32
      }
      %while3A_58 = arith.constant 0 : i32
      %while3A_59 = arith.constant 0 : i32
      %while3A_60 = arith.subi %add3A_46, %while3A_58 : i32
      %while3A_61 = arith.addi %while3A_58, %while3A_60 : i32
      %while3A_62 = arith.constant 1 : i32
      %while3A_63 = arith.divsi %while3A_60, %while3A_62 : i32
      %while3A_64 = arith.muli %while3A_63, %while3A_62 : i32
      %while3A_65 = arith.addi %while3A_58, %while3A_64 : i32
      %while3A_66 = arith.constant 1 : i32
      %while3A_67 = scf.for %while3A_70 = %while3A_58 to %while3A_65 step %while3A_66 iter_args(%while3A_71 = %while3A_59) -> (i32)  : i32 {
        %dma_wait3A = arith.constant 0 : i32
        %dma_wait3A_72 = tpu.memref_slice %arg4[%while3A_70, %dma_wait3A] : memref<120x128xi32, #tpu.memory_space<vmem>> -> memref<1x128xi32, #tpu.memory_space<vmem>>
        %dma_wait3A_73 = tpu.memref_squeeze %dma_wait3A_72 : memref<1x128xi32, #tpu.memory_space<vmem>> -> memref<128xi32, #tpu.memory_space<vmem>>
        %dma_wait3A_74 = arith.constant 0 : i32
        %dma_wait3A_75 = tpu.memref_slice %arg9[%dma_wait3A_74] : memref<10240xf32, #tpu.memory_space<vmem_shared>> -> memref<10240xf32, #tpu.memory_space<vmem_shared>>
        tpu.wait_indirect_dma semaphore(%arg10 : memref<!tpu.dma_semaphore, #tpu.memory_space<semaphore_mem>>) src(%arg5 : memref<128xf32, #tpu.memory_space<vmem>>) dst(%dma_wait3A_75 : memref<10240xf32, #tpu.memory_space<vmem_shared>>)
        %while3A_76 = arith.constant 0 : i32
        scf.yield %while3A_76 : i32
      }
      %while3A_68 = arith.constant 1 : i32
      %while3A_69 = scf.for %while3A_70 = %while3A_65 to %while3A_61 step %while3A_68 iter_args(%while3A_71 = %while3A_67) -> (i32)  : i32 {
        %dma_wait3A = arith.constant 0 : i32
        %dma_wait3A_72 = tpu.memref_slice %arg4[%while3A_70, %dma_wait3A] : memref<120x128xi32, #tpu.memory_space<vmem>> -> memref<1x128xi32, #tpu.memory_space<vmem>>
        %dma_wait3A_73 = tpu.memref_squeeze %dma_wait3A_72 : memref<1x128xi32, #tpu.memory_space<vmem>> -> memref<128xi32, #tpu.memory_space<vmem>>
        %dma_wait3A_74 = arith.constant 0 : i32
        %dma_wait3A_75 = tpu.memref_slice %arg9[%dma_wait3A_74] : memref<10240xf32, #tpu.memory_space<vmem_shared>> -> memref<10240xf32, #tpu.memory_space<vmem_shared>>
        tpu.wait_indirect_dma semaphore(%arg10 : memref<!tpu.dma_semaphore, #tpu.memory_space<semaphore_mem>>) src(%arg5 : memref<128xf32, #tpu.memory_space<vmem>>) dst(%dma_wait3A_75 : memref<10240xf32, #tpu.memory_space<vmem_shared>>)
        %while3A_76 = arith.constant 0 : i32
        scf.yield %while3A_76 : i32
      }
    } else {
    }
    %barrier3A_29 = arith.constant 0 : index
    tpu.barrier barrier_id(%barrier3A_29)
    %mul3A_30 = arith.constant 640 : i32
    %mul3A_31 = arith.muli %arg1, %mul3A_30 : i32
    "tpu.region"() ({
      %run_scoped3A = tpu.sem_alloc : memref<!tpu.dma_semaphore, #tpu.memory_space<semaphore_mem>>
      %dma_start3A = tpu.memref_slice %arg9[%mul3A_31] : memref<10240xf32, #tpu.memory_space<vmem_shared>> -> memref<640xf32, #tpu.memory_space<vmem_shared>>
      %dma_start3A_41 = tpu.memref_slice %arg9[%mul3A_31] : memref<10240xf32, #tpu.memory_space<vmem_shared>> -> memref<640xf32, #tpu.memory_space<vmem_shared>>
      tpu.enqueue_dma source(%dma_start3A_41 : memref<640xf32, #tpu.memory_space<vmem_shared>>) target(%arg7 : memref<640xf32, #tpu.memory_space<vmem>>) target_semaphore(%run_scoped3A : memref<!tpu.dma_semaphore, #tpu.memory_space<semaphore_mem>>)
      %dma_wait3A = tpu.memref_slice %arg9[%mul3A_31] : memref<10240xf32, #tpu.memory_space<vmem_shared>> -> memref<640xf32, #tpu.memory_space<vmem_shared>>
      %dma_wait3A_42 = tpu.memref_slice %arg9[%mul3A_31] : memref<10240xf32, #tpu.memory_space<vmem_shared>> -> memref<640xf32, #tpu.memory_space<vmem_shared>>
      tpu.wait_dma2 semaphore(%run_scoped3A : memref<!tpu.dma_semaphore, #tpu.memory_space<semaphore_mem>>) src(%dma_wait3A_42 : memref<640xf32, #tpu.memory_space<vmem_shared>>) dst(%arg7 : memref<640xf32, #tpu.memory_space<vmem>>)
      tpu.yield
    }) : () -> ()
    %scan3A_32 = arith.constant 0 : i32
    %scan3A_33 = arith.constant 0 : i32
    %scan3A_34 = arith.constant 640 : i32
    %scan3A_35 = arith.addi %scan3A_33, %scan3A_34 : i32
    %scan3A_36 = arith.constant 1 : i32
    %scan3A_37 = scf.for %scan3A_41 = %scan3A_33 to %scan3A_35 step %scan3A_36 iter_args(%scan3A_42 = %scan3A_32) -> (i32)  : i32 {
      %broadcast_in_dim3A = vector.broadcast %scan3A_41 : i32 to vector<16xi32>
      %gather3A = tpu.vector_load_idx %arg7[%broadcast_in_dim3A] : memref<640xf32, #tpu.memory_space<vmem>>[vector<16xi32>], vector<16xf32>,
      %swap3A = arith.index_cast %scan3A_41 : i32 to index
      %swap3A_43 = arith.constant 0 : index
      %swap3A_44 = tpu.vector_load %arg8[%swap3A, %swap3A_43] {strides = array<i32>} : memref<640x16xf32, #tpu.memory_space<vmem>>, vector<16xf32>,
      tpu.vector_store %arg8[%swap3A, %swap3A_43], %gather3A {strides = array<i32>} : memref<640x16xf32, #tpu.memory_space<vmem>>, vector<16xf32>,
      %scan3A_45 = arith.constant 0 : i32
      scf.yield %scan3A_45 : i32
    }
    %scan3A_38 = arith.constant 640 : i32
    %mul3A_39 = arith.constant 640 : i32
    %mul3A_40 = arith.muli %arg1, %mul3A_39 : i32
    "tpu.region"() ({
      %run_scoped3A = tpu.sem_alloc : memref<!tpu.dma_semaphore, #tpu.memory_space<semaphore_mem>>
      %dma_start3A = arith.constant 0 : i32
      %dma_start3A_41 = tpu.memref_slice %arg3[%arg0, %mul3A_40, %dma_start3A] : memref<2x10240x16xf32, #tpu.memory_space<hbm>> -> memref<1x640x16xf32, #tpu.memory_space<hbm>>
      %dma_start3A_42 = tpu.memref_squeeze %dma_start3A_41 : memref<1x640x16xf32, #tpu.memory_space<hbm>> -> memref<640x16xf32, #tpu.memory_space<hbm>>
      %dma_start3A_43 = arith.constant 0 : i32
      %dma_start3A_44 = tpu.memref_slice %arg3[%arg0, %mul3A_40, %dma_start3A_43] : memref<2x10240x16xf32, #tpu.memory_space<hbm>> -> memref<1x640x16xf32, #tpu.memory_space<hbm>>
      %dma_start3A_45 = tpu.memref_squeeze %dma_start3A_44 : memref<1x640x16xf32, #tpu.memory_space<hbm>> -> memref<640x16xf32, #tpu.memory_space<hbm>>
      tpu.enqueue_dma source(%arg8 : memref<640x16xf32, #tpu.memory_space<vmem>>) target(%dma_start3A_45 : memref<640x16xf32, #tpu.memory_space<hbm>>) target_semaphore(%run_scoped3A : memref<!tpu.dma_semaphore, #tpu.memory_space<semaphore_mem>>)
      %dma_wait3A = arith.constant 0 : i32
      %dma_wait3A_46 = tpu.memref_slice %arg3[%arg0, %mul3A_40, %dma_wait3A] : memref<2x10240x16xf32, #tpu.memory_space<hbm>> -> memref<1x640x16xf32, #tpu.memory_space<hbm>>
      %dma_wait3A_47 = tpu.memref_squeeze %dma_wait3A_46 : memref<1x640x16xf32, #tpu.memory_space<hbm>> -> memref<640x16xf32, #tpu.memory_space<hbm>>
      %dma_wait3A_48 = arith.constant 0 : i32
      %dma_wait3A_49 = tpu.memref_slice %arg3[%arg0, %mul3A_40, %dma_wait3A_48] : memref<2x10240x16xf32, #tpu.memory_space<hbm>> -> memref<1x640x16xf32, #tpu.memory_space<hbm>>
      %dma_wait3A_50 = tpu.memref_squeeze %dma_wait3A_49 : memref<1x640x16xf32, #tpu.memory_space<hbm>> -> memref<640x16xf32, #tpu.memory_space<hbm>>
      tpu.wait_dma2 semaphore(%run_scoped3A : memref<!tpu.dma_semaphore, #tpu.memory_space<semaphore_mem>>) src(%arg8 : memref<640x16xf32, #tpu.memory_space<vmem>>) dst(%dma_wait3A_50 : memref<640x16xf32, #tpu.memory_space<hbm>>)
      tpu.yield
    }) : () -> ()
    return
  }
}

#map = affine_map<(d0, d1) -> (0, 0)>
#map1 = affine_map<(d0, d1) -> (0, 0, 0)>
module attributes {stable_mosaic.version = 14 : i64} {
  func.func @_sc_aggregate_body(%arg0: i32, %arg1: i32, %arg2: memref<10240x16xf32, #tpu.memory_space<hbm>>, %arg3: memref<2500x128xi32, #tpu.memory_space<hbm>>, %arg4: memref<2500x128xi32, #tpu.memory_space<hbm>>, %arg5: memref<640x16xf32, #tpu.memory_space<hbm>>, %arg6: memref<2x10240x16xf32, #tpu.memory_space<hbm>>, %arg7: memref<120x128xi32, #tpu.memory_space<vmem>>, %arg8: memref<120x128xi32, #tpu.memory_space<vmem>>, %arg9: memref<128x16xf32, #tpu.memory_space<vmem>>, %arg10: memref<128x16xf32, #tpu.memory_space<vmem>>, %arg11: memref<128x16xf32, #tpu.memory_space<vmem>>, %arg12: memref<128x16xf32, #tpu.memory_space<vmem>>, %arg13: memref<10240x16xf32, #tpu.memory_space<vmem_shared>>, %arg14: memref<!tpu.dma_semaphore, #tpu.memory_space<semaphore_mem>>, %arg15: memref<!tpu.dma_semaphore, #tpu.memory_space<semaphore_mem>>, %arg16: memref<!tpu.dma_semaphore, #tpu.memory_space<semaphore_mem>>, %arg17: memref<!tpu.dma_semaphore, #tpu.memory_space<semaphore_mem>>) attributes {dimension_semantics = [#tpu.dimension_semantics<core_parallel>, #tpu.dimension_semantics<subcore_parallel>], iteration_bounds = array<i64: 2, 16>, scalar_prefetch = 0 : i64, scratch_operands = 11 : i64, tpu.core_type = #tpu.core_type<sc_vector_subcore>, window_params = [{transform_indices = #map}, {transform_indices = #map}, {transform_indices = #map}, {transform_indices = #map}, {transform_indices = #map1}]} {
    %eq3A = arith.constant 0 : i32
    %eq3A_0 = arith.cmpi eq, %arg0, %eq3A : i32
    %mul3A = arith.constant 120 : i32
    %mul3A_1 = arith.muli %arg1, %mul3A : i32
    %mul3A_2 = arith.constant 36 : i32
    %mul3A_3 = arith.muli %arg1, %mul3A_2 : i32
    %add3A = arith.constant 1920 : i32
    %add3A_4 = arith.addi %add3A, %mul3A_3 : i32
    %select_n3A = arith.select %eq3A_0, %mul3A_1, %add3A_4 : i32
    %mul3A_5 = arith.constant 640 : i32
    %mul3A_6 = arith.muli %arg1, %mul3A_5 : i32
    "tpu.region"() ({
      %run_scoped3A = tpu.sem_alloc : memref<!tpu.dma_semaphore, #tpu.memory_space<semaphore_mem>>
      %dma_start3A = arith.constant 0 : i32
      %dma_start3A_23 = tpu.memref_slice %arg13[%mul3A_6, %dma_start3A] : memref<10240x16xf32, #tpu.memory_space<vmem_shared>> -> memref<640x16xf32, #tpu.memory_space<vmem_shared>>
      tpu.enqueue_dma source(%arg5 : memref<640x16xf32, #tpu.memory_space<hbm>>) target(%dma_start3A_23 : memref<640x16xf32, #tpu.memory_space<vmem_shared>>) target_semaphore(%run_scoped3A : memref<!tpu.dma_semaphore, #tpu.memory_space<semaphore_mem>>)
      %dma_wait3A = arith.constant 0 : i32
      %dma_wait3A_24 = tpu.memref_slice %arg13[%mul3A_6, %dma_wait3A] : memref<10240x16xf32, #tpu.memory_space<vmem_shared>> -> memref<640x16xf32, #tpu.memory_space<vmem_shared>>
      tpu.wait_dma2 semaphore(%run_scoped3A : memref<!tpu.dma_semaphore, #tpu.memory_space<semaphore_mem>>) src(%arg5 : memref<640x16xf32, #tpu.memory_space<hbm>>) dst(%dma_wait3A_24 : memref<640x16xf32, #tpu.memory_space<vmem_shared>>)
      tpu.yield
    }) : () -> ()
    %barrier3A = arith.constant 0 : index
    tpu.barrier barrier_id(%barrier3A)
    %eq3A_7 = arith.constant 1 : i32
    %eq3A_8 = arith.cmpi eq, %arg0, %eq3A_7 : i32
    %lt3A = arith.constant 4 : i32
    %lt3A_9 = arith.cmpi slt, %arg1, %lt3A : i32
    %and3A = arith.andi %eq3A_8, %lt3A_9 : i1
    %eq3A_10 = arith.constant 0 : i32
    %eq3A_11 = arith.cmpi eq, %arg0, %eq3A_10 : i32
    %convert_element_type3A = arith.extui %eq3A_11 : i1 to i32
    %cond3A = arith.constant 0 : i32
    %cond3A_12 = arith.cmpi ne, %convert_element_type3A, %cond3A : i32
    scf.if %cond3A_12 {
      "tpu.region"() ({
        %run_scoped3A = tpu.sem_alloc : memref<!tpu.dma_semaphore, #tpu.memory_space<semaphore_mem>>
        %dma_start3A = arith.constant 0 : i32
        %dma_start3A_56 = arith.constant 0 : i32
        %dma_start3A_57 = tpu.memref_slice %arg7[%dma_start3A, %dma_start3A_56] : memref<120x128xi32, #tpu.memory_space<vmem>> -> memref<120x128xi32, #tpu.memory_space<vmem>>
        %dma_start3A_58 = arith.constant 0 : i32
        %dma_start3A_59 = tpu.memref_slice %arg3[%select_n3A, %dma_start3A_58] : memref<2500x128xi32, #tpu.memory_space<hbm>> -> memref<120x128xi32, #tpu.memory_space<hbm>>
        %dma_start3A_60 = arith.constant 0 : i32
        %dma_start3A_61 = arith.constant 0 : i32
        %dma_start3A_62 = tpu.memref_slice %arg7[%dma_start3A_60, %dma_start3A_61] : memref<120x128xi32, #tpu.memory_space<vmem>> -> memref<120x128xi32, #tpu.memory_space<vmem>>
        %dma_start3A_63 = arith.constant 0 : i32
        %dma_start3A_64 = tpu.memref_slice %arg3[%select_n3A, %dma_start3A_63] : memref<2500x128xi32, #tpu.memory_space<hbm>> -> memref<120x128xi32, #tpu.memory_space<hbm>>
        tpu.enqueue_dma source(%dma_start3A_64 : memref<120x128xi32, #tpu.memory_space<hbm>>) target(%dma_start3A_62 : memref<120x128xi32, #tpu.memory_space<vmem>>) target_semaphore(%run_scoped3A : memref<!tpu.dma_semaphore, #tpu.memory_space<semaphore_mem>>)
        %dma_wait3A_65 = arith.constant 0 : i32
        %dma_wait3A_66 = arith.constant 0 : i32
        %dma_wait3A_67 = tpu.memref_slice %arg7[%dma_wait3A_65, %dma_wait3A_66] : memref<120x128xi32, #tpu.memory_space<vmem>> -> memref<120x128xi32, #tpu.memory_space<vmem>>
        %dma_wait3A_68 = arith.constant 0 : i32
        %dma_wait3A_69 = tpu.memref_slice %arg3[%select_n3A, %dma_wait3A_68] : memref<2500x128xi32, #tpu.memory_space<hbm>> -> memref<120x128xi32, #tpu.memory_space<hbm>>
        %dma_wait3A_70 = arith.constant 0 : i32
        %dma_wait3A_71 = arith.constant 0 : i32
        %dma_wait3A_72 = tpu.memref_slice %arg7[%dma_wait3A_70, %dma_wait3A_71] : memref<120x128xi32, #tpu.memory_space<vmem>> -> memref<120x128xi32, #tpu.memory_space<vmem>>
        %dma_wait3A_73 = arith.constant 0 : i32
        %dma_wait3A_74 = tpu.memref_slice %arg3[%select_n3A, %dma_wait3A_73] : memref<2500x128xi32, #tpu.memory_space<hbm>> -> memref<120x128xi32, #tpu.memory_space<hbm>>
        tpu.wait_dma2 semaphore(%run_scoped3A : memref<!tpu.dma_semaphore, #tpu.memory_space<semaphore_mem>>) src(%dma_wait3A_74 : memref<120x128xi32, #tpu.memory_space<hbm>>) dst(%dma_wait3A_72 : memref<120x128xi32, #tpu.memory_space<vmem>>)
        tpu.yield
      }) : () -> ()
      "tpu.region"() ({
        %run_scoped3A = tpu.sem_alloc : memref<!tpu.dma_semaphore, #tpu.memory_space<semaphore_mem>>
        %dma_start3A = arith.constant 0 : i32
        %dma_start3A_56 = arith.constant 0 : i32
        %dma_start3A_57 = tpu.memref_slice %arg8[%dma_start3A, %dma_start3A_56] : memref<120x128xi32, #tpu.memory_space<vmem>> -> memref<120x128xi32, #tpu.memory_space<vmem>>
        %dma_start3A_58 = arith.constant 0 : i32
        %dma_start3A_59 = tpu.memref_slice %arg4[%select_n3A, %dma_start3A_58] : memref<2500x128xi32, #tpu.memory_space<hbm>> -> memref<120x128xi32, #tpu.memory_space<hbm>>
        %dma_start3A_60 = arith.constant 0 : i32
        %dma_start3A_61 = arith.constant 0 : i32
        %dma_start3A_62 = tpu.memref_slice %arg8[%dma_start3A_60, %dma_start3A_61] : memref<120x128xi32, #tpu.memory_space<vmem>> -> memref<120x128xi32, #tpu.memory_space<vmem>>
        %dma_start3A_63 = arith.constant 0 : i32
        %dma_start3A_64 = tpu.memref_slice %arg4[%select_n3A, %dma_start3A_63] : memref<2500x128xi32, #tpu.memory_space<hbm>> -> memref<120x128xi32, #tpu.memory_space<hbm>>
        tpu.enqueue_dma source(%dma_start3A_64 : memref<120x128xi32, #tpu.memory_space<hbm>>) target(%dma_start3A_62 : memref<120x128xi32, #tpu.memory_space<vmem>>) target_semaphore(%run_scoped3A : memref<!tpu.dma_semaphore, #tpu.memory_space<semaphore_mem>>)
        %dma_wait3A_65 = arith.constant 0 : i32
        %dma_wait3A_66 = arith.constant 0 : i32
        %dma_wait3A_67 = tpu.memref_slice %arg8[%dma_wait3A_65, %dma_wait3A_66] : memref<120x128xi32, #tpu.memory_space<vmem>> -> memref<120x128xi32, #tpu.memory_space<vmem>>
        %dma_wait3A_68 = arith.constant 0 : i32
        %dma_wait3A_69 = tpu.memref_slice %arg4[%select_n3A, %dma_wait3A_68] : memref<2500x128xi32, #tpu.memory_space<hbm>> -> memref<120x128xi32, #tpu.memory_space<hbm>>
        %dma_wait3A_70 = arith.constant 0 : i32
        %dma_wait3A_71 = arith.constant 0 : i32
        %dma_wait3A_72 = tpu.memref_slice %arg8[%dma_wait3A_70, %dma_wait3A_71] : memref<120x128xi32, #tpu.memory_space<vmem>> -> memref<120x128xi32, #tpu.memory_space<vmem>>
        %dma_wait3A_73 = arith.constant 0 : i32
        %dma_wait3A_74 = tpu.memref_slice %arg4[%select_n3A, %dma_wait3A_73] : memref<2500x128xi32, #tpu.memory_space<hbm>> -> memref<120x128xi32, #tpu.memory_space<hbm>>
        tpu.wait_dma2 semaphore(%run_scoped3A : memref<!tpu.dma_semaphore, #tpu.memory_space<semaphore_mem>>) src(%dma_wait3A_74 : memref<120x128xi32, #tpu.memory_space<hbm>>) dst(%dma_wait3A_72 : memref<120x128xi32, #tpu.memory_space<vmem>>)
        tpu.yield
      }) : () -> ()
      %scan3A = arith.constant 0 : i32
      %scan3A_23 = arith.constant 0 : i32
      %scan3A_24 = arith.constant 30 : i32
      %scan3A_25 = arith.addi %scan3A_23, %scan3A_24 : i32
      %scan3A_26 = arith.constant 1 : i32
      %scan3A_27 = scf.for %scan3A_56 = %scan3A_23 to %scan3A_25 step %scan3A_26 iter_args(%scan3A_57 = %scan3A) -> (i32)  : i32 {
        %mul3A_58 = arith.constant 4 : i32
        %mul3A_59 = arith.muli %scan3A_56, %mul3A_58 : i32
        %add3A_60 = arith.constant 0 : i32
        %add3A_61 = arith.addi %mul3A_59, %add3A_60 : i32
        %gt3A = arith.constant 0 : i32
        %gt3A_62 = arith.cmpi sgt, %scan3A_56, %gt3A : i32
        %convert_element_type3A_63 = arith.extui %gt3A_62 : i1 to i32
        %cond3A_64 = arith.constant 0 : i32
        %cond3A_65 = arith.cmpi ne, %convert_element_type3A_63, %cond3A_64 : i32
        scf.if %cond3A_65 {
          %sub3A = arith.constant 4 : i32
          %sub3A_181 = arith.subi %add3A_61, %sub3A : i32
          %dma_wait3A_182 = arith.constant 0 : i32
          %dma_wait3A_183 = tpu.memref_slice %arg8[%sub3A_181, %dma_wait3A_182] : memref<120x128xi32, #tpu.memory_space<vmem>> -> memref<1x128xi32, #tpu.memory_space<vmem>>
          %dma_wait3A_184 = tpu.memref_squeeze %dma_wait3A_183 : memref<1x128xi32, #tpu.memory_space<vmem>> -> memref<128xi32, #tpu.memory_space<vmem>>
          %dma_wait3A_185 = arith.constant 0 : i32
          %dma_wait3A_186 = arith.constant 0 : i32
          %dma_wait3A_187 = tpu.memref_slice %arg13[%dma_wait3A_185, %dma_wait3A_186] : memref<10240x16xf32, #tpu.memory_space<vmem_shared>> -> memref<10240x16xf32, #tpu.memory_space<vmem_shared>>
          tpu.wait_indirect_dma semaphore(%arg14 : memref<!tpu.dma_semaphore, #tpu.memory_space<semaphore_mem>>) src(%arg9 : memref<128x16xf32, #tpu.memory_space<vmem>>) dst(%dma_wait3A_187 : memref<10240x16xf32, #tpu.memory_space<vmem_shared>>)
        } else {
        }
        %dma_start3A = arith.constant 0 : i32
        %dma_start3A_66 = tpu.memref_slice %arg7[%add3A_61, %dma_start3A] : memref<120x128xi32, #tpu.memory_space<vmem>> -> memref<1x128xi32, #tpu.memory_space<vmem>>
        %dma_start3A_67 = tpu.memref_squeeze %dma_start3A_66 : memref<1x128xi32, #tpu.memory_space<vmem>> -> memref<128xi32, #tpu.memory_space<vmem>>
        %dma_start3A_68 = arith.constant 0 : i32
        %dma_start3A_69 = arith.constant 0 : i32
        %dma_start3A_70 = tpu.memref_slice %arg2[%dma_start3A_68, %dma_start3A_69] : memref<10240x16xf32, #tpu.memory_space<hbm>> -> memref<10240x16xf32, #tpu.memory_space<hbm>>
        tpu.enqueue_indirect_dma source(%dma_start3A_70 : memref<10240x16xf32, #tpu.memory_space<hbm>>) target(%arg9 : memref<128x16xf32, #tpu.memory_space<vmem>>) offsets(%dma_start3A_67 : memref<128xi32, #tpu.memory_space<vmem>>) semaphore(%arg14 : memref<!tpu.dma_semaphore, #tpu.memory_space<semaphore_mem>>)
        %mul3A_71 = arith.constant 4 : i32
        %mul3A_72 = arith.muli %scan3A_56, %mul3A_71 : i32
        %add3A_73 = arith.constant 1 : i32
        %add3A_74 = arith.addi %mul3A_72, %add3A_73 : i32
        %gt3A_75 = arith.constant 0 : i32
        %gt3A_76 = arith.cmpi sgt, %scan3A_56, %gt3A_75 : i32
        %convert_element_type3A_77 = arith.extui %gt3A_76 : i1 to i32
        %cond3A_78 = arith.constant 0 : i32
        %cond3A_79 = arith.cmpi ne, %convert_element_type3A_77, %cond3A_78 : i32
        scf.if %cond3A_79 {
          %sub3A = arith.constant 4 : i32
          %sub3A_181 = arith.subi %add3A_74, %sub3A : i32
          %dma_wait3A_182 = arith.constant 0 : i32
          %dma_wait3A_183 = tpu.memref_slice %arg8[%sub3A_181, %dma_wait3A_182] : memref<120x128xi32, #tpu.memory_space<vmem>> -> memref<1x128xi32, #tpu.memory_space<vmem>>
          %dma_wait3A_184 = tpu.memref_squeeze %dma_wait3A_183 : memref<1x128xi32, #tpu.memory_space<vmem>> -> memref<128xi32, #tpu.memory_space<vmem>>
          %dma_wait3A_185 = arith.constant 0 : i32
          %dma_wait3A_186 = arith.constant 0 : i32
          %dma_wait3A_187 = tpu.memref_slice %arg13[%dma_wait3A_185, %dma_wait3A_186] : memref<10240x16xf32, #tpu.memory_space<vmem_shared>> -> memref<10240x16xf32, #tpu.memory_space<vmem_shared>>
          tpu.wait_indirect_dma semaphore(%arg15 : memref<!tpu.dma_semaphore, #tpu.memory_space<semaphore_mem>>) src(%arg10 : memref<128x16xf32, #tpu.memory_space<vmem>>) dst(%dma_wait3A_187 : memref<10240x16xf32, #tpu.memory_space<vmem_shared>>)
        } else {
        }
        %dma_start3A_80 = arith.constant 0 : i32
        %dma_start3A_81 = tpu.memref_slice %arg7[%add3A_74, %dma_start3A_80] : memref<120x128xi32, #tpu.memory_space<vmem>> -> memref<1x128xi32, #tpu.memory_space<vmem>>
        %dma_start3A_82 = tpu.memref_squeeze %dma_start3A_81 : memref<1x128xi32, #tpu.memory_space<vmem>> -> memref<128xi32, #tpu.memory_space<vmem>>
        %dma_start3A_83 = arith.constant 0 : i32
        %dma_start3A_84 = arith.constant 0 : i32
        %dma_start3A_85 = tpu.memref_slice %arg2[%dma_start3A_83, %dma_start3A_84] : memref<10240x16xf32, #tpu.memory_space<hbm>> -> memref<10240x16xf32, #tpu.memory_space<hbm>>
        tpu.enqueue_indirect_dma source(%dma_start3A_85 : memref<10240x16xf32, #tpu.memory_space<hbm>>) target(%arg10 : memref<128x16xf32, #tpu.memory_space<vmem>>) offsets(%dma_start3A_82 : memref<128xi32, #tpu.memory_space<vmem>>) semaphore(%arg15 : memref<!tpu.dma_semaphore, #tpu.memory_space<semaphore_mem>>)
        %mul3A_86 = arith.constant 4 : i32
        %mul3A_87 = arith.muli %scan3A_56, %mul3A_86 : i32
        %add3A_88 = arith.constant 2 : i32
        %add3A_89 = arith.addi %mul3A_87, %add3A_88 : i32
        %gt3A_90 = arith.constant 0 : i32
        %gt3A_91 = arith.cmpi sgt, %scan3A_56, %gt3A_90 : i32
        %convert_element_type3A_92 = arith.extui %gt3A_91 : i1 to i32
        %cond3A_93 = arith.constant 0 : i32
        %cond3A_94 = arith.cmpi ne, %convert_element_type3A_92, %cond3A_93 : i32
        scf.if %cond3A_94 {
          %sub3A = arith.constant 4 : i32
          %sub3A_181 = arith.subi %add3A_89, %sub3A : i32
          %dma_wait3A_182 = arith.constant 0 : i32
          %dma_wait3A_183 = tpu.memref_slice %arg8[%sub3A_181, %dma_wait3A_182] : memref<120x128xi32, #tpu.memory_space<vmem>> -> memref<1x128xi32, #tpu.memory_space<vmem>>
          %dma_wait3A_184 = tpu.memref_squeeze %dma_wait3A_183 : memref<1x128xi32, #tpu.memory_space<vmem>> -> memref<128xi32, #tpu.memory_space<vmem>>
          %dma_wait3A_185 = arith.constant 0 : i32
          %dma_wait3A_186 = arith.constant 0 : i32
          %dma_wait3A_187 = tpu.memref_slice %arg13[%dma_wait3A_185, %dma_wait3A_186] : memref<10240x16xf32, #tpu.memory_space<vmem_shared>> -> memref<10240x16xf32, #tpu.memory_space<vmem_shared>>
          tpu.wait_indirect_dma semaphore(%arg16 : memref<!tpu.dma_semaphore, #tpu.memory_space<semaphore_mem>>) src(%arg11 : memref<128x16xf32, #tpu.memory_space<vmem>>) dst(%dma_wait3A_187 : memref<10240x16xf32, #tpu.memory_space<vmem_shared>>)
        } else {
        }
        %dma_start3A_95 = arith.constant 0 : i32
        %dma_start3A_96 = tpu.memref_slice %arg7[%add3A_89, %dma_start3A_95] : memref<120x128xi32, #tpu.memory_space<vmem>> -> memref<1x128xi32, #tpu.memory_space<vmem>>
        %dma_start3A_97 = tpu.memref_squeeze %dma_start3A_96 : memref<1x128xi32, #tpu.memory_space<vmem>> -> memref<128xi32, #tpu.memory_space<vmem>>
        %dma_start3A_98 = arith.constant 0 : i32
        %dma_start3A_99 = arith.constant 0 : i32
        %dma_start3A_100 = tpu.memref_slice %arg2[%dma_start3A_98, %dma_start3A_99] : memref<10240x16xf32, #tpu.memory_space<hbm>> -> memref<10240x16xf32, #tpu.memory_space<hbm>>
        tpu.enqueue_indirect_dma source(%dma_start3A_100 : memref<10240x16xf32, #tpu.memory_space<hbm>>) target(%arg11 : memref<128x16xf32, #tpu.memory_space<vmem>>) offsets(%dma_start3A_97 : memref<128xi32, #tpu.memory_space<vmem>>) semaphore(%arg16 : memref<!tpu.dma_semaphore, #tpu.memory_space<semaphore_mem>>)
        %mul3A_101 = arith.constant 4 : i32
        %mul3A_102 = arith.muli %scan3A_56, %mul3A_101 : i32
        %add3A_103 = arith.constant 3 : i32
        %add3A_104 = arith.addi %mul3A_102, %add3A_103 : i32
        %gt3A_105 = arith.constant 0 : i32
        %gt3A_106 = arith.cmpi sgt, %scan3A_56, %gt3A_105 : i32
        %convert_element_type3A_107 = arith.extui %gt3A_106 : i1 to i32
        %cond3A_108 = arith.constant 0 : i32
        %cond3A_109 = arith.cmpi ne, %convert_element_type3A_107, %cond3A_108 : i32
        scf.if %cond3A_109 {
          %sub3A = arith.constant 4 : i32
          %sub3A_181 = arith.subi %add3A_104, %sub3A : i32
          %dma_wait3A_182 = arith.constant 0 : i32
          %dma_wait3A_183 = tpu.memref_slice %arg8[%sub3A_181, %dma_wait3A_182] : memref<120x128xi32, #tpu.memory_space<vmem>> -> memref<1x128xi32, #tpu.memory_space<vmem>>
          %dma_wait3A_184 = tpu.memref_squeeze %dma_wait3A_183 : memref<1x128xi32, #tpu.memory_space<vmem>> -> memref<128xi32, #tpu.memory_space<vmem>>
          %dma_wait3A_185 = arith.constant 0 : i32
          %dma_wait3A_186 = arith.constant 0 : i32
          %dma_wait3A_187 = tpu.memref_slice %arg13[%dma_wait3A_185, %dma_wait3A_186] : memref<10240x16xf32, #tpu.memory_space<vmem_shared>> -> memref<10240x16xf32, #tpu.memory_space<vmem_shared>>
          tpu.wait_indirect_dma semaphore(%arg17 : memref<!tpu.dma_semaphore, #tpu.memory_space<semaphore_mem>>) src(%arg12 : memref<128x16xf32, #tpu.memory_space<vmem>>) dst(%dma_wait3A_187 : memref<10240x16xf32, #tpu.memory_space<vmem_shared>>)
        } else {
        }
        %dma_start3A_110 = arith.constant 0 : i32
        %dma_start3A_111 = tpu.memref_slice %arg7[%add3A_104, %dma_start3A_110] : memref<120x128xi32, #tpu.memory_space<vmem>> -> memref<1x128xi32, #tpu.memory_space<vmem>>
        %dma_start3A_112 = tpu.memref_squeeze %dma_start3A_111 : memref<1x128xi32, #tpu.memory_space<vmem>> -> memref<128xi32, #tpu.memory_space<vmem>>
        %dma_start3A_113 = arith.constant 0 : i32
        %dma_start3A_114 = arith.constant 0 : i32
        %dma_start3A_115 = tpu.memref_slice %arg2[%dma_start3A_113, %dma_start3A_114] : memref<10240x16xf32, #tpu.memory_space<hbm>> -> memref<10240x16xf32, #tpu.memory_space<hbm>>
        tpu.enqueue_indirect_dma source(%dma_start3A_115 : memref<10240x16xf32, #tpu.memory_space<hbm>>) target(%arg12 : memref<128x16xf32, #tpu.memory_space<vmem>>) offsets(%dma_start3A_112 : memref<128xi32, #tpu.memory_space<vmem>>) semaphore(%arg17 : memref<!tpu.dma_semaphore, #tpu.memory_space<semaphore_mem>>)
        %mul3A_116 = arith.constant 4 : i32
        %mul3A_117 = arith.muli %scan3A_56, %mul3A_116 : i32
        %add3A_118 = arith.constant 0 : i32
        %add3A_119 = arith.addi %mul3A_117, %add3A_118 : i32
        %dma_wait3A_120 = arith.constant 0 : i32
        %dma_wait3A_121 = tpu.memref_slice %arg7[%add3A_119, %dma_wait3A_120] : memref<120x128xi32, #tpu.memory_space<vmem>> -> memref<1x128xi32, #tpu.memory_space<vmem>>
        %dma_wait3A_122 = tpu.memref_squeeze %dma_wait3A_121 : memref<1x128xi32, #tpu.memory_space<vmem>> -> memref<128xi32, #tpu.memory_space<vmem>>
        %dma_wait3A_123 = arith.constant 0 : i32
        %dma_wait3A_124 = arith.constant 0 : i32
        %dma_wait3A_125 = tpu.memref_slice %arg2[%dma_wait3A_123, %dma_wait3A_124] : memref<10240x16xf32, #tpu.memory_space<hbm>> -> memref<10240x16xf32, #tpu.memory_space<hbm>>
        tpu.wait_indirect_dma semaphore(%arg14 : memref<!tpu.dma_semaphore, #tpu.memory_space<semaphore_mem>>) src(%dma_wait3A_125 : memref<10240x16xf32, #tpu.memory_space<hbm>>) dst(%arg9 : memref<128x16xf32, #tpu.memory_space<vmem>>)
        %dma_start3A_126 = arith.constant 0 : i32
        %dma_start3A_127 = tpu.memref_slice %arg8[%add3A_119, %dma_start3A_126] : memref<120x128xi32, #tpu.memory_space<vmem>> -> memref<1x128xi32, #tpu.memory_space<vmem>>
        %dma_start3A_128 = tpu.memref_squeeze %dma_start3A_127 : memref<1x128xi32, #tpu.memory_space<vmem>> -> memref<128xi32, #tpu.memory_space<vmem>>
        %dma_start3A_129 = arith.constant 0 : i32
        %dma_start3A_130 = arith.constant 0 : i32
        %dma_start3A_131 = tpu.memref_slice %arg13[%dma_start3A_129, %dma_start3A_130] : memref<10240x16xf32, #tpu.memory_space<vmem_shared>> -> memref<10240x16xf32, #tpu.memory_space<vmem_shared>>
        tpu.enqueue_indirect_dma source(%arg9 : memref<128x16xf32, #tpu.memory_space<vmem>>) target(%dma_start3A_131 : memref<10240x16xf32, #tpu.memory_space<vmem_shared>>) offsets(%dma_start3A_128 : memref<128xi32, #tpu.memory_space<vmem>>) semaphore(%arg14 : memref<!tpu.dma_semaphore, #tpu.memory_space<semaphore_mem>>) {add = true}
        %mul3A_132 = arith.constant 4 : i32
        %mul3A_133 = arith.muli %scan3A_56, %mul3A_132 : i32
        %add3A_134 = arith.constant 1 : i32
        %add3A_135 = arith.addi %mul3A_133, %add3A_134 : i32
        %dma_wait3A_136 = arith.constant 0 : i32
        %dma_wait3A_137 = tpu.memref_slice %arg7[%add3A_135, %dma_wait3A_136] : memref<120x128xi32, #tpu.memory_space<vmem>> -> memref<1x128xi32, #tpu.memory_space<vmem>>
        %dma_wait3A_138 = tpu.memref_squeeze %dma_wait3A_137 : memref<1x128xi32, #tpu.memory_space<vmem>> -> memref<128xi32, #tpu.memory_space<vmem>>
        %dma_wait3A_139 = arith.constant 0 : i32
        %dma_wait3A_140 = arith.constant 0 : i32
        %dma_wait3A_141 = tpu.memref_slice %arg2[%dma_wait3A_139, %dma_wait3A_140] : memref<10240x16xf32, #tpu.memory_space<hbm>> -> memref<10240x16xf32, #tpu.memory_space<hbm>>
        tpu.wait_indirect_dma semaphore(%arg15 : memref<!tpu.dma_semaphore, #tpu.memory_space<semaphore_mem>>) src(%dma_wait3A_141 : memref<10240x16xf32, #tpu.memory_space<hbm>>) dst(%arg10 : memref<128x16xf32, #tpu.memory_space<vmem>>)
        %dma_start3A_142 = arith.constant 0 : i32
        %dma_start3A_143 = tpu.memref_slice %arg8[%add3A_135, %dma_start3A_142] : memref<120x128xi32, #tpu.memory_space<vmem>> -> memref<1x128xi32, #tpu.memory_space<vmem>>
        %dma_start3A_144 = tpu.memref_squeeze %dma_start3A_143 : memref<1x128xi32, #tpu.memory_space<vmem>> -> memref<128xi32, #tpu.memory_space<vmem>>
        %dma_start3A_145 = arith.constant 0 : i32
        %dma_start3A_146 = arith.constant 0 : i32
        %dma_start3A_147 = tpu.memref_slice %arg13[%dma_start3A_145, %dma_start3A_146] : memref<10240x16xf32, #tpu.memory_space<vmem_shared>> -> memref<10240x16xf32, #tpu.memory_space<vmem_shared>>
        tpu.enqueue_indirect_dma source(%arg10 : memref<128x16xf32, #tpu.memory_space<vmem>>) target(%dma_start3A_147 : memref<10240x16xf32, #tpu.memory_space<vmem_shared>>) offsets(%dma_start3A_144 : memref<128xi32, #tpu.memory_space<vmem>>) semaphore(%arg15 : memref<!tpu.dma_semaphore, #tpu.memory_space<semaphore_mem>>) {add = true}
        %mul3A_148 = arith.constant 4 : i32
        %mul3A_149 = arith.muli %scan3A_56, %mul3A_148 : i32
        %add3A_150 = arith.constant 2 : i32
        %add3A_151 = arith.addi %mul3A_149, %add3A_150 : i32
        %dma_wait3A_152 = arith.constant 0 : i32
        %dma_wait3A_153 = tpu.memref_slice %arg7[%add3A_151, %dma_wait3A_152] : memref<120x128xi32, #tpu.memory_space<vmem>> -> memref<1x128xi32, #tpu.memory_space<vmem>>
        %dma_wait3A_154 = tpu.memref_squeeze %dma_wait3A_153 : memref<1x128xi32, #tpu.memory_space<vmem>> -> memref<128xi32, #tpu.memory_space<vmem>>
        %dma_wait3A_155 = arith.constant 0 : i32
        %dma_wait3A_156 = arith.constant 0 : i32
        %dma_wait3A_157 = tpu.memref_slice %arg2[%dma_wait3A_155, %dma_wait3A_156] : memref<10240x16xf32, #tpu.memory_space<hbm>> -> memref<10240x16xf32, #tpu.memory_space<hbm>>
        tpu.wait_indirect_dma semaphore(%arg16 : memref<!tpu.dma_semaphore, #tpu.memory_space<semaphore_mem>>) src(%dma_wait3A_157 : memref<10240x16xf32, #tpu.memory_space<hbm>>) dst(%arg11 : memref<128x16xf32, #tpu.memory_space<vmem>>)
        %dma_start3A_158 = arith.constant 0 : i32
        %dma_start3A_159 = tpu.memref_slice %arg8[%add3A_151, %dma_start3A_158] : memref<120x128xi32, #tpu.memory_space<vmem>> -> memref<1x128xi32, #tpu.memory_space<vmem>>
        %dma_start3A_160 = tpu.memref_squeeze %dma_start3A_159 : memref<1x128xi32, #tpu.memory_space<vmem>> -> memref<128xi32, #tpu.memory_space<vmem>>
        %dma_start3A_161 = arith.constant 0 : i32
        %dma_start3A_162 = arith.constant 0 : i32
        %dma_start3A_163 = tpu.memref_slice %arg13[%dma_start3A_161, %dma_start3A_162] : memref<10240x16xf32, #tpu.memory_space<vmem_shared>> -> memref<10240x16xf32, #tpu.memory_space<vmem_shared>>
        tpu.enqueue_indirect_dma source(%arg11 : memref<128x16xf32, #tpu.memory_space<vmem>>) target(%dma_start3A_163 : memref<10240x16xf32, #tpu.memory_space<vmem_shared>>) offsets(%dma_start3A_160 : memref<128xi32, #tpu.memory_space<vmem>>) semaphore(%arg16 : memref<!tpu.dma_semaphore, #tpu.memory_space<semaphore_mem>>) {add = true}
        %mul3A_164 = arith.constant 4 : i32
        %mul3A_165 = arith.muli %scan3A_56, %mul3A_164 : i32
        %add3A_166 = arith.constant 3 : i32
        %add3A_167 = arith.addi %mul3A_165, %add3A_166 : i32
        %dma_wait3A_168 = arith.constant 0 : i32
        %dma_wait3A_169 = tpu.memref_slice %arg7[%add3A_167, %dma_wait3A_168] : memref<120x128xi32, #tpu.memory_space<vmem>> -> memref<1x128xi32, #tpu.memory_space<vmem>>
        %dma_wait3A_170 = tpu.memref_squeeze %dma_wait3A_169 : memref<1x128xi32, #tpu.memory_space<vmem>> -> memref<128xi32, #tpu.memory_space<vmem>>
        %dma_wait3A_171 = arith.constant 0 : i32
        %dma_wait3A_172 = arith.constant 0 : i32
        %dma_wait3A_173 = tpu.memref_slice %arg2[%dma_wait3A_171, %dma_wait3A_172] : memref<10240x16xf32, #tpu.memory_space<hbm>> -> memref<10240x16xf32, #tpu.memory_space<hbm>>
        tpu.wait_indirect_dma semaphore(%arg17 : memref<!tpu.dma_semaphore, #tpu.memory_space<semaphore_mem>>) src(%dma_wait3A_173 : memref<10240x16xf32, #tpu.memory_space<hbm>>) dst(%arg12 : memref<128x16xf32, #tpu.memory_space<vmem>>)
        %dma_start3A_174 = arith.constant 0 : i32
        %dma_start3A_175 = tpu.memref_slice %arg8[%add3A_167, %dma_start3A_174] : memref<120x128xi32, #tpu.memory_space<vmem>> -> memref<1x128xi32, #tpu.memory_space<vmem>>
        %dma_start3A_176 = tpu.memref_squeeze %dma_start3A_175 : memref<1x128xi32, #tpu.memory_space<vmem>> -> memref<128xi32, #tpu.memory_space<vmem>>
        %dma_start3A_177 = arith.constant 0 : i32
        %dma_start3A_178 = arith.constant 0 : i32
        %dma_start3A_179 = tpu.memref_slice %arg13[%dma_start3A_177, %dma_start3A_178] : memref<10240x16xf32, #tpu.memory_space<vmem_shared>> -> memref<10240x16xf32, #tpu.memory_space<vmem_shared>>
        tpu.enqueue_indirect_dma source(%arg12 : memref<128x16xf32, #tpu.memory_space<vmem>>) target(%dma_start3A_179 : memref<10240x16xf32, #tpu.memory_space<vmem_shared>>) offsets(%dma_start3A_176 : memref<128xi32, #tpu.memory_space<vmem>>) semaphore(%arg17 : memref<!tpu.dma_semaphore, #tpu.memory_space<semaphore_mem>>) {add = true}
        %scan3A_180 = arith.constant 0 : i32
        scf.yield %scan3A_180 : i32
      }
      %scan3A_28 = arith.constant 30 : i32
      %dma_wait3A = arith.constant 116 : i32
      %dma_wait3A_29 = arith.constant 0 : i32
      %dma_wait3A_30 = tpu.memref_slice %arg8[%dma_wait3A, %dma_wait3A_29] : memref<120x128xi32, #tpu.memory_space<vmem>> -> memref<1x128xi32, #tpu.memory_space<vmem>>
      %dma_wait3A_31 = tpu.memref_squeeze %dma_wait3A_30 : memref<1x128xi32, #tpu.memory_space<vmem>> -> memref<128xi32, #tpu.memory_space<vmem>>
      %dma_wait3A_32 = arith.constant 0 : i32
      %dma_wait3A_33 = arith.constant 0 : i32
      %dma_wait3A_34 = tpu.memref_slice %arg13[%dma_wait3A_32, %dma_wait3A_33] : memref<10240x16xf32, #tpu.memory_space<vmem_shared>> -> memref<10240x16xf32, #tpu.memory_space<vmem_shared>>
      tpu.wait_indirect_dma semaphore(%arg14 : memref<!tpu.dma_semaphore, #tpu.memory_space<semaphore_mem>>) src(%arg9 : memref<128x16xf32, #tpu.memory_space<vmem>>) dst(%dma_wait3A_34 : memref<10240x16xf32, #tpu.memory_space<vmem_shared>>)
      %dma_wait3A_35 = arith.constant 117 : i32
      %dma_wait3A_36 = arith.constant 0 : i32
      %dma_wait3A_37 = tpu.memref_slice %arg8[%dma_wait3A_35, %dma_wait3A_36] : memref<120x128xi32, #tpu.memory_space<vmem>> -> memref<1x128xi32, #tpu.memory_space<vmem>>
      %dma_wait3A_38 = tpu.memref_squeeze %dma_wait3A_37 : memref<1x128xi32, #tpu.memory_space<vmem>> -> memref<128xi32, #tpu.memory_space<vmem>>
      %dma_wait3A_39 = arith.constant 0 : i32
      %dma_wait3A_40 = arith.constant 0 : i32
      %dma_wait3A_41 = tpu.memref_slice %arg13[%dma_wait3A_39, %dma_wait3A_40] : memref<10240x16xf32, #tpu.memory_space<vmem_shared>> -> memref<10240x16xf32, #tpu.memory_space<vmem_shared>>
      tpu.wait_indirect_dma semaphore(%arg15 : memref<!tpu.dma_semaphore, #tpu.memory_space<semaphore_mem>>) src(%arg10 : memref<128x16xf32, #tpu.memory_space<vmem>>) dst(%dma_wait3A_41 : memref<10240x16xf32, #tpu.memory_space<vmem_shared>>)
      %dma_wait3A_42 = arith.constant 118 : i32
      %dma_wait3A_43 = arith.constant 0 : i32
      %dma_wait3A_44 = tpu.memref_slice %arg8[%dma_wait3A_42, %dma_wait3A_43] : memref<120x128xi32, #tpu.memory_space<vmem>> -> memref<1x128xi32, #tpu.memory_space<vmem>>
      %dma_wait3A_45 = tpu.memref_squeeze %dma_wait3A_44 : memref<1x128xi32, #tpu.memory_space<vmem>> -> memref<128xi32, #tpu.memory_space<vmem>>
      %dma_wait3A_46 = arith.constant 0 : i32
      %dma_wait3A_47 = arith.constant 0 : i32
      %dma_wait3A_48 = tpu.memref_slice %arg13[%dma_wait3A_46, %dma_wait3A_47] : memref<10240x16xf32, #tpu.memory_space<vmem_shared>> -> memref<10240x16xf32, #tpu.memory_space<vmem_shared>>
      tpu.wait_indirect_dma semaphore(%arg16 : memref<!tpu.dma_semaphore, #tpu.memory_space<semaphore_mem>>) src(%arg11 : memref<128x16xf32, #tpu.memory_space<vmem>>) dst(%dma_wait3A_48 : memref<10240x16xf32, #tpu.memory_space<vmem_shared>>)
      %dma_wait3A_49 = arith.constant 119 : i32
      %dma_wait3A_50 = arith.constant 0 : i32
      %dma_wait3A_51 = tpu.memref_slice %arg8[%dma_wait3A_49, %dma_wait3A_50] : memref<120x128xi32, #tpu.memory_space<vmem>> -> memref<1x128xi32, #tpu.memory_space<vmem>>
      %dma_wait3A_52 = tpu.memref_squeeze %dma_wait3A_51 : memref<1x128xi32, #tpu.memory_space<vmem>> -> memref<128xi32, #tpu.memory_space<vmem>>
      %dma_wait3A_53 = arith.constant 0 : i32
      %dma_wait3A_54 = arith.constant 0 : i32
      %dma_wait3A_55 = tpu.memref_slice %arg13[%dma_wait3A_53, %dma_wait3A_54] : memref<10240x16xf32, #tpu.memory_space<vmem_shared>> -> memref<10240x16xf32, #tpu.memory_space<vmem_shared>>
      tpu.wait_indirect_dma semaphore(%arg17 : memref<!tpu.dma_semaphore, #tpu.memory_space<semaphore_mem>>) src(%arg12 : memref<128x16xf32, #tpu.memory_space<vmem>>) dst(%dma_wait3A_55 : memref<10240x16xf32, #tpu.memory_space<vmem_shared>>)
    } else {
    }
    %eq3A_13 = arith.constant 1 : i32
    %eq3A_14 = arith.cmpi eq, %arg0, %eq3A_13 : i32
    %convert_element_type3A_15 = arith.extui %eq3A_14 : i1 to i32
    %cond3A_16 = arith.constant 0 : i32
    %cond3A_17 = arith.cmpi ne, %convert_element_type3A_15, %cond3A_16 : i32
    scf.if %cond3A_17 {
      "tpu.region"() ({
        %run_scoped3A = tpu.sem_alloc : memref<!tpu.dma_semaphore, #tpu.memory_space<semaphore_mem>>
        %dma_start3A = arith.constant 0 : i32
        %dma_start3A_62 = arith.constant 0 : i32
        %dma_start3A_63 = tpu.memref_slice %arg7[%dma_start3A, %dma_start3A_62] : memref<120x128xi32, #tpu.memory_space<vmem>> -> memref<36x128xi32, #tpu.memory_space<vmem>>
        %dma_start3A_64 = arith.constant 0 : i32
        %dma_start3A_65 = tpu.memref_slice %arg3[%select_n3A, %dma_start3A_64] : memref<2500x128xi32, #tpu.memory_space<hbm>> -> memref<36x128xi32, #tpu.memory_space<hbm>>
        %dma_start3A_66 = arith.constant 0 : i32
        %dma_start3A_67 = arith.constant 0 : i32
        %dma_start3A_68 = tpu.memref_slice %arg7[%dma_start3A_66, %dma_start3A_67] : memref<120x128xi32, #tpu.memory_space<vmem>> -> memref<36x128xi32, #tpu.memory_space<vmem>>
        %dma_start3A_69 = arith.constant 0 : i32
        %dma_start3A_70 = tpu.memref_slice %arg3[%select_n3A, %dma_start3A_69] : memref<2500x128xi32, #tpu.memory_space<hbm>> -> memref<36x128xi32, #tpu.memory_space<hbm>>
        tpu.enqueue_dma source(%dma_start3A_70 : memref<36x128xi32, #tpu.memory_space<hbm>>) target(%dma_start3A_68 : memref<36x128xi32, #tpu.memory_space<vmem>>) target_semaphore(%run_scoped3A : memref<!tpu.dma_semaphore, #tpu.memory_space<semaphore_mem>>)
        %dma_wait3A_71 = arith.constant 0 : i32
        %dma_wait3A_72 = arith.constant 0 : i32
        %dma_wait3A_73 = tpu.memref_slice %arg7[%dma_wait3A_71, %dma_wait3A_72] : memref<120x128xi32, #tpu.memory_space<vmem>> -> memref<36x128xi32, #tpu.memory_space<vmem>>
        %dma_wait3A_74 = arith.constant 0 : i32
        %dma_wait3A_75 = tpu.memref_slice %arg3[%select_n3A, %dma_wait3A_74] : memref<2500x128xi32, #tpu.memory_space<hbm>> -> memref<36x128xi32, #tpu.memory_space<hbm>>
        %dma_wait3A_76 = arith.constant 0 : i32
        %dma_wait3A_77 = arith.constant 0 : i32
        %dma_wait3A_78 = tpu.memref_slice %arg7[%dma_wait3A_76, %dma_wait3A_77] : memref<120x128xi32, #tpu.memory_space<vmem>> -> memref<36x128xi32, #tpu.memory_space<vmem>>
        %dma_wait3A_79 = arith.constant 0 : i32
        %dma_wait3A_80 = tpu.memref_slice %arg3[%select_n3A, %dma_wait3A_79] : memref<2500x128xi32, #tpu.memory_space<hbm>> -> memref<36x128xi32, #tpu.memory_space<hbm>>
        tpu.wait_dma2 semaphore(%run_scoped3A : memref<!tpu.dma_semaphore, #tpu.memory_space<semaphore_mem>>) src(%dma_wait3A_80 : memref<36x128xi32, #tpu.memory_space<hbm>>) dst(%dma_wait3A_78 : memref<36x128xi32, #tpu.memory_space<vmem>>)
        tpu.yield
      }) : () -> ()
      "tpu.region"() ({
        %run_scoped3A = tpu.sem_alloc : memref<!tpu.dma_semaphore, #tpu.memory_space<semaphore_mem>>
        %dma_start3A = arith.constant 0 : i32
        %dma_start3A_62 = arith.constant 0 : i32
        %dma_start3A_63 = tpu.memref_slice %arg8[%dma_start3A, %dma_start3A_62] : memref<120x128xi32, #tpu.memory_space<vmem>> -> memref<36x128xi32, #tpu.memory_space<vmem>>
        %dma_start3A_64 = arith.constant 0 : i32
        %dma_start3A_65 = tpu.memref_slice %arg4[%select_n3A, %dma_start3A_64] : memref<2500x128xi32, #tpu.memory_space<hbm>> -> memref<36x128xi32, #tpu.memory_space<hbm>>
        %dma_start3A_66 = arith.constant 0 : i32
        %dma_start3A_67 = arith.constant 0 : i32
        %dma_start3A_68 = tpu.memref_slice %arg8[%dma_start3A_66, %dma_start3A_67] : memref<120x128xi32, #tpu.memory_space<vmem>> -> memref<36x128xi32, #tpu.memory_space<vmem>>
        %dma_start3A_69 = arith.constant 0 : i32
        %dma_start3A_70 = tpu.memref_slice %arg4[%select_n3A, %dma_start3A_69] : memref<2500x128xi32, #tpu.memory_space<hbm>> -> memref<36x128xi32, #tpu.memory_space<hbm>>
        tpu.enqueue_dma source(%dma_start3A_70 : memref<36x128xi32, #tpu.memory_space<hbm>>) target(%dma_start3A_68 : memref<36x128xi32, #tpu.memory_space<vmem>>) target_semaphore(%run_scoped3A : memref<!tpu.dma_semaphore, #tpu.memory_space<semaphore_mem>>)
        %dma_wait3A_71 = arith.constant 0 : i32
        %dma_wait3A_72 = arith.constant 0 : i32
        %dma_wait3A_73 = tpu.memref_slice %arg8[%dma_wait3A_71, %dma_wait3A_72] : memref<120x128xi32, #tpu.memory_space<vmem>> -> memref<36x128xi32, #tpu.memory_space<vmem>>
        %dma_wait3A_74 = arith.constant 0 : i32
        %dma_wait3A_75 = tpu.memref_slice %arg4[%select_n3A, %dma_wait3A_74] : memref<2500x128xi32, #tpu.memory_space<hbm>> -> memref<36x128xi32, #tpu.memory_space<hbm>>
        %dma_wait3A_76 = arith.constant 0 : i32
        %dma_wait3A_77 = arith.constant 0 : i32
        %dma_wait3A_78 = tpu.memref_slice %arg8[%dma_wait3A_76, %dma_wait3A_77] : memref<120x128xi32, #tpu.memory_space<vmem>> -> memref<36x128xi32, #tpu.memory_space<vmem>>
        %dma_wait3A_79 = arith.constant 0 : i32
        %dma_wait3A_80 = tpu.memref_slice %arg4[%select_n3A, %dma_wait3A_79] : memref<2500x128xi32, #tpu.memory_space<hbm>> -> memref<36x128xi32, #tpu.memory_space<hbm>>
        tpu.wait_dma2 semaphore(%run_scoped3A : memref<!tpu.dma_semaphore, #tpu.memory_space<semaphore_mem>>) src(%dma_wait3A_80 : memref<36x128xi32, #tpu.memory_space<hbm>>) dst(%dma_wait3A_78 : memref<36x128xi32, #tpu.memory_space<vmem>>)
        tpu.yield
      }) : () -> ()
      %convert_element_type3A_23 = arith.extui %and3A : i1 to i32
      %cond3A_24 = arith.constant 0 : i32
      %cond3A_25 = arith.cmpi ne, %convert_element_type3A_23, %cond3A_24 : i32
      scf.if %cond3A_25 {
        %add3A_62 = arith.constant 2496 : i32
        %add3A_63 = arith.addi %add3A_62, %arg1 : i32
        %run_scoped3A = arith.constant 36 : i32
        "tpu.region"() ({
          %run_scoped3A_67 = tpu.sem_alloc : memref<!tpu.dma_semaphore, #tpu.memory_space<semaphore_mem>>
          %dma_start3A = arith.constant 0 : i32
          %dma_start3A_68 = tpu.memref_slice %arg7[%run_scoped3A, %dma_start3A] : memref<120x128xi32, #tpu.memory_space<vmem>> -> memref<1x128xi32, #tpu.memory_space<vmem>>
          %dma_start3A_69 = tpu.memref_squeeze %dma_start3A_68 : memref<1x128xi32, #tpu.memory_space<vmem>> -> memref<128xi32, #tpu.memory_space<vmem>>
          %dma_start3A_70 = arith.constant 0 : i32
          %dma_start3A_71 = tpu.memref_slice %arg3[%add3A_63, %dma_start3A_70] : memref<2500x128xi32, #tpu.memory_space<hbm>> -> memref<1x128xi32, #tpu.memory_space<hbm>>
          %dma_start3A_72 = tpu.memref_squeeze %dma_start3A_71 : memref<1x128xi32, #tpu.memory_space<hbm>> -> memref<128xi32, #tpu.memory_space<hbm>>
          %dma_start3A_73 = arith.constant 0 : i32
          %dma_start3A_74 = tpu.memref_slice %arg7[%run_scoped3A, %dma_start3A_73] : memref<120x128xi32, #tpu.memory_space<vmem>> -> memref<1x128xi32, #tpu.memory_space<vmem>>
          %dma_start3A_75 = tpu.memref_squeeze %dma_start3A_74 : memref<1x128xi32, #tpu.memory_space<vmem>> -> memref<128xi32, #tpu.memory_space<vmem>>
          %dma_start3A_76 = arith.constant 0 : i32
          %dma_start3A_77 = tpu.memref_slice %arg3[%add3A_63, %dma_start3A_76] : memref<2500x128xi32, #tpu.memory_space<hbm>> -> memref<1x128xi32, #tpu.memory_space<hbm>>
          %dma_start3A_78 = tpu.memref_squeeze %dma_start3A_77 : memref<1x128xi32, #tpu.memory_space<hbm>> -> memref<128xi32, #tpu.memory_space<hbm>>
          tpu.enqueue_dma source(%dma_start3A_78 : memref<128xi32, #tpu.memory_space<hbm>>) target(%dma_start3A_75 : memref<128xi32, #tpu.memory_space<vmem>>) target_semaphore(%run_scoped3A_67 : memref<!tpu.dma_semaphore, #tpu.memory_space<semaphore_mem>>)
          %dma_wait3A_79 = arith.constant 0 : i32
          %dma_wait3A_80 = tpu.memref_slice %arg7[%run_scoped3A, %dma_wait3A_79] : memref<120x128xi32, #tpu.memory_space<vmem>> -> memref<1x128xi32, #tpu.memory_space<vmem>>
          %dma_wait3A_81 = tpu.memref_squeeze %dma_wait3A_80 : memref<1x128xi32, #tpu.memory_space<vmem>> -> memref<128xi32, #tpu.memory_space<vmem>>
          %dma_wait3A_82 = arith.constant 0 : i32
          %dma_wait3A_83 = tpu.memref_slice %arg3[%add3A_63, %dma_wait3A_82] : memref<2500x128xi32, #tpu.memory_space<hbm>> -> memref<1x128xi32, #tpu.memory_space<hbm>>
          %dma_wait3A_84 = tpu.memref_squeeze %dma_wait3A_83 : memref<1x128xi32, #tpu.memory_space<hbm>> -> memref<128xi32, #tpu.memory_space<hbm>>
          %dma_wait3A_85 = arith.constant 0 : i32
          %dma_wait3A_86 = tpu.memref_slice %arg7[%run_scoped3A, %dma_wait3A_85] : memref<120x128xi32, #tpu.memory_space<vmem>> -> memref<1x128xi32, #tpu.memory_space<vmem>>
          %dma_wait3A_87 = tpu.memref_squeeze %dma_wait3A_86 : memref<1x128xi32, #tpu.memory_space<vmem>> -> memref<128xi32, #tpu.memory_space<vmem>>
          %dma_wait3A_88 = arith.constant 0 : i32
          %dma_wait3A_89 = tpu.memref_slice %arg3[%add3A_63, %dma_wait3A_88] : memref<2500x128xi32, #tpu.memory_space<hbm>> -> memref<1x128xi32, #tpu.memory_space<hbm>>
          %dma_wait3A_90 = tpu.memref_squeeze %dma_wait3A_89 : memref<1x128xi32, #tpu.memory_space<hbm>> -> memref<128xi32, #tpu.memory_space<hbm>>
          tpu.wait_dma2 semaphore(%run_scoped3A_67 : memref<!tpu.dma_semaphore, #tpu.memory_space<semaphore_mem>>) src(%dma_wait3A_90 : memref<128xi32, #tpu.memory_space<hbm>>) dst(%dma_wait3A_87 : memref<128xi32, #tpu.memory_space<vmem>>)
          tpu.yield
        }) : () -> ()
        %add3A_64 = arith.constant 2496 : i32
        %add3A_65 = arith.addi %add3A_64, %arg1 : i32
        %run_scoped3A_66 = arith.constant 36 : i32
        "tpu.region"() ({
          %run_scoped3A_67 = tpu.sem_alloc : memref<!tpu.dma_semaphore, #tpu.memory_space<semaphore_mem>>
          %dma_start3A = arith.constant 0 : i32
          %dma_start3A_68 = tpu.memref_slice %arg8[%run_scoped3A_66, %dma_start3A] : memref<120x128xi32, #tpu.memory_space<vmem>> -> memref<1x128xi32, #tpu.memory_space<vmem>>
          %dma_start3A_69 = tpu.memref_squeeze %dma_start3A_68 : memref<1x128xi32, #tpu.memory_space<vmem>> -> memref<128xi32, #tpu.memory_space<vmem>>
          %dma_start3A_70 = arith.constant 0 : i32
          %dma_start3A_71 = tpu.memref_slice %arg4[%add3A_65, %dma_start3A_70] : memref<2500x128xi32, #tpu.memory_space<hbm>> -> memref<1x128xi32, #tpu.memory_space<hbm>>
          %dma_start3A_72 = tpu.memref_squeeze %dma_start3A_71 : memref<1x128xi32, #tpu.memory_space<hbm>> -> memref<128xi32, #tpu.memory_space<hbm>>
          %dma_start3A_73 = arith.constant 0 : i32
          %dma_start3A_74 = tpu.memref_slice %arg8[%run_scoped3A_66, %dma_start3A_73] : memref<120x128xi32, #tpu.memory_space<vmem>> -> memref<1x128xi32, #tpu.memory_space<vmem>>
          %dma_start3A_75 = tpu.memref_squeeze %dma_start3A_74 : memref<1x128xi32, #tpu.memory_space<vmem>> -> memref<128xi32, #tpu.memory_space<vmem>>
          %dma_start3A_76 = arith.constant 0 : i32
          %dma_start3A_77 = tpu.memref_slice %arg4[%add3A_65, %dma_start3A_76] : memref<2500x128xi32, #tpu.memory_space<hbm>> -> memref<1x128xi32, #tpu.memory_space<hbm>>
          %dma_start3A_78 = tpu.memref_squeeze %dma_start3A_77 : memref<1x128xi32, #tpu.memory_space<hbm>> -> memref<128xi32, #tpu.memory_space<hbm>>
          tpu.enqueue_dma source(%dma_start3A_78 : memref<128xi32, #tpu.memory_space<hbm>>) target(%dma_start3A_75 : memref<128xi32, #tpu.memory_space<vmem>>) target_semaphore(%run_scoped3A_67 : memref<!tpu.dma_semaphore, #tpu.memory_space<semaphore_mem>>)
          %dma_wait3A_79 = arith.constant 0 : i32
          %dma_wait3A_80 = tpu.memref_slice %arg8[%run_scoped3A_66, %dma_wait3A_79] : memref<120x128xi32, #tpu.memory_space<vmem>> -> memref<1x128xi32, #tpu.memory_space<vmem>>
          %dma_wait3A_81 = tpu.memref_squeeze %dma_wait3A_80 : memref<1x128xi32, #tpu.memory_space<vmem>> -> memref<128xi32, #tpu.memory_space<vmem>>
          %dma_wait3A_82 = arith.constant 0 : i32
          %dma_wait3A_83 = tpu.memref_slice %arg4[%add3A_65, %dma_wait3A_82] : memref<2500x128xi32, #tpu.memory_space<hbm>> -> memref<1x128xi32, #tpu.memory_space<hbm>>
          %dma_wait3A_84 = tpu.memref_squeeze %dma_wait3A_83 : memref<1x128xi32, #tpu.memory_space<hbm>> -> memref<128xi32, #tpu.memory_space<hbm>>
          %dma_wait3A_85 = arith.constant 0 : i32
          %dma_wait3A_86 = tpu.memref_slice %arg8[%run_scoped3A_66, %dma_wait3A_85] : memref<120x128xi32, #tpu.memory_space<vmem>> -> memref<1x128xi32, #tpu.memory_space<vmem>>
          %dma_wait3A_87 = tpu.memref_squeeze %dma_wait3A_86 : memref<1x128xi32, #tpu.memory_space<vmem>> -> memref<128xi32, #tpu.memory_space<vmem>>
          %dma_wait3A_88 = arith.constant 0 : i32
          %dma_wait3A_89 = tpu.memref_slice %arg4[%add3A_65, %dma_wait3A_88] : memref<2500x128xi32, #tpu.memory_space<hbm>> -> memref<1x128xi32, #tpu.memory_space<hbm>>
          %dma_wait3A_90 = tpu.memref_squeeze %dma_wait3A_89 : memref<1x128xi32, #tpu.memory_space<hbm>> -> memref<128xi32, #tpu.memory_space<hbm>>
          tpu.wait_dma2 semaphore(%run_scoped3A_67 : memref<!tpu.dma_semaphore, #tpu.memory_space<semaphore_mem>>) src(%dma_wait3A_90 : memref<128xi32, #tpu.memory_space<hbm>>) dst(%dma_wait3A_87 : memref<128xi32, #tpu.memory_space<vmem>>)
          tpu.yield
        }) : () -> ()
      } else {
      }
      %scan3A = arith.constant 0 : i32
      %scan3A_26 = arith.constant 0 : i32
      %scan3A_27 = arith.constant 9 : i32
      %scan3A_28 = arith.addi %scan3A_26, %scan3A_27 : i32
      %scan3A_29 = arith.constant 1 : i32
      %scan3A_30 = scf.for %scan3A_62 = %scan3A_26 to %scan3A_28 step %scan3A_29 iter_args(%scan3A_63 = %scan3A) -> (i32)  : i32 {
        %mul3A_64 = arith.constant 4 : i32
        %mul3A_65 = arith.muli %scan3A_62, %mul3A_64 : i32
        %add3A_66 = arith.constant 0 : i32
        %add3A_67 = arith.addi %mul3A_65, %add3A_66 : i32
        %gt3A = arith.constant 0 : i32
        %gt3A_68 = arith.cmpi sgt, %scan3A_62, %gt3A : i32
        %convert_element_type3A_69 = arith.extui %gt3A_68 : i1 to i32
        %cond3A_70 = arith.constant 0 : i32
        %cond3A_71 = arith.cmpi ne, %convert_element_type3A_69, %cond3A_70 : i32
        scf.if %cond3A_71 {
          %sub3A = arith.constant 4 : i32
          %sub3A_187 = arith.subi %add3A_67, %sub3A : i32
          %dma_wait3A_188 = arith.constant 0 : i32
          %dma_wait3A_189 = tpu.memref_slice %arg8[%sub3A_187, %dma_wait3A_188] : memref<120x128xi32, #tpu.memory_space<vmem>> -> memref<1x128xi32, #tpu.memory_space<vmem>>
          %dma_wait3A_190 = tpu.memref_squeeze %dma_wait3A_189 : memref<1x128xi32, #tpu.memory_space<vmem>> -> memref<128xi32, #tpu.memory_space<vmem>>
          %dma_wait3A_191 = arith.constant 0 : i32
          %dma_wait3A_192 = arith.constant 0 : i32
          %dma_wait3A_193 = tpu.memref_slice %arg13[%dma_wait3A_191, %dma_wait3A_192] : memref<10240x16xf32, #tpu.memory_space<vmem_shared>> -> memref<10240x16xf32, #tpu.memory_space<vmem_shared>>
          tpu.wait_indirect_dma semaphore(%arg14 : memref<!tpu.dma_semaphore, #tpu.memory_space<semaphore_mem>>) src(%arg9 : memref<128x16xf32, #tpu.memory_space<vmem>>) dst(%dma_wait3A_193 : memref<10240x16xf32, #tpu.memory_space<vmem_shared>>)
        } else {
        }
        %dma_start3A = arith.constant 0 : i32
        %dma_start3A_72 = tpu.memref_slice %arg7[%add3A_67, %dma_start3A] : memref<120x128xi32, #tpu.memory_space<vmem>> -> memref<1x128xi32, #tpu.memory_space<vmem>>
        %dma_start3A_73 = tpu.memref_squeeze %dma_start3A_72 : memref<1x128xi32, #tpu.memory_space<vmem>> -> memref<128xi32, #tpu.memory_space<vmem>>
        %dma_start3A_74 = arith.constant 0 : i32
        %dma_start3A_75 = arith.constant 0 : i32
        %dma_start3A_76 = tpu.memref_slice %arg2[%dma_start3A_74, %dma_start3A_75] : memref<10240x16xf32, #tpu.memory_space<hbm>> -> memref<10240x16xf32, #tpu.memory_space<hbm>>
        tpu.enqueue_indirect_dma source(%dma_start3A_76 : memref<10240x16xf32, #tpu.memory_space<hbm>>) target(%arg9 : memref<128x16xf32, #tpu.memory_space<vmem>>) offsets(%dma_start3A_73 : memref<128xi32, #tpu.memory_space<vmem>>) semaphore(%arg14 : memref<!tpu.dma_semaphore, #tpu.memory_space<semaphore_mem>>)
        %mul3A_77 = arith.constant 4 : i32
        %mul3A_78 = arith.muli %scan3A_62, %mul3A_77 : i32
        %add3A_79 = arith.constant 1 : i32
        %add3A_80 = arith.addi %mul3A_78, %add3A_79 : i32
        %gt3A_81 = arith.constant 0 : i32
        %gt3A_82 = arith.cmpi sgt, %scan3A_62, %gt3A_81 : i32
        %convert_element_type3A_83 = arith.extui %gt3A_82 : i1 to i32
        %cond3A_84 = arith.constant 0 : i32
        %cond3A_85 = arith.cmpi ne, %convert_element_type3A_83, %cond3A_84 : i32
        scf.if %cond3A_85 {
          %sub3A = arith.constant 4 : i32
          %sub3A_187 = arith.subi %add3A_80, %sub3A : i32
          %dma_wait3A_188 = arith.constant 0 : i32
          %dma_wait3A_189 = tpu.memref_slice %arg8[%sub3A_187, %dma_wait3A_188] : memref<120x128xi32, #tpu.memory_space<vmem>> -> memref<1x128xi32, #tpu.memory_space<vmem>>
          %dma_wait3A_190 = tpu.memref_squeeze %dma_wait3A_189 : memref<1x128xi32, #tpu.memory_space<vmem>> -> memref<128xi32, #tpu.memory_space<vmem>>
          %dma_wait3A_191 = arith.constant 0 : i32
          %dma_wait3A_192 = arith.constant 0 : i32
          %dma_wait3A_193 = tpu.memref_slice %arg13[%dma_wait3A_191, %dma_wait3A_192] : memref<10240x16xf32, #tpu.memory_space<vmem_shared>> -> memref<10240x16xf32, #tpu.memory_space<vmem_shared>>
          tpu.wait_indirect_dma semaphore(%arg15 : memref<!tpu.dma_semaphore, #tpu.memory_space<semaphore_mem>>) src(%arg10 : memref<128x16xf32, #tpu.memory_space<vmem>>) dst(%dma_wait3A_193 : memref<10240x16xf32, #tpu.memory_space<vmem_shared>>)
        } else {
        }
        %dma_start3A_86 = arith.constant 0 : i32
        %dma_start3A_87 = tpu.memref_slice %arg7[%add3A_80, %dma_start3A_86] : memref<120x128xi32, #tpu.memory_space<vmem>> -> memref<1x128xi32, #tpu.memory_space<vmem>>
        %dma_start3A_88 = tpu.memref_squeeze %dma_start3A_87 : memref<1x128xi32, #tpu.memory_space<vmem>> -> memref<128xi32, #tpu.memory_space<vmem>>
        %dma_start3A_89 = arith.constant 0 : i32
        %dma_start3A_90 = arith.constant 0 : i32
        %dma_start3A_91 = tpu.memref_slice %arg2[%dma_start3A_89, %dma_start3A_90] : memref<10240x16xf32, #tpu.memory_space<hbm>> -> memref<10240x16xf32, #tpu.memory_space<hbm>>
        tpu.enqueue_indirect_dma source(%dma_start3A_91 : memref<10240x16xf32, #tpu.memory_space<hbm>>) target(%arg10 : memref<128x16xf32, #tpu.memory_space<vmem>>) offsets(%dma_start3A_88 : memref<128xi32, #tpu.memory_space<vmem>>) semaphore(%arg15 : memref<!tpu.dma_semaphore, #tpu.memory_space<semaphore_mem>>)
        %mul3A_92 = arith.constant 4 : i32
        %mul3A_93 = arith.muli %scan3A_62, %mul3A_92 : i32
        %add3A_94 = arith.constant 2 : i32
        %add3A_95 = arith.addi %mul3A_93, %add3A_94 : i32
        %gt3A_96 = arith.constant 0 : i32
        %gt3A_97 = arith.cmpi sgt, %scan3A_62, %gt3A_96 : i32
        %convert_element_type3A_98 = arith.extui %gt3A_97 : i1 to i32
        %cond3A_99 = arith.constant 0 : i32
        %cond3A_100 = arith.cmpi ne, %convert_element_type3A_98, %cond3A_99 : i32
        scf.if %cond3A_100 {
          %sub3A = arith.constant 4 : i32
          %sub3A_187 = arith.subi %add3A_95, %sub3A : i32
          %dma_wait3A_188 = arith.constant 0 : i32
          %dma_wait3A_189 = tpu.memref_slice %arg8[%sub3A_187, %dma_wait3A_188] : memref<120x128xi32, #tpu.memory_space<vmem>> -> memref<1x128xi32, #tpu.memory_space<vmem>>
          %dma_wait3A_190 = tpu.memref_squeeze %dma_wait3A_189 : memref<1x128xi32, #tpu.memory_space<vmem>> -> memref<128xi32, #tpu.memory_space<vmem>>
          %dma_wait3A_191 = arith.constant 0 : i32
          %dma_wait3A_192 = arith.constant 0 : i32
          %dma_wait3A_193 = tpu.memref_slice %arg13[%dma_wait3A_191, %dma_wait3A_192] : memref<10240x16xf32, #tpu.memory_space<vmem_shared>> -> memref<10240x16xf32, #tpu.memory_space<vmem_shared>>
          tpu.wait_indirect_dma semaphore(%arg16 : memref<!tpu.dma_semaphore, #tpu.memory_space<semaphore_mem>>) src(%arg11 : memref<128x16xf32, #tpu.memory_space<vmem>>) dst(%dma_wait3A_193 : memref<10240x16xf32, #tpu.memory_space<vmem_shared>>)
        } else {
        }
        %dma_start3A_101 = arith.constant 0 : i32
        %dma_start3A_102 = tpu.memref_slice %arg7[%add3A_95, %dma_start3A_101] : memref<120x128xi32, #tpu.memory_space<vmem>> -> memref<1x128xi32, #tpu.memory_space<vmem>>
        %dma_start3A_103 = tpu.memref_squeeze %dma_start3A_102 : memref<1x128xi32, #tpu.memory_space<vmem>> -> memref<128xi32, #tpu.memory_space<vmem>>
        %dma_start3A_104 = arith.constant 0 : i32
        %dma_start3A_105 = arith.constant 0 : i32
        %dma_start3A_106 = tpu.memref_slice %arg2[%dma_start3A_104, %dma_start3A_105] : memref<10240x16xf32, #tpu.memory_space<hbm>> -> memref<10240x16xf32, #tpu.memory_space<hbm>>
        tpu.enqueue_indirect_dma source(%dma_start3A_106 : memref<10240x16xf32, #tpu.memory_space<hbm>>) target(%arg11 : memref<128x16xf32, #tpu.memory_space<vmem>>) offsets(%dma_start3A_103 : memref<128xi32, #tpu.memory_space<vmem>>) semaphore(%arg16 : memref<!tpu.dma_semaphore, #tpu.memory_space<semaphore_mem>>)
        %mul3A_107 = arith.constant 4 : i32
        %mul3A_108 = arith.muli %scan3A_62, %mul3A_107 : i32
        %add3A_109 = arith.constant 3 : i32
        %add3A_110 = arith.addi %mul3A_108, %add3A_109 : i32
        %gt3A_111 = arith.constant 0 : i32
        %gt3A_112 = arith.cmpi sgt, %scan3A_62, %gt3A_111 : i32
        %convert_element_type3A_113 = arith.extui %gt3A_112 : i1 to i32
        %cond3A_114 = arith.constant 0 : i32
        %cond3A_115 = arith.cmpi ne, %convert_element_type3A_113, %cond3A_114 : i32
        scf.if %cond3A_115 {
          %sub3A = arith.constant 4 : i32
          %sub3A_187 = arith.subi %add3A_110, %sub3A : i32
          %dma_wait3A_188 = arith.constant 0 : i32
          %dma_wait3A_189 = tpu.memref_slice %arg8[%sub3A_187, %dma_wait3A_188] : memref<120x128xi32, #tpu.memory_space<vmem>> -> memref<1x128xi32, #tpu.memory_space<vmem>>
          %dma_wait3A_190 = tpu.memref_squeeze %dma_wait3A_189 : memref<1x128xi32, #tpu.memory_space<vmem>> -> memref<128xi32, #tpu.memory_space<vmem>>
          %dma_wait3A_191 = arith.constant 0 : i32
          %dma_wait3A_192 = arith.constant 0 : i32
          %dma_wait3A_193 = tpu.memref_slice %arg13[%dma_wait3A_191, %dma_wait3A_192] : memref<10240x16xf32, #tpu.memory_space<vmem_shared>> -> memref<10240x16xf32, #tpu.memory_space<vmem_shared>>
          tpu.wait_indirect_dma semaphore(%arg17 : memref<!tpu.dma_semaphore, #tpu.memory_space<semaphore_mem>>) src(%arg12 : memref<128x16xf32, #tpu.memory_space<vmem>>) dst(%dma_wait3A_193 : memref<10240x16xf32, #tpu.memory_space<vmem_shared>>)
        } else {
        }
        %dma_start3A_116 = arith.constant 0 : i32
        %dma_start3A_117 = tpu.memref_slice %arg7[%add3A_110, %dma_start3A_116] : memref<120x128xi32, #tpu.memory_space<vmem>> -> memref<1x128xi32, #tpu.memory_space<vmem>>
        %dma_start3A_118 = tpu.memref_squeeze %dma_start3A_117 : memref<1x128xi32, #tpu.memory_space<vmem>> -> memref<128xi32, #tpu.memory_space<vmem>>
        %dma_start3A_119 = arith.constant 0 : i32
        %dma_start3A_120 = arith.constant 0 : i32
        %dma_start3A_121 = tpu.memref_slice %arg2[%dma_start3A_119, %dma_start3A_120] : memref<10240x16xf32, #tpu.memory_space<hbm>> -> memref<10240x16xf32, #tpu.memory_space<hbm>>
        tpu.enqueue_indirect_dma source(%dma_start3A_121 : memref<10240x16xf32, #tpu.memory_space<hbm>>) target(%arg12 : memref<128x16xf32, #tpu.memory_space<vmem>>) offsets(%dma_start3A_118 : memref<128xi32, #tpu.memory_space<vmem>>) semaphore(%arg17 : memref<!tpu.dma_semaphore, #tpu.memory_space<semaphore_mem>>)
        %mul3A_122 = arith.constant 4 : i32
        %mul3A_123 = arith.muli %scan3A_62, %mul3A_122 : i32
        %add3A_124 = arith.constant 0 : i32
        %add3A_125 = arith.addi %mul3A_123, %add3A_124 : i32
        %dma_wait3A_126 = arith.constant 0 : i32
        %dma_wait3A_127 = tpu.memref_slice %arg7[%add3A_125, %dma_wait3A_126] : memref<120x128xi32, #tpu.memory_space<vmem>> -> memref<1x128xi32, #tpu.memory_space<vmem>>
        %dma_wait3A_128 = tpu.memref_squeeze %dma_wait3A_127 : memref<1x128xi32, #tpu.memory_space<vmem>> -> memref<128xi32, #tpu.memory_space<vmem>>
        %dma_wait3A_129 = arith.constant 0 : i32
        %dma_wait3A_130 = arith.constant 0 : i32
        %dma_wait3A_131 = tpu.memref_slice %arg2[%dma_wait3A_129, %dma_wait3A_130] : memref<10240x16xf32, #tpu.memory_space<hbm>> -> memref<10240x16xf32, #tpu.memory_space<hbm>>
        tpu.wait_indirect_dma semaphore(%arg14 : memref<!tpu.dma_semaphore, #tpu.memory_space<semaphore_mem>>) src(%dma_wait3A_131 : memref<10240x16xf32, #tpu.memory_space<hbm>>) dst(%arg9 : memref<128x16xf32, #tpu.memory_space<vmem>>)
        %dma_start3A_132 = arith.constant 0 : i32
        %dma_start3A_133 = tpu.memref_slice %arg8[%add3A_125, %dma_start3A_132] : memref<120x128xi32, #tpu.memory_space<vmem>> -> memref<1x128xi32, #tpu.memory_space<vmem>>
        %dma_start3A_134 = tpu.memref_squeeze %dma_start3A_133 : memref<1x128xi32, #tpu.memory_space<vmem>> -> memref<128xi32, #tpu.memory_space<vmem>>
        %dma_start3A_135 = arith.constant 0 : i32
        %dma_start3A_136 = arith.constant 0 : i32
        %dma_start3A_137 = tpu.memref_slice %arg13[%dma_start3A_135, %dma_start3A_136] : memref<10240x16xf32, #tpu.memory_space<vmem_shared>> -> memref<10240x16xf32, #tpu.memory_space<vmem_shared>>
        tpu.enqueue_indirect_dma source(%arg9 : memref<128x16xf32, #tpu.memory_space<vmem>>) target(%dma_start3A_137 : memref<10240x16xf32, #tpu.memory_space<vmem_shared>>) offsets(%dma_start3A_134 : memref<128xi32, #tpu.memory_space<vmem>>) semaphore(%arg14 : memref<!tpu.dma_semaphore, #tpu.memory_space<semaphore_mem>>) {add = true}
        %mul3A_138 = arith.constant 4 : i32
        %mul3A_139 = arith.muli %scan3A_62, %mul3A_138 : i32
        %add3A_140 = arith.constant 1 : i32
        %add3A_141 = arith.addi %mul3A_139, %add3A_140 : i32
        %dma_wait3A_142 = arith.constant 0 : i32
        %dma_wait3A_143 = tpu.memref_slice %arg7[%add3A_141, %dma_wait3A_142] : memref<120x128xi32, #tpu.memory_space<vmem>> -> memref<1x128xi32, #tpu.memory_space<vmem>>
        %dma_wait3A_144 = tpu.memref_squeeze %dma_wait3A_143 : memref<1x128xi32, #tpu.memory_space<vmem>> -> memref<128xi32, #tpu.memory_space<vmem>>
        %dma_wait3A_145 = arith.constant 0 : i32
        %dma_wait3A_146 = arith.constant 0 : i32
        %dma_wait3A_147 = tpu.memref_slice %arg2[%dma_wait3A_145, %dma_wait3A_146] : memref<10240x16xf32, #tpu.memory_space<hbm>> -> memref<10240x16xf32, #tpu.memory_space<hbm>>
        tpu.wait_indirect_dma semaphore(%arg15 : memref<!tpu.dma_semaphore, #tpu.memory_space<semaphore_mem>>) src(%dma_wait3A_147 : memref<10240x16xf32, #tpu.memory_space<hbm>>) dst(%arg10 : memref<128x16xf32, #tpu.memory_space<vmem>>)
        %dma_start3A_148 = arith.constant 0 : i32
        %dma_start3A_149 = tpu.memref_slice %arg8[%add3A_141, %dma_start3A_148] : memref<120x128xi32, #tpu.memory_space<vmem>> -> memref<1x128xi32, #tpu.memory_space<vmem>>
        %dma_start3A_150 = tpu.memref_squeeze %dma_start3A_149 : memref<1x128xi32, #tpu.memory_space<vmem>> -> memref<128xi32, #tpu.memory_space<vmem>>
        %dma_start3A_151 = arith.constant 0 : i32
        %dma_start3A_152 = arith.constant 0 : i32
        %dma_start3A_153 = tpu.memref_slice %arg13[%dma_start3A_151, %dma_start3A_152] : memref<10240x16xf32, #tpu.memory_space<vmem_shared>> -> memref<10240x16xf32, #tpu.memory_space<vmem_shared>>
        tpu.enqueue_indirect_dma source(%arg10 : memref<128x16xf32, #tpu.memory_space<vmem>>) target(%dma_start3A_153 : memref<10240x16xf32, #tpu.memory_space<vmem_shared>>) offsets(%dma_start3A_150 : memref<128xi32, #tpu.memory_space<vmem>>) semaphore(%arg15 : memref<!tpu.dma_semaphore, #tpu.memory_space<semaphore_mem>>) {add = true}
        %mul3A_154 = arith.constant 4 : i32
        %mul3A_155 = arith.muli %scan3A_62, %mul3A_154 : i32
        %add3A_156 = arith.constant 2 : i32
        %add3A_157 = arith.addi %mul3A_155, %add3A_156 : i32
        %dma_wait3A_158 = arith.constant 0 : i32
        %dma_wait3A_159 = tpu.memref_slice %arg7[%add3A_157, %dma_wait3A_158] : memref<120x128xi32, #tpu.memory_space<vmem>> -> memref<1x128xi32, #tpu.memory_space<vmem>>
        %dma_wait3A_160 = tpu.memref_squeeze %dma_wait3A_159 : memref<1x128xi32, #tpu.memory_space<vmem>> -> memref<128xi32, #tpu.memory_space<vmem>>
        %dma_wait3A_161 = arith.constant 0 : i32
        %dma_wait3A_162 = arith.constant 0 : i32
        %dma_wait3A_163 = tpu.memref_slice %arg2[%dma_wait3A_161, %dma_wait3A_162] : memref<10240x16xf32, #tpu.memory_space<hbm>> -> memref<10240x16xf32, #tpu.memory_space<hbm>>
        tpu.wait_indirect_dma semaphore(%arg16 : memref<!tpu.dma_semaphore, #tpu.memory_space<semaphore_mem>>) src(%dma_wait3A_163 : memref<10240x16xf32, #tpu.memory_space<hbm>>) dst(%arg11 : memref<128x16xf32, #tpu.memory_space<vmem>>)
        %dma_start3A_164 = arith.constant 0 : i32
        %dma_start3A_165 = tpu.memref_slice %arg8[%add3A_157, %dma_start3A_164] : memref<120x128xi32, #tpu.memory_space<vmem>> -> memref<1x128xi32, #tpu.memory_space<vmem>>
        %dma_start3A_166 = tpu.memref_squeeze %dma_start3A_165 : memref<1x128xi32, #tpu.memory_space<vmem>> -> memref<128xi32, #tpu.memory_space<vmem>>
        %dma_start3A_167 = arith.constant 0 : i32
        %dma_start3A_168 = arith.constant 0 : i32
        %dma_start3A_169 = tpu.memref_slice %arg13[%dma_start3A_167, %dma_start3A_168] : memref<10240x16xf32, #tpu.memory_space<vmem_shared>> -> memref<10240x16xf32, #tpu.memory_space<vmem_shared>>
        tpu.enqueue_indirect_dma source(%arg11 : memref<128x16xf32, #tpu.memory_space<vmem>>) target(%dma_start3A_169 : memref<10240x16xf32, #tpu.memory_space<vmem_shared>>) offsets(%dma_start3A_166 : memref<128xi32, #tpu.memory_space<vmem>>) semaphore(%arg16 : memref<!tpu.dma_semaphore, #tpu.memory_space<semaphore_mem>>) {add = true}
        %mul3A_170 = arith.constant 4 : i32
        %mul3A_171 = arith.muli %scan3A_62, %mul3A_170 : i32
        %add3A_172 = arith.constant 3 : i32
        %add3A_173 = arith.addi %mul3A_171, %add3A_172 : i32
        %dma_wait3A_174 = arith.constant 0 : i32
        %dma_wait3A_175 = tpu.memref_slice %arg7[%add3A_173, %dma_wait3A_174] : memref<120x128xi32, #tpu.memory_space<vmem>> -> memref<1x128xi32, #tpu.memory_space<vmem>>
        %dma_wait3A_176 = tpu.memref_squeeze %dma_wait3A_175 : memref<1x128xi32, #tpu.memory_space<vmem>> -> memref<128xi32, #tpu.memory_space<vmem>>
        %dma_wait3A_177 = arith.constant 0 : i32
        %dma_wait3A_178 = arith.constant 0 : i32
        %dma_wait3A_179 = tpu.memref_slice %arg2[%dma_wait3A_177, %dma_wait3A_178] : memref<10240x16xf32, #tpu.memory_space<hbm>> -> memref<10240x16xf32, #tpu.memory_space<hbm>>
        tpu.wait_indirect_dma semaphore(%arg17 : memref<!tpu.dma_semaphore, #tpu.memory_space<semaphore_mem>>) src(%dma_wait3A_179 : memref<10240x16xf32, #tpu.memory_space<hbm>>) dst(%arg12 : memref<128x16xf32, #tpu.memory_space<vmem>>)
        %dma_start3A_180 = arith.constant 0 : i32
        %dma_start3A_181 = tpu.memref_slice %arg8[%add3A_173, %dma_start3A_180] : memref<120x128xi32, #tpu.memory_space<vmem>> -> memref<1x128xi32, #tpu.memory_space<vmem>>
        %dma_start3A_182 = tpu.memref_squeeze %dma_start3A_181 : memref<1x128xi32, #tpu.memory_space<vmem>> -> memref<128xi32, #tpu.memory_space<vmem>>
        %dma_start3A_183 = arith.constant 0 : i32
        %dma_start3A_184 = arith.constant 0 : i32
        %dma_start3A_185 = tpu.memref_slice %arg13[%dma_start3A_183, %dma_start3A_184] : memref<10240x16xf32, #tpu.memory_space<vmem_shared>> -> memref<10240x16xf32, #tpu.memory_space<vmem_shared>>
        tpu.enqueue_indirect_dma source(%arg12 : memref<128x16xf32, #tpu.memory_space<vmem>>) target(%dma_start3A_185 : memref<10240x16xf32, #tpu.memory_space<vmem_shared>>) offsets(%dma_start3A_182 : memref<128xi32, #tpu.memory_space<vmem>>) semaphore(%arg17 : memref<!tpu.dma_semaphore, #tpu.memory_space<semaphore_mem>>) {add = true}
        %scan3A_186 = arith.constant 0 : i32
        scf.yield %scan3A_186 : i32
      }
      %scan3A_31 = arith.constant 9 : i32
      %dma_wait3A = arith.constant 32 : i32
      %dma_wait3A_32 = arith.constant 0 : i32
      %dma_wait3A_33 = tpu.memref_slice %arg8[%dma_wait3A, %dma_wait3A_32] : memref<120x128xi32, #tpu.memory_space<vmem>> -> memref<1x128xi32, #tpu.memory_space<vmem>>
      %dma_wait3A_34 = tpu.memref_squeeze %dma_wait3A_33 : memref<1x128xi32, #tpu.memory_space<vmem>> -> memref<128xi32, #tpu.memory_space<vmem>>
      %dma_wait3A_35 = arith.constant 0 : i32
      %dma_wait3A_36 = arith.constant 0 : i32
      %dma_wait3A_37 = tpu.memref_slice %arg13[%dma_wait3A_35, %dma_wait3A_36] : memref<10240x16xf32, #tpu.memory_space<vmem_shared>> -> memref<10240x16xf32, #tpu.memory_space<vmem_shared>>
      tpu.wait_indirect_dma semaphore(%arg14 : memref<!tpu.dma_semaphore, #tpu.memory_space<semaphore_mem>>) src(%arg9 : memref<128x16xf32, #tpu.memory_space<vmem>>) dst(%dma_wait3A_37 : memref<10240x16xf32, #tpu.memory_space<vmem_shared>>)
      %dma_wait3A_38 = arith.constant 33 : i32
      %dma_wait3A_39 = arith.constant 0 : i32
      %dma_wait3A_40 = tpu.memref_slice %arg8[%dma_wait3A_38, %dma_wait3A_39] : memref<120x128xi32, #tpu.memory_space<vmem>> -> memref<1x128xi32, #tpu.memory_space<vmem>>
      %dma_wait3A_41 = tpu.memref_squeeze %dma_wait3A_40 : memref<1x128xi32, #tpu.memory_space<vmem>> -> memref<128xi32, #tpu.memory_space<vmem>>
      %dma_wait3A_42 = arith.constant 0 : i32
      %dma_wait3A_43 = arith.constant 0 : i32
      %dma_wait3A_44 = tpu.memref_slice %arg13[%dma_wait3A_42, %dma_wait3A_43] : memref<10240x16xf32, #tpu.memory_space<vmem_shared>> -> memref<10240x16xf32, #tpu.memory_space<vmem_shared>>
      tpu.wait_indirect_dma semaphore(%arg15 : memref<!tpu.dma_semaphore, #tpu.memory_space<semaphore_mem>>) src(%arg10 : memref<128x16xf32, #tpu.memory_space<vmem>>) dst(%dma_wait3A_44 : memref<10240x16xf32, #tpu.memory_space<vmem_shared>>)
      %dma_wait3A_45 = arith.constant 34 : i32
      %dma_wait3A_46 = arith.constant 0 : i32
      %dma_wait3A_47 = tpu.memref_slice %arg8[%dma_wait3A_45, %dma_wait3A_46] : memref<120x128xi32, #tpu.memory_space<vmem>> -> memref<1x128xi32, #tpu.memory_space<vmem>>
      %dma_wait3A_48 = tpu.memref_squeeze %dma_wait3A_47 : memref<1x128xi32, #tpu.memory_space<vmem>> -> memref<128xi32, #tpu.memory_space<vmem>>
      %dma_wait3A_49 = arith.constant 0 : i32
      %dma_wait3A_50 = arith.constant 0 : i32
      %dma_wait3A_51 = tpu.memref_slice %arg13[%dma_wait3A_49, %dma_wait3A_50] : memref<10240x16xf32, #tpu.memory_space<vmem_shared>> -> memref<10240x16xf32, #tpu.memory_space<vmem_shared>>
      tpu.wait_indirect_dma semaphore(%arg16 : memref<!tpu.dma_semaphore, #tpu.memory_space<semaphore_mem>>) src(%arg11 : memref<128x16xf32, #tpu.memory_space<vmem>>) dst(%dma_wait3A_51 : memref<10240x16xf32, #tpu.memory_space<vmem_shared>>)
      %dma_wait3A_52 = arith.constant 35 : i32
      %dma_wait3A_53 = arith.constant 0 : i32
      %dma_wait3A_54 = tpu.memref_slice %arg8[%dma_wait3A_52, %dma_wait3A_53] : memref<120x128xi32, #tpu.memory_space<vmem>> -> memref<1x128xi32, #tpu.memory_space<vmem>>
      %dma_wait3A_55 = tpu.memref_squeeze %dma_wait3A_54 : memref<1x128xi32, #tpu.memory_space<vmem>> -> memref<128xi32, #tpu.memory_space<vmem>>
      %dma_wait3A_56 = arith.constant 0 : i32
      %dma_wait3A_57 = arith.constant 0 : i32
      %dma_wait3A_58 = tpu.memref_slice %arg13[%dma_wait3A_56, %dma_wait3A_57] : memref<10240x16xf32, #tpu.memory_space<vmem_shared>> -> memref<10240x16xf32, #tpu.memory_space<vmem_shared>>
      tpu.wait_indirect_dma semaphore(%arg17 : memref<!tpu.dma_semaphore, #tpu.memory_space<semaphore_mem>>) src(%arg12 : memref<128x16xf32, #tpu.memory_space<vmem>>) dst(%dma_wait3A_58 : memref<10240x16xf32, #tpu.memory_space<vmem_shared>>)
      %convert_element_type3A_59 = arith.extui %and3A : i1 to i32
      %cond3A_60 = arith.constant 0 : i32
      %cond3A_61 = arith.cmpi ne, %convert_element_type3A_59, %cond3A_60 : i32
      scf.if %cond3A_61 {
        %dma_start3A = arith.constant 36 : i32
        %dma_start3A_62 = arith.constant 0 : i32
        %dma_start3A_63 = tpu.memref_slice %arg7[%dma_start3A, %dma_start3A_62] : memref<120x128xi32, #tpu.memory_space<vmem>> -> memref<1x128xi32, #tpu.memory_space<vmem>>
        %dma_start3A_64 = tpu.memref_squeeze %dma_start3A_63 : memref<1x128xi32, #tpu.memory_space<vmem>> -> memref<128xi32, #tpu.memory_space<vmem>>
        %dma_start3A_65 = arith.constant 0 : i32
        %dma_start3A_66 = arith.constant 0 : i32
        %dma_start3A_67 = tpu.memref_slice %arg2[%dma_start3A_65, %dma_start3A_66] : memref<10240x16xf32, #tpu.memory_space<hbm>> -> memref<10240x16xf32, #tpu.memory_space<hbm>>
        tpu.enqueue_indirect_dma source(%dma_start3A_67 : memref<10240x16xf32, #tpu.memory_space<hbm>>) target(%arg9 : memref<128x16xf32, #tpu.memory_space<vmem>>) offsets(%dma_start3A_64 : memref<128xi32, #tpu.memory_space<vmem>>) semaphore(%arg14 : memref<!tpu.dma_semaphore, #tpu.memory_space<semaphore_mem>>)
        %dma_wait3A_68 = arith.constant 36 : i32
        %dma_wait3A_69 = arith.constant 0 : i32
        %dma_wait3A_70 = tpu.memref_slice %arg7[%dma_wait3A_68, %dma_wait3A_69] : memref<120x128xi32, #tpu.memory_space<vmem>> -> memref<1x128xi32, #tpu.memory_space<vmem>>
        %dma_wait3A_71 = tpu.memref_squeeze %dma_wait3A_70 : memref<1x128xi32, #tpu.memory_space<vmem>> -> memref<128xi32, #tpu.memory_space<vmem>>
        %dma_wait3A_72 = arith.constant 0 : i32
        %dma_wait3A_73 = arith.constant 0 : i32
        %dma_wait3A_74 = tpu.memref_slice %arg2[%dma_wait3A_72, %dma_wait3A_73] : memref<10240x16xf32, #tpu.memory_space<hbm>> -> memref<10240x16xf32, #tpu.memory_space<hbm>>
        tpu.wait_indirect_dma semaphore(%arg14 : memref<!tpu.dma_semaphore, #tpu.memory_space<semaphore_mem>>) src(%dma_wait3A_74 : memref<10240x16xf32, #tpu.memory_space<hbm>>) dst(%arg9 : memref<128x16xf32, #tpu.memory_space<vmem>>)
        %dma_start3A_75 = arith.constant 36 : i32
        %dma_start3A_76 = arith.constant 0 : i32
        %dma_start3A_77 = tpu.memref_slice %arg8[%dma_start3A_75, %dma_start3A_76] : memref<120x128xi32, #tpu.memory_space<vmem>> -> memref<1x128xi32, #tpu.memory_space<vmem>>
        %dma_start3A_78 = tpu.memref_squeeze %dma_start3A_77 : memref<1x128xi32, #tpu.memory_space<vmem>> -> memref<128xi32, #tpu.memory_space<vmem>>
        %dma_start3A_79 = arith.constant 0 : i32
        %dma_start3A_80 = arith.constant 0 : i32
        %dma_start3A_81 = tpu.memref_slice %arg13[%dma_start3A_79, %dma_start3A_80] : memref<10240x16xf32, #tpu.memory_space<vmem_shared>> -> memref<10240x16xf32, #tpu.memory_space<vmem_shared>>
        tpu.enqueue_indirect_dma source(%arg9 : memref<128x16xf32, #tpu.memory_space<vmem>>) target(%dma_start3A_81 : memref<10240x16xf32, #tpu.memory_space<vmem_shared>>) offsets(%dma_start3A_78 : memref<128xi32, #tpu.memory_space<vmem>>) semaphore(%arg14 : memref<!tpu.dma_semaphore, #tpu.memory_space<semaphore_mem>>) {add = true}
        %dma_wait3A_82 = arith.constant 36 : i32
        %dma_wait3A_83 = arith.constant 0 : i32
        %dma_wait3A_84 = tpu.memref_slice %arg8[%dma_wait3A_82, %dma_wait3A_83] : memref<120x128xi32, #tpu.memory_space<vmem>> -> memref<1x128xi32, #tpu.memory_space<vmem>>
        %dma_wait3A_85 = tpu.memref_squeeze %dma_wait3A_84 : memref<1x128xi32, #tpu.memory_space<vmem>> -> memref<128xi32, #tpu.memory_space<vmem>>
        %dma_wait3A_86 = arith.constant 0 : i32
        %dma_wait3A_87 = arith.constant 0 : i32
        %dma_wait3A_88 = tpu.memref_slice %arg13[%dma_wait3A_86, %dma_wait3A_87] : memref<10240x16xf32, #tpu.memory_space<vmem_shared>> -> memref<10240x16xf32, #tpu.memory_space<vmem_shared>>
        tpu.wait_indirect_dma semaphore(%arg14 : memref<!tpu.dma_semaphore, #tpu.memory_space<semaphore_mem>>) src(%arg9 : memref<128x16xf32, #tpu.memory_space<vmem>>) dst(%dma_wait3A_88 : memref<10240x16xf32, #tpu.memory_space<vmem_shared>>)
      } else {
      }
    } else {
    }
    %barrier3A_18 = arith.constant 0 : index
    tpu.barrier barrier_id(%barrier3A_18)
    %mul3A_19 = arith.constant 640 : i32
    %mul3A_20 = arith.muli %arg1, %mul3A_19 : i32
    %mul3A_21 = arith.constant 640 : i32
    %mul3A_22 = arith.muli %arg1, %mul3A_21 : i32
    "tpu.region"() ({
      %run_scoped3A = tpu.sem_alloc : memref<!tpu.dma_semaphore, #tpu.memory_space<semaphore_mem>>
      %dma_start3A = arith.constant 0 : i32
      %dma_start3A_23 = tpu.memref_slice %arg6[%arg0, %mul3A_22, %dma_start3A] : memref<2x10240x16xf32, #tpu.memory_space<hbm>> -> memref<1x640x16xf32, #tpu.memory_space<hbm>>
      %dma_start3A_24 = tpu.memref_squeeze %dma_start3A_23 : memref<1x640x16xf32, #tpu.memory_space<hbm>> -> memref<640x16xf32, #tpu.memory_space<hbm>>
      %dma_start3A_25 = arith.constant 0 : i32
      %dma_start3A_26 = tpu.memref_slice %arg13[%mul3A_20, %dma_start3A_25] : memref<10240x16xf32, #tpu.memory_space<vmem_shared>> -> memref<640x16xf32, #tpu.memory_space<vmem_shared>>
      tpu.enqueue_dma source(%dma_start3A_26 : memref<640x16xf32, #tpu.memory_space<vmem_shared>>) target(%dma_start3A_24 : memref<640x16xf32, #tpu.memory_space<hbm>>) target_semaphore(%run_scoped3A : memref<!tpu.dma_semaphore, #tpu.memory_space<semaphore_mem>>)
      %dma_wait3A = arith.constant 0 : i32
      %dma_wait3A_27 = tpu.memref_slice %arg6[%arg0, %mul3A_22, %dma_wait3A] : memref<2x10240x16xf32, #tpu.memory_space<hbm>> -> memref<1x640x16xf32, #tpu.memory_space<hbm>>
      %dma_wait3A_28 = tpu.memref_squeeze %dma_wait3A_27 : memref<1x640x16xf32, #tpu.memory_space<hbm>> -> memref<640x16xf32, #tpu.memory_space<hbm>>
      %dma_wait3A_29 = arith.constant 0 : i32
      %dma_wait3A_30 = tpu.memref_slice %arg13[%mul3A_20, %dma_wait3A_29] : memref<10240x16xf32, #tpu.memory_space<vmem_shared>> -> memref<640x16xf32, #tpu.memory_space<vmem_shared>>
      tpu.wait_dma2 semaphore(%run_scoped3A : memref<!tpu.dma_semaphore, #tpu.memory_space<semaphore_mem>>) src(%dma_wait3A_30 : memref<640x16xf32, #tpu.memory_space<vmem_shared>>) dst(%dma_wait3A_28 : memref<640x16xf32, #tpu.memory_space<hbm>>)
      tpu.yield
    }) : () -> ()
    return
  }
}

module attributes {stable_mosaic.version = 14 : i64} {
  func.func @_tc_mm_prep_body(%arg0: i32, %arg1: memref<128x1024xf32, #tpu.memory_space<vmem>>, %arg2: memref<1024x128xf32, #tpu.memory_space<vmem>>, %arg3: memref<2x128x128xf32, #tpu.memory_space<vmem>>, %arg4: memref<128x128xf32, #tpu.memory_space<vmem>>, %arg5: memref<128x128xf32, #tpu.memory_space<vmem>>) attributes {dimension_semantics = [#tpu.dimension_semantics<arbitrary>], iteration_bounds = array<i64: 10>, scalar_prefetch = 0 : i64, scratch_operands = 0 : i64, tpu.core_type = #tpu.core_type<tc>, window_params = [{transform_indices = @transform_0, window_bounds = array<i64: 128, 1024>}, {pipeline_mode = #tpu.pipeline_mode<synchronous>, transform_indices = @transform_1, window_bounds = array<i64: 1024, 128>}, {transform_indices = @transform_2, window_bounds = array<i64: 2, 128, 128>}, {transform_indices = @transform_3, window_bounds = array<i64: 128, 128>}, {transform_indices = @transform_4, window_bounds = array<i64: 128, 128>}]} {
    %get3A = arith.constant 0 : index
    %get3A_0 = arith.constant 0 : index
    %get3A_1 = vector.load %arg1[%get3A, %get3A_0] : memref<128x1024xf32, #tpu.memory_space<vmem>>, vector<128x1024xf32>
    %get3A_2 = arith.constant 0 : index
    %get3A_3 = arith.constant 0 : index
    %get3A_4 = vector.load %arg2[%get3A_2, %get3A_3] : memref<1024x128xf32, #tpu.memory_space<vmem>>, vector<1024x128xf32>
    %dot_general3A = arith.constant dense<0.000000e+00> : vector<128x128xf32>
    %dot_general3A_5 = tpu.matmul %get3A_1, %get3A_4, %dot_general3A {dimension_numbers = #tpu.dot_dimension_numbers<[1], [0], [0], [1], [0, 0, 1, 1], [], []>, precision = #tpu.contract_precision<fp32>, transpose_lhs_hint = false} : vector<128x1024xf32>, vector<1024x128xf32>, vector<128x128xf32> -> vector<128x128xf32>
    %get3A_6 = arith.constant 0 : index
    %get3A_7 = arith.constant 0 : index
    %get3A_8 = arith.constant 0 : index
    %get3A_9 = vector.load %arg3[%get3A_6, %get3A_7, %get3A_8] : memref<2x128x128xf32, #tpu.memory_space<vmem>>, vector<1x128x128xf32>
    %get3A_10 = vector.shape_cast %get3A_9 : vector<1x128x128xf32> to vector<128x128xf32>
    %get3A_11 = arith.constant 1 : index
    %get3A_12 = arith.constant 0 : index
    %get3A_13 = arith.constant 0 : index
    %get3A_14 = vector.load %arg3[%get3A_11, %get3A_12, %get3A_13] : memref<2x128x128xf32, #tpu.memory_space<vmem>>, vector<1x128x128xf32>
    %get3A_15 = vector.shape_cast %get3A_14 : vector<1x128x128xf32> to vector<128x128xf32>
    %add3A = arith.addf %get3A_10, %get3A_15 : vector<128x128xf32>
    %add3A_16 = arith.constant 1.000000e+00 : f32
    %add3A_17 = vector.broadcast %add3A_16 : f32 to vector<128x128xf32>
    %add3A_18 = arith.addf %add3A, %add3A_17 : vector<128x128xf32>
    %rsqrt3A = math.rsqrt %add3A_18 : vector<128x128xf32>
    %swap3A = arith.constant 0 : index
    %swap3A_19 = arith.constant 0 : index
    %swap3A_20 = vector.load %arg5[%swap3A, %swap3A_19] : memref<128x128xf32, #tpu.memory_space<vmem>>, vector<128x128xf32>
    tpu.vector_store %arg5[%swap3A, %swap3A_19], %rsqrt3A {strides = array<i32>} : memref<128x128xf32, #tpu.memory_space<vmem>>, vector<128x128xf32>,
    %mul3A = arith.mulf %dot_general3A_5, %rsqrt3A : vector<128x128xf32>
    %swap3A_21 = arith.constant 0 : index
    %swap3A_22 = arith.constant 0 : index
    %swap3A_23 = vector.load %arg4[%swap3A_21, %swap3A_22] : memref<128x128xf32, #tpu.memory_space<vmem>>, vector<128x128xf32>
    tpu.vector_store %arg4[%swap3A_21, %swap3A_22], %mul3A {strides = array<i32>} : memref<128x128xf32, #tpu.memory_space<vmem>>, vector<128x128xf32>,
    return
  }
  func.func @transform_0(%arg0: i32) -> (i32, i32) {
    %c0_i32 = arith.constant 0 : i32
    %c0_i32_0 = arith.constant 0 : i32
    return %arg0, %c0_i32 : i32, i32
  }
  func.func @transform_1(%arg0: i32) -> (i32, i32) {
    %c0_i32 = arith.constant 0 : i32
    %c0_i32_0 = arith.constant 0 : i32
    %c0_i32_1 = arith.constant 0 : i32
    return %c0_i32, %c0_i32_0 : i32, i32
  }
  func.func @transform_2(%arg0: i32) -> (i32, i32, i32) {
    %c0_i32 = arith.constant 0 : i32
    %c0_i32_0 = arith.constant 0 : i32
    %c0_i32_1 = arith.constant 0 : i32
    return %c0_i32, %arg0, %c0_i32_0 : i32, i32, i32
  }
  func.func @transform_3(%arg0: i32) -> (i32, i32) {
    %c0_i32 = arith.constant 0 : i32
    %c0_i32_0 = arith.constant 0 : i32
    return %arg0, %c0_i32 : i32, i32
  }
  func.func @transform_4(%arg0: i32) -> (i32, i32) {
    %c0_i32 = arith.constant 0 : i32
    %c0_i32_0 = arith.constant 0 : i32
    return %arg0, %c0_i32 : i32, i32
  }
}

module attributes {stable_mosaic.version = 14 : i64} {
  func.func @_tc_layer2_body(%arg0: i32, %arg1: memref<2x128x128xf32, #tpu.memory_space<vmem>>, %arg2: memref<128x128xf32, #tpu.memory_space<vmem>>, %arg3: memref<128x128xf32, #tpu.memory_space<vmem>>, %arg4: memref<1x128xf32, #tpu.memory_space<vmem>>, %arg5: memref<128x128xf32, #tpu.memory_space<vmem>>, %arg6: memref<128x128xf32, #tpu.memory_space<vmem>>) attributes {dimension_semantics = [#tpu.dimension_semantics<arbitrary>], iteration_bounds = array<i64: 10>, scalar_prefetch = 0 : i64, scratch_operands = 0 : i64, tpu.core_type = #tpu.core_type<tc>, window_params = [{transform_indices = @transform_0, window_bounds = array<i64: 2, 128, 128>}, {transform_indices = @transform_1, window_bounds = array<i64: 128, 128>}, {transform_indices = @transform_2, window_bounds = array<i64: 128, 128>}, {pipeline_mode = #tpu.pipeline_mode<synchronous>, transform_indices = @transform_3, window_bounds = array<i64: 1, 128>}, {pipeline_mode = #tpu.pipeline_mode<synchronous>, transform_indices = @transform_4, window_bounds = array<i64: 128, 128>}, {transform_indices = @transform_5, window_bounds = array<i64: 128, 128>}]} {
    %get3A = arith.constant 0 : index
    %get3A_0 = arith.constant 0 : index
    %get3A_1 = vector.load %arg3[%get3A, %get3A_0] : memref<128x128xf32, #tpu.memory_space<vmem>>, vector<128x128xf32>
    %get3A_2 = arith.constant 0 : index
    %get3A_3 = arith.constant 0 : index
    %get3A_4 = arith.constant 0 : index
    %get3A_5 = vector.load %arg1[%get3A_2, %get3A_3, %get3A_4] : memref<2x128x128xf32, #tpu.memory_space<vmem>>, vector<1x128x128xf32>
    %get3A_6 = vector.shape_cast %get3A_5 : vector<1x128x128xf32> to vector<128x128xf32>
    %get3A_7 = arith.constant 1 : index
    %get3A_8 = arith.constant 0 : index
    %get3A_9 = arith.constant 0 : index
    %get3A_10 = vector.load %arg1[%get3A_7, %get3A_8, %get3A_9] : memref<2x128x128xf32, #tpu.memory_space<vmem>>, vector<1x128x128xf32>
    %get3A_11 = vector.shape_cast %get3A_10 : vector<1x128x128xf32> to vector<128x128xf32>
    %add3A = arith.addf %get3A_6, %get3A_11 : vector<128x128xf32>
    %get3A_12 = arith.constant 0 : index
    %get3A_13 = arith.constant 0 : index
    %get3A_14 = vector.load %arg2[%get3A_12, %get3A_13] : memref<128x128xf32, #tpu.memory_space<vmem>>, vector<128x128xf32>
    %add3A_15 = arith.addf %add3A, %get3A_14 : vector<128x128xf32>
    %mul3A = arith.mulf %add3A_15, %get3A_1 : vector<128x128xf32>
    %get3A_16 = arith.constant 0 : index
    %get3A_17 = arith.constant 0 : index
    %get3A_18 = vector.load %arg4[%get3A_16, %get3A_17] : memref<1x128xf32, #tpu.memory_space<vmem>>, vector<1x128xf32>
    %add3A_19 = vector.broadcast %get3A_18 : vector<1x128xf32> to vector<128x128xf32>
    %add3A_20 = arith.addf %mul3A, %add3A_19 : vector<128x128xf32>
    %max3A = arith.constant 0.000000e+00 : f32
    %max3A_21 = vector.broadcast %max3A : f32 to vector<128x128xf32>
    %max3A_22 = arith.maximumf %add3A_20, %max3A_21 : vector<128x128xf32>
    %get3A_23 = arith.constant 0 : index
    %get3A_24 = arith.constant 0 : index
    %get3A_25 = vector.load %arg5[%get3A_23, %get3A_24] : memref<128x128xf32, #tpu.memory_space<vmem>>, vector<128x128xf32>
    %dot_general3A = arith.constant dense<0.000000e+00> : vector<128x128xf32>
    %dot_general3A_26 = tpu.matmul %max3A_22, %get3A_25, %dot_general3A {dimension_numbers = #tpu.dot_dimension_numbers<[1], [0], [0], [1], [0, 0, 1, 1], [], []>, precision = #tpu.contract_precision<fp32>, transpose_lhs_hint = false} : vector<128x128xf32>, vector<128x128xf32>, vector<128x128xf32> -> vector<128x128xf32>
    %mul3A_27 = arith.mulf %dot_general3A_26, %get3A_1 : vector<128x128xf32>
    %swap3A = arith.constant 0 : index
    %swap3A_28 = arith.constant 0 : index
    %swap3A_29 = vector.load %arg6[%swap3A, %swap3A_28] : memref<128x128xf32, #tpu.memory_space<vmem>>, vector<128x128xf32>
    tpu.vector_store %arg6[%swap3A, %swap3A_28], %mul3A_27 {strides = array<i32>} : memref<128x128xf32, #tpu.memory_space<vmem>>, vector<128x128xf32>,
    return
  }
  func.func @transform_0(%arg0: i32) -> (i32, i32, i32) {
    %c0_i32 = arith.constant 0 : i32
    %c0_i32_0 = arith.constant 0 : i32
    %c0_i32_1 = arith.constant 0 : i32
    return %c0_i32, %arg0, %c0_i32_0 : i32, i32, i32
  }
  func.func @transform_1(%arg0: i32) -> (i32, i32) {
    %c0_i32 = arith.constant 0 : i32
    %c0_i32_0 = arith.constant 0 : i32
    return %arg0, %c0_i32 : i32, i32
  }
  func.func @transform_2(%arg0: i32) -> (i32, i32) {
    %c0_i32 = arith.constant 0 : i32
    %c0_i32_0 = arith.constant 0 : i32
    return %arg0, %c0_i32 : i32, i32
  }
  func.func @transform_3(%arg0: i32) -> (i32, i32) {
    %c0_i32 = arith.constant 0 : i32
    %c0_i32_0 = arith.constant 0 : i32
    %c0_i32_1 = arith.constant 0 : i32
    return %c0_i32, %c0_i32_0 : i32, i32
  }
  func.func @transform_4(%arg0: i32) -> (i32, i32) {
    %c0_i32 = arith.constant 0 : i32
    %c0_i32_0 = arith.constant 0 : i32
    %c0_i32_1 = arith.constant 0 : i32
    return %c0_i32, %c0_i32_0 : i32, i32
  }
  func.func @transform_5(%arg0: i32) -> (i32, i32) {
    %c0_i32 = arith.constant 0 : i32
    %c0_i32_0 = arith.constant 0 : i32
    return %arg0, %c0_i32 : i32, i32
  }
}

module attributes {stable_mosaic.version = 14 : i64} {
  func.func @_tc_final_body(%arg0: i32, %arg1: memref<2x128x128xf32, #tpu.memory_space<vmem>>, %arg2: memref<128x128xf32, #tpu.memory_space<vmem>>, %arg3: memref<128x128xf32, #tpu.memory_space<vmem>>, %arg4: memref<1x128xf32, #tpu.memory_space<vmem>>, %arg5: memref<128x128xf32, #tpu.memory_space<vmem>>, %arg6: memref<128x128xf32, #tpu.memory_space<vmem>>) attributes {dimension_semantics = [#tpu.dimension_semantics<arbitrary>], iteration_bounds = array<i64: 10>, scalar_prefetch = 0 : i64, scratch_operands = 0 : i64, tpu.core_type = #tpu.core_type<tc>, window_params = [{transform_indices = @transform_0, window_bounds = array<i64: 2, 128, 128>}, {transform_indices = @transform_1, window_bounds = array<i64: 128, 128>}, {transform_indices = @transform_2, window_bounds = array<i64: 128, 128>}, {pipeline_mode = #tpu.pipeline_mode<synchronous>, transform_indices = @transform_3, window_bounds = array<i64: 1, 128>}, {pipeline_mode = #tpu.pipeline_mode<synchronous>, transform_indices = @transform_4, window_bounds = array<i64: 128, 128>}, {transform_indices = @transform_5, window_bounds = array<i64: 128, 128>}]} {
    %get3A = arith.constant 0 : index
    %get3A_0 = arith.constant 0 : index
    %get3A_1 = arith.constant 0 : index
    %get3A_2 = vector.load %arg1[%get3A, %get3A_0, %get3A_1] : memref<2x128x128xf32, #tpu.memory_space<vmem>>, vector<1x128x128xf32>
    %get3A_3 = vector.shape_cast %get3A_2 : vector<1x128x128xf32> to vector<128x128xf32>
    %get3A_4 = arith.constant 1 : index
    %get3A_5 = arith.constant 0 : index
    %get3A_6 = arith.constant 0 : index
    %get3A_7 = vector.load %arg1[%get3A_4, %get3A_5, %get3A_6] : memref<2x128x128xf32, #tpu.memory_space<vmem>>, vector<1x128x128xf32>
    %get3A_8 = vector.shape_cast %get3A_7 : vector<1x128x128xf32> to vector<128x128xf32>
    %add3A = arith.addf %get3A_3, %get3A_8 : vector<128x128xf32>
    %get3A_9 = arith.constant 0 : index
    %get3A_10 = arith.constant 0 : index
    %get3A_11 = vector.load %arg2[%get3A_9, %get3A_10] : memref<128x128xf32, #tpu.memory_space<vmem>>, vector<128x128xf32>
    %add3A_12 = arith.addf %add3A, %get3A_11 : vector<128x128xf32>
    %get3A_13 = arith.constant 0 : index
    %get3A_14 = arith.constant 0 : index
    %get3A_15 = vector.load %arg3[%get3A_13, %get3A_14] : memref<128x128xf32, #tpu.memory_space<vmem>>, vector<128x128xf32>
    %mul3A = arith.mulf %add3A_12, %get3A_15 : vector<128x128xf32>
    %get3A_16 = arith.constant 0 : index
    %get3A_17 = arith.constant 0 : index
    %get3A_18 = vector.load %arg4[%get3A_16, %get3A_17] : memref<1x128xf32, #tpu.memory_space<vmem>>, vector<1x128xf32>
    %add3A_19 = vector.broadcast %get3A_18 : vector<1x128xf32> to vector<128x128xf32>
    %add3A_20 = arith.addf %mul3A, %add3A_19 : vector<128x128xf32>
    %iota3A = tpu.iota {dimensions = array<i32: 1>} : vector<128x128xi32>
    %jit3A = arith.constant 16 : i32
    %eq3A = arith.constant 0 : i32
    %eq3A_21 = arith.cmpi eq, %jit3A, %eq3A : i32
    %jit3A_22 = arith.constant 1 : i32
    %select_n3A = arith.select %eq3A_21, %jit3A_22, %jit3A : i32
    %rem3A = vector.broadcast %select_n3A : i32 to vector<128x128xi32>
    %rem3A_23 = arith.remsi %iota3A, %rem3A : vector<128x128xi32>
    %ne3A = arith.constant 0 : i32
    %ne3A_24 = vector.broadcast %ne3A : i32 to vector<128x128xi32>
    %ne3A_25 = arith.cmpi ne, %rem3A_23, %ne3A_24 : vector<128x128xi32>
    %lt3A = arith.constant 0 : i32
    %lt3A_26 = vector.broadcast %lt3A : i32 to vector<128x128xi32>
    %lt3A_27 = arith.cmpi slt, %rem3A_23, %lt3A_26 : vector<128x128xi32>
    %lt3A_28 = arith.constant 0 : i32
    %lt3A_29 = arith.cmpi slt, %select_n3A, %lt3A_28 : i32
    %ne3A_30 = vector.broadcast %lt3A_29 : i1 to vector<128x128xi1>
    %ne3A_31 = vector.broadcast %ne3A_30 : vector<128x128xi1> to vector<128x128xi1>
    %ne3A_32 = arith.xori %lt3A_27, %ne3A_31 : vector<128x128xi1>
    %and3A = arith.andi %ne3A_32, %ne3A_25 : vector<128x128xi1>
    %add3A_33 = vector.broadcast %select_n3A : i32 to vector<128x128xi32>
    %add3A_34 = arith.addi %rem3A_23, %add3A_33 : vector<128x128xi32>
    %select_n3A_35 = arith.select %and3A, %add3A_34, %rem3A_23 : vector<128x128xi1>, vector<128x128xi32>
    %lt3A_36 = arith.constant 7 : i32
    %lt3A_37 = vector.broadcast %lt3A_36 : i32 to vector<128x128xi32>
    %lt3A_38 = arith.cmpi slt, %select_n3A_35, %lt3A_37 : vector<128x128xi32>
    %jit3A_39 = arith.constant 0xFF800000 : f32
    %broadcast_in_dim3A = vector.broadcast %jit3A_39 : f32 to vector<128x128xf32>
    %select_n3A_40 = arith.select %lt3A_38, %add3A_20, %broadcast_in_dim3A : vector<128x128xi1>, vector<128x128xf32>
    %reduce_max3A = arith.constant dense<0xFF800000> : vector<128xf32>
    %reduce_max3A_41 = vector.multi_reduction <maximumf>, %select_n3A_40, %reduce_max3A [1] : vector<128x128xf32> to vector<128xf32>
    %broadcast_in_dim3A_42 = vector.shape_cast %reduce_max3A_41 : vector<128xf32> to vector<128x1xf32>
    %sub3A = vector.broadcast %broadcast_in_dim3A_42 : vector<128x1xf32> to vector<128x128xf32>
    %sub3A_43 = arith.subf %add3A_20, %sub3A : vector<128x128xf32>
    %exp3A = math.exp %sub3A_43 : vector<128x128xf32>
    %jit3A_44 = arith.constant 0.000000e+00 : f32
    %broadcast_in_dim3A_45 = vector.broadcast %jit3A_44 : f32 to vector<128x128xf32>
    %select_n3A_46 = arith.select %lt3A_38, %exp3A, %broadcast_in_dim3A_45 : vector<128x128xi1>, vector<128x128xf32>
    %get3A_47 = arith.constant 0 : index
    %get3A_48 = arith.constant 0 : index
    %get3A_49 = vector.load %arg5[%get3A_47, %get3A_48] : memref<128x128xf32, #tpu.memory_space<vmem>>, vector<128x128xf32>
    %dot_general3A = arith.constant dense<0.000000e+00> : vector<128x128xf32>
    %dot_general3A_50 = tpu.matmul %select_n3A_46, %get3A_49, %dot_general3A {dimension_numbers = #tpu.dot_dimension_numbers<[1], [0], [0], [1], [0, 0, 1, 1], [], []>, precision = #tpu.contract_precision<fp32>, transpose_lhs_hint = false} : vector<128x128xf32>, vector<128x128xf32>, vector<128x128xf32> -> vector<128x128xf32>
    %sub3A_51 = vector.broadcast %broadcast_in_dim3A_42 : vector<128x1xf32> to vector<128x128xf32>
    %sub3A_52 = arith.subf %add3A_20, %sub3A_51 : vector<128x128xf32>
    %log3A = math.log %dot_general3A_50 : vector<128x128xf32>
    %sub3A_53 = arith.subf %sub3A_52, %log3A : vector<128x128xf32>
    %swap3A = arith.constant 0 : index
    %swap3A_54 = arith.constant 0 : index
    %swap3A_55 = vector.load %arg6[%swap3A, %swap3A_54] : memref<128x128xf32, #tpu.memory_space<vmem>>, vector<128x128xf32>
    tpu.vector_store %arg6[%swap3A, %swap3A_54], %sub3A_53 {strides = array<i32>} : memref<128x128xf32, #tpu.memory_space<vmem>>, vector<128x128xf32>,
    return
  }
  func.func @transform_0(%arg0: i32) -> (i32, i32, i32) {
    %c0_i32 = arith.constant 0 : i32
    %c0_i32_0 = arith.constant 0 : i32
    %c0_i32_1 = arith.constant 0 : i32
    return %c0_i32, %arg0, %c0_i32_0 : i32, i32, i32
  }
  func.func @transform_1(%arg0: i32) -> (i32, i32) {
    %c0_i32 = arith.constant 0 : i32
    %c0_i32_0 = arith.constant 0 : i32
    return %arg0, %c0_i32 : i32, i32
  }
  func.func @transform_2(%arg0: i32) -> (i32, i32) {
    %c0_i32 = arith.constant 0 : i32
    %c0_i32_0 = arith.constant 0 : i32
    return %arg0, %c0_i32 : i32, i32
  }
  func.func @transform_3(%arg0: i32) -> (i32, i32) {
    %c0_i32 = arith.constant 0 : i32
    %c0_i32_0 = arith.constant 0 : i32
    %c0_i32_1 = arith.constant 0 : i32
    return %c0_i32, %c0_i32_0 : i32, i32
  }
  func.func @transform_4(%arg0: i32) -> (i32, i32) {
    %c0_i32 = arith.constant 0 : i32
    %c0_i32_0 = arith.constant 0 : i32
    %c0_i32_1 = arith.constant 0 : i32
    return %c0_i32, %c0_i32_0 : i32, i32
  }
  func.func @transform_5(%arg0: i32) -> (i32, i32) {
    %c0_i32 = arith.constant 0 : i32
    %c0_i32_0 = arith.constant 0 : i32
    return %arg0, %c0_i32 : i32, i32
  }
}

</mosaic_0001>

<sc_bundles>
// kernel: kernel.11.cloned.1.call-start
scs
__scs_entry_jumppad:
0x0: {  	(pc) =	sbr.rel $0x88, $3  }
0x1: {  	(tag) =	ssettag $0x0;
	lr =	simm.s32 $0x1  }
0x2: {  	[smem:$0x3F9B] =	sst lr;
	_ =	strace $0xD0000000  }
0x3: {  	_ = 	snop  }
0x4: {  	_ = 	snop  }
0x5: {  	_ = 	snop  }
0x6: {  	_ = 	snop  }
0x7: {  	_ = 	snop  }
__scs_overlays_trampoline_lowered:
0x8: {  	[smem:$0x3FAA] =	sst s0  }
0x9: {  	[smem:$0x3FAB] =	sst s1  }
0xa: {  	[smem:$0x3FAC] =	sst s2  }
0xb: {  	[smem:$0x3FAD] =	sst s3  }
0xc: {  	[smem:$0x3FAE] =	sst s4  }
0xd: {  	[smem:$0x3FAF] =	sst s5  }
0xe: {  	[smem:$0x3FB0] =	sst s6  }
0xf: {  	[smem:$0x3FB1] =	sst s7  }
0x10: {  	[smem:$0x3FB2] =	sst s8  }
0x11: {  	[smem:$0x3FB3] =	sst s9;
	s0 =	simm.s32 @!p0 $0x0  }
0x12: {  	s1 =	sld [smem:$0x3F99];
	s0 =	simm.s32 @p0 $0x1  }
0x13: {  	[smem:$0x3FB4] =	sst s0;
	s0 =	simm.s32 @!p1 $0x0  }
0x14: {  	s2 =	sld [smem:$0x3F98];
	s0 =	simm.s32 @p1 $0x1  }
0x15: {  	[smem:$0x3FB5] =	sst s0;
	s0 =	simm.s32 @!p2 $0x0  }
0x16: {  	s3 =	sld [smem:$0x3FDB];
	s0 =	simm.s32 @p2 $0x1  }
0x17: {  	s4 =	simm.s32 $0x1BF5;
	[smem:$0x3FB7] =	sst s0  }
0x18: {  	s0 =	sld [smem:$0x3F9A];
	_ =	swait.ge [sflag:s4], $0x0  }
0x19: {  	s7 =	sld [smem:$0x3F9B]  }
0x1a: {  	s8 =	sadd.s32 $0xFFFFE003, lr  }
0x1b: {  	s9 =	sadd.s32 $0xFFFFFEF7, lr;
	s5 =	simm.s32 $0xFFFFFFFF;
	p2 =	slt.u32 s8, $0xFFFFF086  }
0x1c: {  	p1 =	slt.u32 s9, $0xF7A;
	s5 =	simm.s32 @!p2 $0x0  }
0x1d: {  	s5 =	simm.s32 @p1 $0x1;
	p0 =	seq.s32 s7, s2  }
0x1e: {  	s7 =	smul.u32 @!p0 $0xF7A, s2;
	p2 =	seq.s32 @!p0 s5, $0x0  }
0x1f: {  	s9 =	smul.u32 $0xF7A, s1;
	s8 =	simm.s32 @!p0 $0x1BF5;
	p2 =	por !p2, p0  }
0x20: {  	[sflag:s8] =	ssyncset.s32 @!p0 $0xFFFFF086;
	s6 =	sadd.s32 @!p0 s3, s7;
	s7 =	simm.s32 @!p0 $0x108  }
0x21: {  	s3 =	sadd.s32 s3, s9;
	s6 =	sadd.s32 @!p0 $0x88, s6;
	s7 =	simm.s32 @p2 $0x1082  }
0x22: {  	[simem:s7], [sflag:s8] =	dma.local @!p0 [hbm:s6], $0xF7A  }
0x23: {  	s9 =	sor.u32 $0xD0000000, s2;
	s6 =	simm.s32 $0x108;
	_ =	swait.ge @!p0 [sflag:s8], $0x0  }
0x24: {  	s3 =	sadd.s32 $0x88, s3;
	s6 =	simm.s32 @!p1 $0x1082;
	[sflag:s4] =	ssyncset.s32 $0xFFFFF086  }
0x25: {  	[simem:s6], [sflag:s4] =	dma.local [hbm:s3], $0xF7A  }
0x26: {  	[smem:$0x3F9B] =	sst s1;
	(tag) =	ssettag s2;
	_ =	strace s9  }
0x27: {  	s1 =	sld [smem:$0x3FAB]  }
0x28: {  	s2 =	sld [smem:$0x3FAC]  }
0x29: {  	s4 =	sld [smem:$0x3FAE]  }
0x2a: {  	p0 =	seq.s32 s5, $0x0;
	s5 =	sld [smem:$0x3FAF]  }
0x2b: {  	s6 =	sld [smem:$0x3FB0]  }
0x2c: {  	s7 =	sld [smem:$0x3FB1]  }
0x2d: {  	s3 =	simm.s32 $0x108;
	s8 =	sld [smem:$0x3FB2]  }
0x2e: {  	s3 =	simm.s32 @!p0 $0x1082;
	s9 =	sld [smem:$0x3FB3]  }
0x2f: {  	lr =	sadd.s32 s0, s3;
	s0 =	sld [smem:$0x3FAA]  }
0x30: {  	s3 =	sld [smem:$0x3FAD]  }
0x31: {  	[smem:$0x3FB6] =	sst s10  }
0x32: {  	s10 =	sld [smem:$0x3FB4];
	_ =	sdelay $0x3  }
0x33: {  	p0 =	seq.s32 s10, $0x1;
	s10 =	sld [smem:$0x3FB6];
	_ =	sdelay $0x3  }
0x34: {  	[smem:$0x3FB6] =	sst s10  }
0x35: {  	s10 =	sld [smem:$0x3FB5];
	_ =	sdelay $0x3  }
0x36: {  	p1 =	seq.s32 s10, $0x1;
	s10 =	sld [smem:$0x3FB6];
	_ =	sdelay $0x3  }
0x37: {  	[smem:$0x3FB6] =	sst s10  }
0x38: {  	s10 =	sld [smem:$0x3FB7]  }
0x39: {  	_ = 	snop;
	(pc) =	sbr.ind lr, $3  }
0x3a: {  	_ = 	snop  }
0x3b: {  	_ = 	snop  }
0x3c: {  	p2 =	seq.s32 s10, $0x1;
	s10 =	sld [smem:$0x3FB6]  }
0x3d: {  	_ =	shalt  }
0x3e: {  	_ =	shalt  }
0x3f: {  	_ =	shalt  }
0x40: {  	_ =	shalt  }
0x41: {  	_ =	shalt  }
0x42: {  	_ =	shalt  }
0x43: {  	_ =	shalt  }
0x44: {  	_ =	shalt  }
0x45: {  	_ =	shalt  }
0x46: {  	_ =	shalt  }
0x47: {  	_ =	shalt  }
0x48: {  	_ =	shalt  }
0x49: {  	_ =	shalt  }
0x4a: {  	_ =	shalt  }
0x4b: {  	_ =	shalt  }
0x4c: {  	_ =	shalt  }
0x4d: {  	_ =	shalt  }
0x4e: {  	_ =	shalt  }
0x4f: {  	_ =	shalt  }
0x50: {  	_ =	shalt  }
0x51: {  	_ =	shalt  }
0x52: {  	_ =	shalt  }
0x53: {  	_ =	shalt  }
0x54: {  	_ =	shalt  }
0x55: {  	_ =	shalt  }
0x56: {  	_ =	shalt  }
0x57: {  	_ =	shalt  }
0x58: {  	_ =	shalt  }
0x59: {  	_ =	shalt  }
0x5a: {  	_ =	shalt  }
0x5b: {  	_ =	shalt  }
0x5c: {  	_ =	shalt  }
0x5d: {  	_ =	shalt  }
0x5e: {  	_ =	shalt  }
0x5f: {  	_ =	shalt  }
0x60: {  	_ =	shalt  }
0x61: {  	_ =	shalt  }
0x62: {  	_ =	shalt  }
0x63: {  	_ =	shalt  }
0x64: {  	_ =	shalt  }
0x65: {  	_ =	shalt  }
0x66: {  	_ =	shalt  }
0x67: {  	_ =	shalt  }
0x68: {  	_ =	shalt  }
0x69: {  	_ =	shalt  }
0x6a: {  	_ =	shalt  }
0x6b: {  	_ =	shalt  }
0x6c: {  	_ =	shalt  }
0x6d: {  	_ =	shalt  }
0x6e: {  	_ =	shalt  }
0x6f: {  	_ =	shalt  }
0x70: {  	_ =	shalt  }
0x71: {  	_ =	shalt  }
0x72: {  	_ =	shalt  }
0x73: {  	_ =	shalt  }
0x74: {  	_ =	shalt  }
0x75: {  	_ =	shalt  }
0x76: {  	_ =	shalt  }
0x77: {  	_ =	shalt  }
0x78: {  	_ =	shalt  }
0x79: {  	_ =	shalt  }
0x7a: {  	_ =	shalt  }
0x7b: {  	_ =	shalt  }
0x7c: {  	_ =	shalt  }
0x7d: {  	_ =	shalt  }
0x7e: {  	_ =	shalt  }
0x7f: {  	_ =	shalt  }
0x80: {  	_ =	shalt  }
0x81: {  	_ =	shalt  }
0x82: {  	_ =	shalt  }
0x83: {  	_ =	shalt  }
0x84: {  	_ =	shalt  }
0x85: {  	_ =	shalt  }
0x86: {  	_ =	shalt  }
0x87: {  	_ =	shalt  }
.Lfunc_end0:
.L_simem_size_0:
called_computation.1_lowered:
.L_overlay_start_0:
0x88: {  	s2 =	sld [smem:$0x3FD9]  }
0x89: {  	s3 =	sld [smem:$0x3FFE];
	_ =	sdelay $0x1  }
0x8a: {  	s1 =	srdreg.scid  }
0x8b: {  	s0 =	sand.u32 $0x1, s1  }
0x8c: {  	s17 =	sshll.u32 s0, $0xA;
	s2 =	sadd.s32 s3, s2  }
0x8d: {  	s2 =	sadd.s32 s2, s17  }
0x8e: {  	[smem:$0x3FC2] =	sst s2  }
0x8f: {  	_ = 	snop  }
0x90: {  	s2 =	sld [smem:$0x3FD0];
	(tm) =	ssettm $0x1  }
0x91: {  	s18 =	sld [smem:$0x3FFB];
	_ =	sdelay $0x3  }
0x92: {  	_ =	strace s18  }
0x93: {  	s3 =	sld [smem:$0x3FFC];
	_ =	sdelay $0x3  }
0x94: {  	_ =	strace s3  }
0x95: {  	s3 =	sld [smem:$0x3FFD];
	_ =	sdelay $0x3  }
0x96: {  	_ =	strace s3  }
0x97: {  	_ =	strace $0x8FFFFFFF  }
0x98: {  	s19 =	sld [smem:$0x3FDB];
	_ =	sdelay $0x1  }
0x99: {  	s4 =	simm.s32 $_scs_section_size  }
0x9a: {  	s5 =	simm.s32 $_size__tile_overlayer_lowered;
	s6 =	simm.s32 $_tile_overlayer_lowered  }
0x9b: {  	s22 =	simm.s32 $0x1BFF;
	s21 =	sshll.u32 s6, $0x1;
	s3 =	sadd.s32 s4, s19  }
0x9c: {  	s7 =	simm.s32 $0x0;
	s20 =	sshll.u32 s5, $0x1;
	s5 =	sadd.s32 s21, s3  }
0x9d: {  	[timem:s7], [sflag:s22] =	dma.local [hbm:s5], s20  }
0x9e: {  	_ =	swait.ge [sflag:s22], s20  }
0x9f: {  	s4 =	ssub.s32 $0x0, s20;
	[sflag:s22] =	ssyncset.done $0x0  }
0xa0: {  	[sflag:s22] =	ssyncadd.s32 s4;
	_ =	sdelay $0x1  }
0xa1: {  	s23 =	simm.s32 $0x1B8B  }
0xa2: {  	_ =	swait.ge [sflag:s23], $0x1  }
0xa3: {  	[sflag:s23] =	ssyncset.done $0x0  }
0xa4: {  	s25 =	simm.s32 $0x1B8E;
	s24 =	sld [smem:$0x3FFE];
	[sflag:s23] =	ssyncadd.s32 $0xFFFFFFFF  }
0xa5: {  	s26 =	simm.s32 $execute0_lowered;
	[smem:$0x3FD2] =	sst s25  }
0xa6: {  	s5 =	sshll.u32 s26, $0x1;
	_ =	strace $0x80000049;
	[dreg:$0x1] =	wrdreg $0xFFFFFFFF  }
0xa7: {  	s28 =	simm.s32 $_size_execute0_lowered;
	s3 =	sadd.s32 s3, s5;
	[dreg:$0x0] =	wrdreg $0x0  }
0xa8: {  	s5 =	sshll.u32 s28, $0x1;
	[dreg:$0x2] =	wrdreg s3  }
0xa9: {  	[dreg:$0x3] =	wrdreg s5  }
0xaa: {  	[dreg:$0x4] =	wrdreg $0xC0  }
0xab: {  	_ =	task [dreg:s7], $0x5FFFF  }
0xac: {  	[dreg:$0x1] =	wrdreg $0xFFFFFFFF  }
0xad: {  	[dreg:$0x0] =	wrdreg $0x60  }
0xae: {  	[dreg:$0x2] =	wrdreg s24  }
0xaf: {  	[dreg:$0x3] =	wrdreg s2  }
0xb0: {  	[dreg:$0x4] =	wrdreg $0x98000  }
0xb1: {  	[dreg:$0x5] =	wrdreg $0x9  }
0xb2: {  	_ =	task.clear_ibuf [dreg:s7], $0x6FFFF;
	_ =	strace $0x90000049  }
0xb3: {  	s29 =	simm.s32 $0x9;
	_ =	strace $0x8000004B  }
0xb4: {  	_ =	swait.ge [sflag:s29], $0x1  }
0xb5: {  	[sflag:s29] =	ssyncadd.s32 $0xFFFFFFFF  }
0xb6: {  	_ =	strace $0x9000004B  }
0xb7: {  	_ =	sfence  }
0xb8: {  	s30 =	sld [smem:$0x0];
	_ =	sdelay $0x2  }
0xb9: {  	s31 =	sshll.u32 s1, $0xD;
	s1 =	sshrl.u32 s1, $0x2  }
0xba: {  	s3 =	sand.u32 $0x4000, s31;
	s1 =	sadd.s32 s1, s30  }
0xbb: {  	s0 =	sor.u32 s3, s0;
	s1 =	sshll.u32 s1, $0x11  }
0xbc: {  	s0 =	sor.u32 s1, s0  }
0xbd: {  	s0 =	sadd.s32 $0x8F2B, s0  }
0xbe: {  	[sflag:s0] =	ssyncadd.remote.s32 $0x1  }
0xbf: {  	_ =	sfence.sel $0xFFFF  }
0xc0: {  	[dreg:$0x0] =	wrdreg $0xFFFFFFFF;
	(pc) =	sbr.abs _section_cstart, $3  }
0xc1: {  	[dreg:$0x1] =	wrdreg $0xFFFFFFFF  }
0xc2: {  	_ =	task.clear_ibuf [dreg:s7], $0x2FFFF;
	_ =	strace $0x9FFFFFFF  }
0xc3: {  	(tm) =	ssettm $0x7FFFFFFF  }
tec
execute0_lowered:
.L_overlay_start_1:
0x0: {  	(tag) =	ssettag $0x1  }
0x1: {  	s0 =	rddreg [dreg:$0x0]  }
0x2: {  	s3 =	rddreg [dreg:$0x2]  }
0x3: {  	s1 =	srdreg.scid;
	s13 =	stileid.u32;
	s4 =	simm.s32 $0x0  }
0x4: {  	s16 =	simm.s32 $0x5;
	s17 =	simm.s32 $0x3C00;
	s18 =	simm.s32 $0x80  }
0x5: {  	s19 =	simm.s32 $0x7800;
	s20 =	simm.s32 $0x8000;
	s28 =	simm.s32 $0x3C80  }
0x6: {  	s29 =	simm.s32 $0x3;
	s30 =	simm.s32 $0x3D00;
	s31 =	simm.s32 $0x4  }
0x7: {  	s1 =	sand.u32 $0x1, s1;
	s2 =	smul.u32 $0x2800, s13;
	[smem:$0x7FF] =	sst s4  }
0x8: {  	s5 =	sadd.s32 $0x15A00, s0;
	s11 =	sadd.s32 $0x1E00, s0;
	s7 =	smul.u32 $0x24, s13  }
0x9: {  	s12 =	sadd.s32 $0xBC00, s0;
	s8 =	smul.u32 $0x78, s13;
	p1 =	slt.u32 s13, $0x4  }
0xa: {  	s23 =	sshll.u32 s13, $0x6;
	s24 =	smul.u32 $0x780, s13;
	s13 =	sshll.u32 s13, $0x4  }
0xb: {  	s21 =	smul.u32 $0x28000, s1;
	_ =	strace $0x8000004A;
	s6 =	ssub.s32 $0x2, s1  }
0xc: {  	p0 =	seq.s32 s1, $0x0;
	s13 =	sor.u32 $0x9C00, s13;
	p2 =	sne.s32 s1, $0x0  }
0xd: {  	s22 =	sshrl.u32 s6, $0x1;
	s9 =	sadd.s32 $0x780, s7;
	s25 =	sadd.s32 s11, s24  }
0xe: {  	s26 =	sadd.s32 s12, s24;
	s24 =	simm.s32 $0x9000;
	s4 =	sadd.s32 s2, s21  }
0xf: {  	s9 =	smov.u32 @p0 s8;
	p0 =	seq.s32 s1, $0x1;
	[dreg:$0x4] =	wrdreg s25  }
0x10: {  	s2 =	sadd.s32 s2, s3;
	[dreg:$0x5] =	wrdreg s26;
	s21 =	simm.s32 $0x100  }
0x11: {  	s25 =	simm.s32 $0x1;
	s26 =	simm.s32 $0x2;
	s1 =	simm.s32 $0x0  }
0x12: {  	s4 =	sshrl.u32 s4, $0x3;
	p1 =	por !p1, !p0;
	s10 =	sshll.u32 s9, $0x4  }
.Ltmp0:
0x13: {  	s15 =	sshrl.u32 s2, $0x3;
	s0 =	sadd.s32 s4, s0;
	(pc) =	sbr.rel .LBB2_1-.Ltmp0, $4  }
0x14: {  	s4 =	ssub.s32 s6, s22;
	s6 =	sor.u32 $0x1C05, s23;
	p1 =	por !p1, !p1  }
0x15: {  	s9 =	sadd.s32 s11, s10;
	s10 =	sadd.s32 s12, s10;
	s11 =	sadd.s32 s11, s13  }
0x16: {  	s12 =	sadd.s32 s12, s13;
	s22 =	simm.s32 $0x8800;
	s23 =	simm.s32 $0x180  }
0x17: {  	s13 =	sadd.s32 $0x1AA00, s0;
	s14 =	smax.u32 s4, $0x1;
	s0 =	simm.s32 $0x3D80  }
.LBB2_8:
0x18: {  	[spmem:s3] =	stream.indirect.scatter.add.f32 [tilespmem:s24], [sflag:$0x4], $0x10, s4, s18, $0xb8;
	[tilespmem:$0xC000] =	vst v63  }
0x19: {  	_ =	swait.ge [sflag:s25], $0x800  }
0x1a: {  	[sflag:s25] =	ssyncset.done $0x0  }
0x1b: {  	[sflag:s25] =	ssyncadd.s32 $0xFFFFF800  }
0x1c: {  	_ =	swait.ge [sflag:s26], $0x800  }
0x1d: {  	[sflag:s26] =	ssyncset.done $0x0  }
0x1e: {  	[sflag:s26] =	ssyncadd.s32 $0xFFFFF800  }
0x1f: {  	_ =	swait.ge [sflag:s29], $0x800  }
0x20: {  	[sflag:s29] =	ssyncset.done $0x0  }
0x21: {  	[sflag:s29] =	ssyncadd.s32 $0xFFFFF800  }
0x22: {  	_ =	swait.ge [sflag:s31], $0x800  }
0x23: {  	s2 =	simm.s32 @p1 $0x80;
	[sflag:s31] =	ssyncset.done $0x0  }
0x24: {  	s4 =	simm.s32 @p1 $0x1200;
	s7 =	simm.s32 @p1 $0x7800;
	[sflag:s31] =	ssyncadd.s32 $0xFFFFF800  }
0x25: {  	[tilespmem:s7], [sflag:$0x1] =	stream.indirect.gather @p1 [hbm4b:s5+s2], $0x10, s4, s2, $0xb8;
	[tilespmem:$0xC000] =	vst v63  }
0x26: {  	s4 =	simm.s32 @p1 $0x1  }
0x27: {  	_ =	swait.ge @p1 [sflag:s4], $0x800  }
0x28: {  	[sflag:s4] =	ssyncset.done @p1 $0x0  }
0x29: {  	s8 =	simm.s32 @p1 $0x4E00;
	[sflag:s4] =	ssyncadd.s32 @p1 $0xFFFFF800  }
0x2a: {  	[spmem:s3] =	stream.indirect.scatter.add.f32 @p1 [tilespmem:s7], [sflag:$0x1], $0x10, s8, s2, $0xb8;
	[tilespmem:$0xC000] =	vst v63  }
0x2b: {  	_ =	swait.ge @p1 [sflag:s4], $0x800  }
0x2c: {  	[sflag:s4] =	ssyncset.done @p1 $0x0  }
0x2d: {  	[sflag:s4] =	ssyncadd.s32 @p1 $0xFFFFF800  }
.LBB2_9:
0x2e: {  	s1 =	sadd.s32 $0x1, s1  }
0x2f: {  	p3 =	sne.s32 s1, s14  }
.Ltmp1:
0x30: {  	[bflag:$0x0] =	sbarrier.arrive $0xFFFF;
	(pc) =	sbr.rel @!p3 .LBB2_10-.Ltmp1, $4  }
0x31: {  	[hbm:s13], [sflag:s6] =	dma.local [spmem:s15], $0x500  }
0x32: {  	_ =	swait.ge [sflag:s16], $0x500  }
0x33: {  	[sflag:s16] =	ssyncset.done $0x0  }
0x34: {  	[sflag:s16] =	ssyncadd.s32 $0xFFFFFB00  }
.LBB2_1:
0x35: {  	s2 =	rddreg [dreg:$0x1]  }
0x36: {  	[spmem:s15], [sflag:s6] =	dma.local [hbm:s2], $0x500  }
.Ltmp2:
0x37: {  	_ =	swait.ge [sflag:s16], $0x500;
	(pc) =	sbr.rel @p2 .LBB2_5-.Ltmp2, $3  }
0x38: {  	[sflag:s16] =	ssyncset.done $0x0  }
0x39: {  	[sflag:s16] =	ssyncadd.s32 $0xFFFFFB00  }
0x3a: {  	[bflag:$0x0] =	sbarrier.arrive $0xFFFF;
	_ =	sdelay $0x1  }
0x3b: {  	s2 =	simm.s32 $0x0;
	s4 =	rddreg [dreg:$0x4]  }
0x3c: {  	[tilespmem:s2], [sflag:$0x5] =	stream.linear.gather [hbm4b:s4+s2], $0x3C00, $0x38;
	[tilespmem:$0xC000] =	vst v63  }
0x3d: {  	_ =	swait.ge [sflag:s16], $0x3C00  }
0x3e: {  	[sflag:s16] =	ssyncset.done $0x0  }
0x3f: {  	s7 =	rddreg [dreg:$0x5];
	[sflag:s16] =	ssyncadd.s32 $0xFFFFC400  }
0x40: {  	[tilespmem:s17], [sflag:$0x5] =	stream.linear.gather [hbm4b:s7+s2], $0x3C00, $0x38;
	[tilespmem:$0xC000] =	vst v63  }
0x41: {  	_ =	swait.ge [sflag:s16], $0x3C00  }
0x42: {  	[sflag:s16] =	ssyncset.done $0x0  }
0x43: {  	[sflag:s16] =	ssyncadd.s32 $0xFFFFC400  }
0x44: {  	[tilespmem:s19], [sflag:$0x1] =	stream.indirect.gather [hbm4b:s5+s18], $0x10, s2, s18, $0xb8;
	[tilespmem:$0xC000] =	vst v63  }
0x45: {  	_ = 	snop  }
0x46: {  	[tilespmem:s20], [sflag:$0x2] =	stream.indirect.gather [hbm4b:s5+s18], $0x10, s18, s18, $0xb8;
	[tilespmem:$0xC000] =	vst v63  }
0x47: {  	_ = 	snop  }
0x48: {  	[tilespmem:s22], [sflag:$0x3] =	stream.indirect.gather [hbm4b:s5+s18], $0x10, s21, s18, $0xb8;
	[tilespmem:$0xC000] =	vst v63  }
0x49: {  	_ = 	snop  }
0x4a: {  	[tilespmem:s24], [sflag:$0x4] =	stream.indirect.gather [hbm4b:s5+s18], $0x10, s23, s18, $0xb8;
	[tilespmem:$0xC000] =	vst v63  }
0x4b: {  	_ =	swait.ge [sflag:s25], $0x800  }
0x4c: {  	[sflag:s25] =	ssyncset.done $0x0  }
0x4d: {  	[sflag:s25] =	ssyncadd.s32 $0xFFFFF800  }
0x4e: {  	[spmem:s3] =	stream.indirect.scatter.add.f32 [tilespmem:s19], [sflag:$0x1], $0x10, s17, s18, $0xb8;
	[tilespmem:$0xC000] =	vst v63  }
0x4f: {  	_ =	swait.ge [sflag:s26], $0x800  }
0x50: {  	[sflag:s26] =	ssyncset.done $0x0  }
0x51: {  	[sflag:s26] =	ssyncadd.s32 $0xFFFFF800  }
0x52: {  	[spmem:s3] =	stream.indirect.scatter.add.f32 [tilespmem:s20], [sflag:$0x2], $0x10, s28, s18, $0xb8;
	[tilespmem:$0xC000] =	vst v63  }
0x53: {  	_ =	swait.ge [sflag:s29], $0x800  }
0x54: {  	[sflag:s29] =	ssyncset.done $0x0  }
0x55: {  	[sflag:s29] =	ssyncadd.s32 $0xFFFFF800  }
0x56: {  	[spmem:s3] =	stream.indirect.scatter.add.f32 [tilespmem:s22], [sflag:$0x3], $0x10, s30, s18, $0xb8;
	[tilespmem:$0xC000] =	vst v63  }
0x57: {  	_ =	swait.ge [sflag:s31], $0x800  }
0x58: {  	[sflag:s31] =	ssyncset.done $0x0  }
0x59: {  	[sflag:s31] =	ssyncadd.s32 $0xFFFFF800  }
0x5a: {  	[spmem:s3] =	stream.indirect.scatter.add.f32 [tilespmem:s24], [sflag:$0x4], $0x10, s0, s18, $0xb8;
	[tilespmem:$0xC000] =	vst v63  }
0x5b: {  	_ =	swait.ge [sflag:s25], $0x800  }
0x5c: {  	[sflag:s25] =	ssyncset.done $0x0  }
0x5d: {  	s8 =	simm.s32 $0x200;
	[sflag:s25] =	ssyncadd.s32 $0xFFFFF800  }
0x5e: {  	[tilespmem:s19], [sflag:$0x1] =	stream.indirect.gather [hbm4b:s5+s18], $0x10, s8, s18, $0xb8;
	[tilespmem:$0xC000] =	vst v63  }
0x5f: {  	_ =	swait.ge [sflag:s26], $0x800  }
0x60: {  	[sflag:s26] =	ssyncset.done $0x0  }
0x61: {  	s4 =	simm.s32 $0x280;
	[sflag:s26] =	ssyncadd.s32 $0xFFFFF800  }
0x62: {  	[tilespmem:s20], [sflag:$0x2] =	stream.indirect.gather [hbm4b:s5+s18], $0x10, s4, s18, $0xb8;
	[tilespmem:$0xC000] =	vst v63  }
0x63: {  	_ =	swait.ge [sflag:s29], $0x800  }
0x64: {  	[sflag:s29] =	ssyncset.done $0x0  }
0x65: {  	s7 =	simm.s32 $0x300;
	[sflag:s29] =	ssyncadd.s32 $0xFFFFF800  }
0x66: {  	[tilespmem:s22], [sflag:$0x3] =	stream.indirect.gather [hbm4b:s5+s18], $0x10, s7, s18, $0xb8;
	[tilespmem:$0xC000] =	vst v63  }
0x67: {  	_ =	swait.ge [sflag:s31], $0x800  }
0x68: {  	[sflag:s31] =	ssyncset.done $0x0  }
0x69: {  	s8 =	simm.s32 $0x380;
	[sflag:s31] =	ssyncadd.s32 $0xFFFFF800  }
0x6a: {  	[tilespmem:s24], [sflag:$0x4] =	stream.indirect.gather [hbm4b:s5+s18], $0x10, s8, s18, $0xb8;
	[tilespmem:$0xC000] =	vst v63  }
0x6b: {  	_ =	swait.ge [sflag:s25], $0x800  }
0x6c: {  	[sflag:s25] =	ssyncset.done $0x0  }
0x6d: {  	s4 =	simm.s32 $0x3E00;
	[sflag:s25] =	ssyncadd.s32 $0xFFFFF800  }
0x6e: {  	[spmem:s3] =	stream.indirect.scatter.add.f32 [tilespmem:s19], [sflag:$0x1], $0x10, s4, s18, $0xb8;
	[tilespmem:$0xC000] =	vst v63  }
0x6f: {  	_ =	swait.ge [sflag:s26], $0x800  }
0x70: {  	[sflag:s26] =	ssyncset.done $0x0  }
0x71: {  	s7 =	simm.s32 $0x3E80;
	[sflag:s26] =	ssyncadd.s32 $0xFFFFF800  }
0x72: {  	[spmem:s3] =	stream.indirect.scatter.add.f32 [tilespmem:s20], [sflag:$0x2], $0x10, s7, s18, $0xb8;
	[tilespmem:$0xC000] =	vst v63  }
0x73: {  	_ =	swait.ge [sflag:s29], $0x800  }
0x74: {  	[sflag:s29] =	ssyncset.done $0x0  }
0x75: {  	s8 =	simm.s32 $0x3F00;
	[sflag:s29] =	ssyncadd.s32 $0xFFFFF800  }
0x76: {  	[spmem:s3] =	stream.indirect.scatter.add.f32 [tilespmem:s22], [sflag:$0x3], $0x10, s8, s18, $0xb8;
	[tilespmem:$0xC000] =	vst v63  }
0x77: {  	_ =	swait.ge [sflag:s31], $0x800  }
0x78: {  	[sflag:s31] =	ssyncset.done $0x0  }
0x79: {  	s2 =	simm.s32 $0x800;
	s4 =	simm.s32 $0x3F80;
	[sflag:s31] =	ssyncadd.s32 $0xFFFFF800  }
.LBB2_3:
0x7a: {  	[spmem:s3] =	stream.indirect.scatter.add.f32 [tilespmem:s24], [sflag:$0x4], $0x10, s4, s18, $0xb8;
	[tilespmem:$0xC000] =	vst v63  }
0x7b: {  	s4 =	smov.u32 s2  }
0x7c: {  	p3 =	sne.s32 s2, $0xE000;
	s2 =	sadd.s32 $0x800, s2;
	_ =	swait.ge [sflag:s25], $0x800  }
0x7d: {  	s4 =	sshra.s32 s4, $0x2;
	[sflag:s25] =	ssyncset.done $0x0  }
0x7e: {  	s7 =	sadd.s32 $0x200, s4;
	[sflag:s25] =	ssyncadd.s32 $0xFFFFF800  }
0x7f: {  	[tilespmem:s19], [sflag:$0x1] =	stream.indirect.gather [hbm4b:s5+s18], $0x10, s7, s18, $0xb8;
	[tilespmem:$0xC000] =	vst v63  }
0x80: {  	_ =	swait.ge [sflag:s26], $0x800  }
0x81: {  	[sflag:s26] =	ssyncset.done $0x0  }
0x82: {  	s7 =	sadd.s32 $0x280, s4;
	[sflag:s26] =	ssyncadd.s32 $0xFFFFF800  }
0x83: {  	[tilespmem:s20], [sflag:$0x2] =	stream.indirect.gather [hbm4b:s5+s18], $0x10, s7, s18, $0xb8;
	[tilespmem:$0xC000] =	vst v63  }
0x84: {  	_ =	swait.ge [sflag:s29], $0x800  }
0x85: {  	[sflag:s29] =	ssyncset.done $0x0  }
0x86: {  	s7 =	sadd.s32 $0x300, s4;
	[sflag:s29] =	ssyncadd.s32 $0xFFFFF800  }
0x87: {  	[tilespmem:s22], [sflag:$0x3] =	stream.indirect.gather [hbm4b:s5+s18], $0x10, s7, s18, $0xb8;
	[tilespmem:$0xC000] =	vst v63  }
0x88: {  	_ =	swait.ge [sflag:s31], $0x800  }
0x89: {  	[sflag:s31] =	ssyncset.done $0x0  }
0x8a: {  	s7 =	sadd.s32 $0x380, s4;
	[sflag:s31] =	ssyncadd.s32 $0xFFFFF800  }
0x8b: {  	[tilespmem:s24], [sflag:$0x4] =	stream.indirect.gather [hbm4b:s5+s18], $0x10, s7, s18, $0xb8;
	[tilespmem:$0xC000] =	vst v63  }
0x8c: {  	_ =	swait.ge [sflag:s25], $0x800  }
0x8d: {  	[sflag:s25] =	ssyncset.done $0x0  }
0x8e: {  	s7 =	sadd.s32 $0x3E00, s4;
	[sflag:s25] =	ssyncadd.s32 $0xFFFFF800  }
0x8f: {  	[spmem:s3] =	stream.indirect.scatter.add.f32 [tilespmem:s19], [sflag:$0x1], $0x10, s7, s18, $0xb8;
	[tilespmem:$0xC000] =	vst v63  }
0x90: {  	_ =	swait.ge [sflag:s26], $0x800  }
0x91: {  	[sflag:s26] =	ssyncset.done $0x0  }
0x92: {  	s7 =	sadd.s32 $0x3E80, s4;
	[sflag:s26] =	ssyncadd.s32 $0xFFFFF800  }
0x93: {  	[spmem:s3] =	stream.indirect.scatter.add.f32 [tilespmem:s20], [sflag:$0x2], $0x10, s7, s18, $0xb8;
	[tilespmem:$0xC000] =	vst v63  }
0x94: {  	_ =	swait.ge [sflag:s29], $0x800  }
0x95: {  	[sflag:s29] =	ssyncset.done $0x0  }
.Ltmp3:
0x96: {  	s7 =	sadd.s32 $0x3F00, s4;
	[sflag:s29] =	ssyncadd.s32 $0xFFFFF800;
	(pc) =	sbr.rel @p3 .LBB2_3-.Ltmp3, $4  }
0x97: {  	[spmem:s3] =	stream.indirect.scatter.add.f32 [tilespmem:s22], [sflag:$0x3], $0x10, s7, s18, $0xb8;
	[tilespmem:$0xC000] =	vst v63  }
0x98: {  	_ =	swait.ge [sflag:s31], $0x800  }
0x99: {  	[sflag:s31] =	ssyncset.done $0x0  }
0x9a: {  	s4 =	sadd.s32 $0x3F80, s4;
	[sflag:s31] =	ssyncadd.s32 $0xFFFFF800  }
0x9b: {  	[spmem:s3] =	stream.indirect.scatter.add.f32 [tilespmem:s24], [sflag:$0x4], $0x10, s4, s18, $0xb8;
	[tilespmem:$0xC000] =	vst v63  }
0x9c: {  	_ =	swait.ge [sflag:s25], $0x800  }
0x9d: {  	[sflag:s25] =	ssyncset.done $0x0  }
0x9e: {  	[sflag:s25] =	ssyncadd.s32 $0xFFFFF800  }
0x9f: {  	_ =	swait.ge [sflag:s26], $0x800  }
0xa0: {  	[sflag:s26] =	ssyncset.done $0x0  }
0xa1: {  	[sflag:s26] =	ssyncadd.s32 $0xFFFFF800  }
0xa2: {  	_ =	swait.ge [sflag:s29], $0x800  }
0xa3: {  	[sflag:s29] =	ssyncset.done $0x0  }
0xa4: {  	[sflag:s29] =	ssyncadd.s32 $0xFFFFF800  }
0xa5: {  	_ =	swait.ge [sflag:s31], $0x800  }
0xa6: {  	[sflag:s31] =	ssyncset.done $0x0  }
0xa7: {  	[sflag:s31] =	ssyncadd.s32 $0xFFFFF800  }
.LBB2_5:
.Ltmp4:
0xa8: {  	(pc) =	sbr.rel @!p0 .LBB2_9-.Ltmp4, $1  }
0xa9: {  	_ =	sdelay $0x3  }
0xaa: {  	s2 =	simm.s32 $0x0  }
0xab: {  	[tilespmem:s2], [sflag:$0x5] =	stream.linear.gather [hbm4b:s9+s2], $0x1200, $0x38;
	[tilespmem:$0xC000] =	vst v63  }
0xac: {  	_ =	swait.ge [sflag:s16], $0x1200  }
0xad: {  	[sflag:s16] =	ssyncset.done $0x0  }
0xae: {  	[sflag:s16] =	ssyncadd.s32 $0xFFFFEE00  }
0xaf: {  	[tilespmem:s17], [sflag:$0x5] =	stream.linear.gather [hbm4b:s10+s2], $0x1200, $0x38;
	[tilespmem:$0xC000] =	vst v63  }
0xb0: {  	_ =	swait.ge [sflag:s16], $0x1200  }
0xb1: {  	[sflag:s16] =	ssyncset.done $0x0  }
0xb2: {  	s4 =	simm.s32 @p1 $0x1200;
	s2 =	simm.s32 @p1 $0x0;
	[sflag:s16] =	ssyncadd.s32 $0xFFFFEE00  }
0xb3: {  	[tilespmem:s4], [sflag:$0x5] =	stream.linear.gather @p1 [hbm4b:s11+s2], $0x80, $0x38;
	[tilespmem:$0xC000] =	vst v63  }
0xb4: {  	s4 =	simm.s32 @p1 $0x5  }
0xb5: {  	_ =	swait.ge @p1 [sflag:s4], $0x80  }
0xb6: {  	[sflag:s4] =	ssyncset.done @p1 $0x0  }
0xb7: {  	s7 =	simm.s32 @p1 $0x4E00;
	[sflag:s4] =	ssyncadd.s32 @p1 $0xFFFFFF80  }
0xb8: {  	[tilespmem:s7], [sflag:$0x5] =	stream.linear.gather @p1 [hbm4b:s12+s2], $0x80, $0x38;
	[tilespmem:$0xC000] =	vst v63  }
0xb9: {  	_ =	swait.ge @p1 [sflag:s4], $0x80  }
0xba: {  	[sflag:s4] =	ssyncset.done @p1 $0x0  }
0xbb: {  	s7 =	simm.s32 $0x0;
	[sflag:s4] =	ssyncadd.s32 @p1 $0xFFFFFF80  }
0xbc: {  	[tilespmem:s19], [sflag:$0x1] =	stream.indirect.gather [hbm4b:s5+s18], $0x10, s7, s18, $0xb8;
	[tilespmem:$0xC000] =	vst v63  }
0xbd: {  	_ = 	snop  }
0xbe: {  	[tilespmem:s20], [sflag:$0x2] =	stream.indirect.gather [hbm4b:s5+s18], $0x10, s18, s18, $0xb8;
	[tilespmem:$0xC000] =	vst v63  }
0xbf: {  	_ = 	snop  }
0xc0: {  	[tilespmem:s22], [sflag:$0x3] =	stream.indirect.gather [hbm4b:s5+s18], $0x10, s21, s18, $0xb8;
	[tilespmem:$0xC000] =	vst v63  }
0xc1: {  	_ = 	snop  }
0xc2: {  	[tilespmem:s24], [sflag:$0x4] =	stream.indirect.gather [hbm4b:s5+s18], $0x10, s23, s18, $0xb8;
	[tilespmem:$0xC000] =	vst v63  }
0xc3: {  	_ =	swait.ge [sflag:s25], $0x800  }
0xc4: {  	[sflag:s25] =	ssyncset.done $0x0  }
0xc5: {  	[sflag:s25] =	ssyncadd.s32 $0xFFFFF800  }
0xc6: {  	[spmem:s3] =	stream.indirect.scatter.add.f32 [tilespmem:s19], [sflag:$0x1], $0x10, s17, s18, $0xb8;
	[tilespmem:$0xC000] =	vst v63  }
0xc7: {  	_ =	swait.ge [sflag:s26], $0x800  }
0xc8: {  	[sflag:s26] =	ssyncset.done $0x0  }
0xc9: {  	[sflag:s26] =	ssyncadd.s32 $0xFFFFF800  }
0xca: {  	[spmem:s3] =	stream.indirect.scatter.add.f32 [tilespmem:s20], [sflag:$0x2], $0x10, s28, s18, $0xb8;
	[tilespmem:$0xC000] =	vst v63  }
0xcb: {  	_ =	swait.ge [sflag:s29], $0x800  }
0xcc: {  	[sflag:s29] =	ssyncset.done $0x0  }
0xcd: {  	[sflag:s29] =	ssyncadd.s32 $0xFFFFF800  }
0xce: {  	[spmem:s3] =	stream.indirect.scatter.add.f32 [tilespmem:s22], [sflag:$0x3], $0x10, s30, s18, $0xb8;
	[tilespmem:$0xC000] =	vst v63  }
0xcf: {  	_ =	swait.ge [sflag:s31], $0x800  }
0xd0: {  	[sflag:s31] =	ssyncset.done $0x0  }
0xd1: {  	[sflag:s31] =	ssyncadd.s32 $0xFFFFF800  }
0xd2: {  	[spmem:s3] =	stream.indirect.scatter.add.f32 [tilespmem:s24], [sflag:$0x4], $0x10, s0, s18, $0xb8;
	[tilespmem:$0xC000] =	vst v63  }
0xd3: {  	_ =	swait.ge [sflag:s25], $0x800  }
0xd4: {  	[sflag:s25] =	ssyncset.done $0x0  }
0xd5: {  	s8 =	simm.s32 $0x200;
	[sflag:s25] =	ssyncadd.s32 $0xFFFFF800  }
0xd6: {  	[tilespmem:s19], [sflag:$0x1] =	stream.indirect.gather [hbm4b:s5+s18], $0x10, s8, s18, $0xb8;
	[tilespmem:$0xC000] =	vst v63  }
0xd7: {  	_ =	swait.ge [sflag:s26], $0x800  }
0xd8: {  	[sflag:s26] =	ssyncset.done $0x0  }
0xd9: {  	s4 =	simm.s32 $0x280;
	[sflag:s26] =	ssyncadd.s32 $0xFFFFF800  }
0xda: {  	[tilespmem:s20], [sflag:$0x2] =	stream.indirect.gather [hbm4b:s5+s18], $0x10, s4, s18, $0xb8;
	[tilespmem:$0xC000] =	vst v63  }
0xdb: {  	_ =	swait.ge [sflag:s29], $0x800  }
0xdc: {  	[sflag:s29] =	ssyncset.done $0x0  }
0xdd: {  	s7 =	simm.s32 $0x300;
	[sflag:s29] =	ssyncadd.s32 $0xFFFFF800  }
0xde: {  	[tilespmem:s22], [sflag:$0x3] =	stream.indirect.gather [hbm4b:s5+s18], $0x10, s7, s18, $0xb8;
	[tilespmem:$0xC000] =	vst v63  }
0xdf: {  	_ =	swait.ge [sflag:s31], $0x800  }
0xe0: {  	[sflag:s31] =	ssyncset.done $0x0  }
0xe1: {  	s8 =	simm.s32 $0x380;
	[sflag:s31] =	ssyncadd.s32 $0xFFFFF800  }
0xe2: {  	[tilespmem:s24], [sflag:$0x4] =	stream.indirect.gather [hbm4b:s5+s18], $0x10, s8, s18, $0xb8;
	[tilespmem:$0xC000] =	vst v63  }
0xe3: {  	_ =	swait.ge [sflag:s25], $0x800  }
0xe4: {  	[sflag:s25] =	ssyncset.done $0x0  }
0xe5: {  	s4 =	simm.s32 $0x3E00;
	[sflag:s25] =	ssyncadd.s32 $0xFFFFF800  }
0xe6: {  	[spmem:s3] =	stream.indirect.scatter.add.f32 [tilespmem:s19], [sflag:$0x1], $0x10, s4, s18, $0xb8;
	[tilespmem:$0xC000] =	vst v63  }
0xe7: {  	_ =	swait.ge [sflag:s26], $0x800  }
0xe8: {  	[sflag:s26] =	ssyncset.done $0x0  }
0xe9: {  	s7 =	simm.s32 $0x3E80;
	[sflag:s26] =	ssyncadd.s32 $0xFFFFF800  }
0xea: {  	[spmem:s3] =	stream.indirect.scatter.add.f32 [tilespmem:s20], [sflag:$0x2], $0x10, s7, s18, $0xb8;
	[tilespmem:$0xC000] =	vst v63  }
0xeb: {  	_ =	swait.ge [sflag:s29], $0x800  }
0xec: {  	[sflag:s29] =	ssyncset.done $0x0  }
0xed: {  	s8 =	simm.s32 $0x3F00;
	[sflag:s29] =	ssyncadd.s32 $0xFFFFF800  }
0xee: {  	[spmem:s3] =	stream.indirect.scatter.add.f32 [tilespmem:s22], [sflag:$0x3], $0x10, s8, s18, $0xb8;
	[tilespmem:$0xC000] =	vst v63  }
0xef: {  	_ =	swait.ge [sflag:s31], $0x800  }
0xf0: {  	[sflag:s31] =	ssyncset.done $0x0  }
0xf1: {  	s2 =	simm.s32 $0x800;
	s4 =	simm.s32 $0x3F80;
	[sflag:s31] =	ssyncadd.s32 $0xFFFFF800  }
.LBB2_7:
0xf2: {  	[spmem:s3] =	stream.indirect.scatter.add.f32 [tilespmem:s24], [sflag:$0x4], $0x10, s4, s18, $0xb8;
	[tilespmem:$0xC000] =	vst v63  }
0xf3: {  	s4 =	smov.u32 s2  }
0xf4: {  	p3 =	sne.s32 s2, $0x3800;
	s2 =	sadd.s32 $0x800, s2;
	_ =	swait.ge [sflag:s25], $0x800  }
0xf5: {  	s4 =	sshra.s32 s4, $0x2;
	[sflag:s25] =	ssyncset.done $0x0  }
0xf6: {  	s7 =	sadd.s32 $0x200, s4;
	[sflag:s25] =	ssyncadd.s32 $0xFFFFF800  }
0xf7: {  	[tilespmem:s19], [sflag:$0x1] =	stream.indirect.gather [hbm4b:s5+s18], $0x10, s7, s18, $0xb8;
	[tilespmem:$0xC000] =	vst v63  }
0xf8: {  	_ =	swait.ge [sflag:s26], $0x800  }
0xf9: {  	[sflag:s26] =	ssyncset.done $0x0  }
0xfa: {  	s7 =	sadd.s32 $0x280, s4;
	[sflag:s26] =	ssyncadd.s32 $0xFFFFF800  }
0xfb: {  	[tilespmem:s20], [sflag:$0x2] =	stream.indirect.gather [hbm4b:s5+s18], $0x10, s7, s18, $0xb8;
	[tilespmem:$0xC000] =	vst v63  }
0xfc: {  	_ =	swait.ge [sflag:s29], $0x800  }
0xfd: {  	[sflag:s29] =	ssyncset.done $0x0  }
0xfe: {  	s7 =	sadd.s32 $0x300, s4;
	[sflag:s29] =	ssyncadd.s32 $0xFFFFF800  }
0xff: {  	[tilespmem:s22], [sflag:$0x3] =	stream.indirect.gather [hbm4b:s5+s18], $0x10, s7, s18, $0xb8;
	[tilespmem:$0xC000] =	vst v63  }
0x100: {  	_ =	swait.ge [sflag:s31], $0x800  }
0x101: {  	[sflag:s31] =	ssyncset.done $0x0  }
0x102: {  	s7 =	sadd.s32 $0x380, s4;
	[sflag:s31] =	ssyncadd.s32 $0xFFFFF800  }
0x103: {  	[tilespmem:s24], [sflag:$0x4] =	stream.indirect.gather [hbm4b:s5+s18], $0x10, s7, s18, $0xb8;
	[tilespmem:$0xC000] =	vst v63  }
0x104: {  	_ =	swait.ge [sflag:s25], $0x800  }
0x105: {  	[sflag:s25] =	ssyncset.done $0x0  }
0x106: {  	s7 =	sadd.s32 $0x3E00, s4;
	[sflag:s25] =	ssyncadd.s32 $0xFFFFF800  }
0x107: {  	[spmem:s3] =	stream.indirect.scatter.add.f32 [tilespmem:s19], [sflag:$0x1], $0x10, s7, s18, $0xb8;
	[tilespmem:$0xC000] =	vst v63  }
0x108: {  	_ =	swait.ge [sflag:s26], $0x800  }
0x109: {  	[sflag:s26] =	ssyncset.done $0x0  }
0x10a: {  	s7 =	sadd.s32 $0x3E80, s4;
	[sflag:s26] =	ssyncadd.s32 $0xFFFFF800  }
0x10b: {  	[spmem:s3] =	stream.indirect.scatter.add.f32 [tilespmem:s20], [sflag:$0x2], $0x10, s7, s18, $0xb8;
	[tilespmem:$0xC000] =	vst v63  }
0x10c: {  	_ =	swait.ge [sflag:s29], $0x800  }
0x10d: {  	[sflag:s29] =	ssyncset.done $0x0  }
.Ltmp5:
0x10e: {  	s7 =	sadd.s32 $0x3F00, s4;
	[sflag:s29] =	ssyncadd.s32 $0xFFFFF800;
	(pc) =	sbr.rel @p3 .LBB2_7-.Ltmp5, $4  }
0x10f: {  	[spmem:s3] =	stream.indirect.scatter.add.f32 [tilespmem:s22], [sflag:$0x3], $0x10, s7, s18, $0xb8;
	[tilespmem:$0xC000] =	vst v63  }
0x110: {  	_ =	swait.ge [sflag:s31], $0x800  }
0x111: {  	[sflag:s31] =	ssyncset.done $0x0  }
0x112: {  	s4 =	sadd.s32 $0x3F80, s4;
	[sflag:s31] =	ssyncadd.s32 $0xFFFFF800  }
.Ltmp6:
0x113: {  	_ = 	snop;
	(pc) =	sbr.rel .LBB2_8-.Ltmp6, $1  }
0x114: {  	_ =	sdelay $0x3  }
.LBB2_10:
0x115: {  	_ =	sfence.sel $0x180000  }
0x116: {  	[bflag:$0x0] =	sbarrier.arrive $0xFFFF  }
0x117: {  	_ =	strace $0x9000004A  }
0x118: {  	s0 =	stileid.u32;
	[bflag:$0x2] =	sbarrier.arrive $0xFFFF  }
0x119: {  	p0 =	sne.s32 s0, $0x0;
	s0 =	rddreg [dreg:$0x3]  }
0x11a: {  	s0 =	sadd.s32 @!p0 $0x100000, s0  }
0x11b: {  	[sflag:s0] =	ssyncadd.tile.s32 @!p0 $0x1;
	_ =	shalt  }
.Lfunc_end2:
_tile_overlayer_lowered:
.L_overlay_start_2:
0x11c: {  	(tag) =	ssettag $0x2  }
0x11d: {  	s0 =	rddreg [dreg:$0x0];
	s2 =	stileid.u32  }
0x11e: {  	s1 =	rddreg [dreg:$0x1];
	p0 =	sne.s32 s2, $0x0  }
0x11f: {  	s3 =	rddreg [dreg:$0x2];
	[bflag:$0x3] =	sbarrier.arrive $0xFFFF;
	s2 =	simm.s32 @!p0 $0x1C05  }
0x120: {  	[timem:s3], [sflag:s2] =	dma.local @!p0 [hbm:s0], s1  }
0x121: {  	s0 =	simm.s32 @!p0 $0x5  }
0x122: {  	_ =	swait.ge @!p0 [sflag:s0], s1  }
0x123: {  	s1 =	ssub.s32 @!p0 $0x0, s1;
	[sflag:s0] =	ssyncset.done @!p0 $0x0  }
0x124: {  	[sflag:s0] =	ssyncadd.s32 @!p0 s1  }
0x125: {  	[bflag:$0x3] =	sbarrier.arrive $0xFFFF  }
0x126: {  	_ =	shalt  }

// kernel: kernel.14.cloned.1.call-start
scs
__scs_entry_jumppad:
0x0: {  	(pc) =	sbr.rel $0x88, $3  }
0x1: {  	(tag) =	ssettag $0x0;
	lr =	simm.s32 $0x1  }
0x2: {  	[smem:$0x3F9B] =	sst lr;
	_ =	strace $0xD0000000  }
0x3: {  	_ = 	snop  }
0x4: {  	_ = 	snop  }
0x5: {  	_ = 	snop  }
0x6: {  	_ = 	snop  }
0x7: {  	_ = 	snop  }
__scs_overlays_trampoline_lowered:
0x8: {  	[smem:$0x3FAA] =	sst s0  }
0x9: {  	[smem:$0x3FAB] =	sst s1  }
0xa: {  	[smem:$0x3FAC] =	sst s2  }
0xb: {  	[smem:$0x3FAD] =	sst s3  }
0xc: {  	[smem:$0x3FAE] =	sst s4  }
0xd: {  	[smem:$0x3FAF] =	sst s5  }
0xe: {  	[smem:$0x3FB0] =	sst s6  }
0xf: {  	[smem:$0x3FB1] =	sst s7  }
0x10: {  	[smem:$0x3FB2] =	sst s8  }
0x11: {  	[smem:$0x3FB3] =	sst s9;
	s0 =	simm.s32 @!p0 $0x0  }
0x12: {  	s1 =	sld [smem:$0x3F99];
	s0 =	simm.s32 @p0 $0x1  }
0x13: {  	[smem:$0x3FB4] =	sst s0;
	s0 =	simm.s32 @!p1 $0x0  }
0x14: {  	s2 =	sld [smem:$0x3F98];
	s0 =	simm.s32 @p1 $0x1  }
0x15: {  	[smem:$0x3FB5] =	sst s0;
	s0 =	simm.s32 @!p2 $0x0  }
0x16: {  	s3 =	sld [smem:$0x3FDB];
	s0 =	simm.s32 @p2 $0x1  }
0x17: {  	s4 =	simm.s32 $0x1BF5;
	[smem:$0x3FB7] =	sst s0  }
0x18: {  	s0 =	sld [smem:$0x3F9A];
	_ =	swait.ge [sflag:s4], $0x0  }
0x19: {  	s7 =	sld [smem:$0x3F9B]  }
0x1a: {  	s8 =	sadd.s32 $0xFFFFE003, lr  }
0x1b: {  	s9 =	sadd.s32 $0xFFFFFEF7, lr;
	s5 =	simm.s32 $0xFFFFFFFF;
	p2 =	slt.u32 s8, $0xFFFFF086  }
0x1c: {  	p1 =	slt.u32 s9, $0xF7A;
	s5 =	simm.s32 @!p2 $0x0  }
0x1d: {  	s5 =	simm.s32 @p1 $0x1;
	p0 =	seq.s32 s7, s2  }
0x1e: {  	s7 =	smul.u32 @!p0 $0xF7A, s2;
	p2 =	seq.s32 @!p0 s5, $0x0  }
0x1f: {  	s9 =	smul.u32 $0xF7A, s1;
	s8 =	simm.s32 @!p0 $0x1BF5;
	p2 =	por !p2, p0  }
0x20: {  	[sflag:s8] =	ssyncset.s32 @!p0 $0xFFFFF086;
	s6 =	sadd.s32 @!p0 s3, s7;
	s7 =	simm.s32 @!p0 $0x108  }
0x21: {  	s3 =	sadd.s32 s3, s9;
	s6 =	sadd.s32 @!p0 $0x88, s6;
	s7 =	simm.s32 @p2 $0x1082  }
0x22: {  	[simem:s7], [sflag:s8] =	dma.local @!p0 [hbm:s6], $0xF7A  }
0x23: {  	s9 =	sor.u32 $0xD0000000, s2;
	s6 =	simm.s32 $0x108;
	_ =	swait.ge @!p0 [sflag:s8], $0x0  }
0x24: {  	s3 =	sadd.s32 $0x88, s3;
	s6 =	simm.s32 @!p1 $0x1082;
	[sflag:s4] =	ssyncset.s32 $0xFFFFF086  }
0x25: {  	[simem:s6], [sflag:s4] =	dma.local [hbm:s3], $0xF7A  }
0x26: {  	[smem:$0x3F9B] =	sst s1;
	(tag) =	ssettag s2;
	_ =	strace s9  }
0x27: {  	s1 =	sld [smem:$0x3FAB]  }
0x28: {  	s2 =	sld [smem:$0x3FAC]  }
0x29: {  	s4 =	sld [smem:$0x3FAE]  }
0x2a: {  	p0 =	seq.s32 s5, $0x0;
	s5 =	sld [smem:$0x3FAF]  }
0x2b: {  	s6 =	sld [smem:$0x3FB0]  }
0x2c: {  	s7 =	sld [smem:$0x3FB1]  }
0x2d: {  	s3 =	simm.s32 $0x108;
	s8 =	sld [smem:$0x3FB2]  }
0x2e: {  	s3 =	simm.s32 @!p0 $0x1082;
	s9 =	sld [smem:$0x3FB3]  }
0x2f: {  	lr =	sadd.s32 s0, s3;
	s0 =	sld [smem:$0x3FAA]  }
0x30: {  	s3 =	sld [smem:$0x3FAD]  }
0x31: {  	[smem:$0x3FB6] =	sst s10  }
0x32: {  	s10 =	sld [smem:$0x3FB4];
	_ =	sdelay $0x3  }
0x33: {  	p0 =	seq.s32 s10, $0x1;
	s10 =	sld [smem:$0x3FB6];
	_ =	sdelay $0x3  }
0x34: {  	[smem:$0x3FB6] =	sst s10  }
0x35: {  	s10 =	sld [smem:$0x3FB5];
	_ =	sdelay $0x3  }
0x36: {  	p1 =	seq.s32 s10, $0x1;
	s10 =	sld [smem:$0x3FB6];
	_ =	sdelay $0x3  }
0x37: {  	[smem:$0x3FB6] =	sst s10  }
0x38: {  	s10 =	sld [smem:$0x3FB7]  }
0x39: {  	_ = 	snop;
	(pc) =	sbr.ind lr, $3  }
0x3a: {  	_ = 	snop  }
0x3b: {  	_ = 	snop  }
0x3c: {  	p2 =	seq.s32 s10, $0x1;
	s10 =	sld [smem:$0x3FB6]  }
0x3d: {  	_ =	shalt  }
0x3e: {  	_ =	shalt  }
0x3f: {  	_ =	shalt  }
0x40: {  	_ =	shalt  }
0x41: {  	_ =	shalt  }
0x42: {  	_ =	shalt  }
0x43: {  	_ =	shalt  }
0x44: {  	_ =	shalt  }
0x45: {  	_ =	shalt  }
0x46: {  	_ =	shalt  }
0x47: {  	_ =	shalt  }
0x48: {  	_ =	shalt  }
0x49: {  	_ =	shalt  }
0x4a: {  	_ =	shalt  }
0x4b: {  	_ =	shalt  }
0x4c: {  	_ =	shalt  }
0x4d: {  	_ =	shalt  }
0x4e: {  	_ =	shalt  }
0x4f: {  	_ =	shalt  }
0x50: {  	_ =	shalt  }
0x51: {  	_ =	shalt  }
0x52: {  	_ =	shalt  }
0x53: {  	_ =	shalt  }
0x54: {  	_ =	shalt  }
0x55: {  	_ =	shalt  }
0x56: {  	_ =	shalt  }
0x57: {  	_ =	shalt  }
0x58: {  	_ =	shalt  }
0x59: {  	_ =	shalt  }
0x5a: {  	_ =	shalt  }
0x5b: {  	_ =	shalt  }
0x5c: {  	_ =	shalt  }
0x5d: {  	_ =	shalt  }
0x5e: {  	_ =	shalt  }
0x5f: {  	_ =	shalt  }
0x60: {  	_ =	shalt  }
0x61: {  	_ =	shalt  }
0x62: {  	_ =	shalt  }
0x63: {  	_ =	shalt  }
0x64: {  	_ =	shalt  }
0x65: {  	_ =	shalt  }
0x66: {  	_ =	shalt  }
0x67: {  	_ =	shalt  }
0x68: {  	_ =	shalt  }
0x69: {  	_ =	shalt  }
0x6a: {  	_ =	shalt  }
0x6b: {  	_ =	shalt  }
0x6c: {  	_ =	shalt  }
0x6d: {  	_ =	shalt  }
0x6e: {  	_ =	shalt  }
0x6f: {  	_ =	shalt  }
0x70: {  	_ =	shalt  }
0x71: {  	_ =	shalt  }
0x72: {  	_ =	shalt  }
0x73: {  	_ =	shalt  }
0x74: {  	_ =	shalt  }
0x75: {  	_ =	shalt  }
0x76: {  	_ =	shalt  }
0x77: {  	_ =	shalt  }
0x78: {  	_ =	shalt  }
0x79: {  	_ =	shalt  }
0x7a: {  	_ =	shalt  }
0x7b: {  	_ =	shalt  }
0x7c: {  	_ =	shalt  }
0x7d: {  	_ =	shalt  }
0x7e: {  	_ =	shalt  }
0x7f: {  	_ =	shalt  }
0x80: {  	_ =	shalt  }
0x81: {  	_ =	shalt  }
0x82: {  	_ =	shalt  }
0x83: {  	_ =	shalt  }
0x84: {  	_ =	shalt  }
0x85: {  	_ =	shalt  }
0x86: {  	_ =	shalt  }
0x87: {  	_ =	shalt  }
.Lfunc_end0:
.L_simem_size_0:
called_computation.2_lowered:
.L_overlay_start_0:
0x88: {  	s2 =	sld [smem:$0x3FD9]  }
0x89: {  	s3 =	sld [smem:$0x3FFE];
	_ =	sdelay $0x1  }
0x8a: {  	s1 =	srdreg.scid  }
0x8b: {  	s0 =	sand.u32 $0x1, s1  }
0x8c: {  	s17 =	sshll.u32 s0, $0xA;
	s2 =	sadd.s32 s3, s2  }
0x8d: {  	s2 =	sadd.s32 s2, s17  }
0x8e: {  	[smem:$0x3FC2] =	sst s2  }
0x8f: {  	_ = 	snop  }
0x90: {  	s2 =	sld [smem:$0x3FD0];
	(tm) =	ssettm $0x1  }
0x91: {  	s18 =	sld [smem:$0x3FFB];
	_ =	sdelay $0x3  }
0x92: {  	_ =	strace s18  }
0x93: {  	s3 =	sld [smem:$0x3FFC];
	_ =	sdelay $0x3  }
0x94: {  	_ =	strace s3  }
0x95: {  	s3 =	sld [smem:$0x3FFD];
	_ =	sdelay $0x3  }
0x96: {  	_ =	strace s3  }
0x97: {  	_ =	strace $0x8FFFFFFF  }
0x98: {  	s19 =	sld [smem:$0x3FDB];
	_ =	sdelay $0x1  }
0x99: {  	s4 =	simm.s32 $_scs_section_size  }
0x9a: {  	s5 =	simm.s32 $_size__tile_overlayer_lowered;
	s6 =	simm.s32 $_tile_overlayer_lowered  }
0x9b: {  	s22 =	simm.s32 $0x1BFF;
	s21 =	sshll.u32 s6, $0x1;
	s3 =	sadd.s32 s4, s19  }
0x9c: {  	s7 =	simm.s32 $0x0;
	s20 =	sshll.u32 s5, $0x1;
	s5 =	sadd.s32 s21, s3  }
0x9d: {  	[timem:s7], [sflag:s22] =	dma.local [hbm:s5], s20  }
0x9e: {  	_ =	swait.ge [sflag:s22], s20  }
0x9f: {  	s4 =	ssub.s32 $0x0, s20;
	[sflag:s22] =	ssyncset.done $0x0  }
0xa0: {  	[sflag:s22] =	ssyncadd.s32 s4;
	_ =	sdelay $0x1  }
0xa1: {  	s23 =	simm.s32 $0x1B8B  }
0xa2: {  	_ =	swait.ge [sflag:s23], $0x1  }
0xa3: {  	[sflag:s23] =	ssyncset.done $0x0  }
0xa4: {  	s25 =	simm.s32 $0x1B8E;
	s24 =	sld [smem:$0x3FFE];
	[sflag:s23] =	ssyncadd.s32 $0xFFFFFFFF  }
0xa5: {  	s26 =	simm.s32 $execute0_lowered;
	[smem:$0x3FD2] =	sst s25  }
0xa6: {  	s5 =	sshll.u32 s26, $0x1;
	_ =	strace $0x8000004C;
	[dreg:$0x1] =	wrdreg $0xFFFFFFFF  }
0xa7: {  	s28 =	simm.s32 $_size_execute0_lowered;
	s3 =	sadd.s32 s3, s5;
	[dreg:$0x0] =	wrdreg $0x0  }
0xa8: {  	s5 =	sshll.u32 s28, $0x1;
	[dreg:$0x2] =	wrdreg s3  }
0xa9: {  	[dreg:$0x3] =	wrdreg s5  }
0xaa: {  	[dreg:$0x4] =	wrdreg $0xC0  }
0xab: {  	_ =	task [dreg:s7], $0x5FFFF  }
0xac: {  	[dreg:$0x1] =	wrdreg $0xFFFFFFFF  }
0xad: {  	[dreg:$0x0] =	wrdreg $0x60  }
0xae: {  	[dreg:$0x2] =	wrdreg s24  }
0xaf: {  	[dreg:$0x3] =	wrdreg s2  }
0xb0: {  	[dreg:$0x4] =	wrdreg $0x98000  }
0xb1: {  	[dreg:$0x5] =	wrdreg $0x9  }
0xb2: {  	_ =	task.clear_ibuf [dreg:s7], $0x6FFFF;
	_ =	strace $0x9000004C  }
0xb3: {  	s29 =	simm.s32 $0x9;
	_ =	strace $0x8000004E  }
0xb4: {  	_ =	swait.ge [sflag:s29], $0x1  }
0xb5: {  	[sflag:s29] =	ssyncadd.s32 $0xFFFFFFFF  }
0xb6: {  	_ =	strace $0x9000004E  }
0xb7: {  	_ =	sfence  }
0xb8: {  	s30 =	sld [smem:$0x0];
	_ =	sdelay $0x2  }
0xb9: {  	s31 =	sshll.u32 s1, $0xD;
	s1 =	sshrl.u32 s1, $0x2  }
0xba: {  	s3 =	sand.u32 $0x4000, s31;
	s1 =	sadd.s32 s1, s30  }
0xbb: {  	s0 =	sor.u32 s3, s0;
	s1 =	sshll.u32 s1, $0x11  }
0xbc: {  	s0 =	sor.u32 s1, s0  }
0xbd: {  	s0 =	sadd.s32 $0x8F2B, s0  }
0xbe: {  	[sflag:s0] =	ssyncadd.remote.s32 $0x1  }
0xbf: {  	_ =	sfence.sel $0xFFFF  }
0xc0: {  	[dreg:$0x0] =	wrdreg $0xFFFFFFFF;
	(pc) =	sbr.abs _section_cstart, $3  }
0xc1: {  	[dreg:$0x1] =	wrdreg $0xFFFFFFFF  }
0xc2: {  	_ =	task.clear_ibuf [dreg:s7], $0x2FFFF;
	_ =	strace $0x9FFFFFFF  }
0xc3: {  	(tm) =	ssettm $0x7FFFFFFF  }
tec
execute0_lowered:
.L_overlay_start_1:
0x0: {  	(tag) =	ssettag $0x1  }
0x1: {  	s0 =	rddreg [dreg:$0x0]  }
0x2: {  	s3 =	rddreg [dreg:$0x2]  }
0x3: {  	s1 =	srdreg.scid;
	s13 =	stileid.u32;
	s4 =	simm.s32 $0x0  }
0x4: {  	s16 =	simm.s32 $0x5;
	s17 =	simm.s32 $0x3C00;
	s18 =	simm.s32 $0x80  }
0x5: {  	s19 =	simm.s32 $0x7800;
	s20 =	simm.s32 $0x8000;
	s28 =	simm.s32 $0x3C80  }
0x6: {  	s29 =	simm.s32 $0x3;
	s30 =	simm.s32 $0x3D00;
	s31 =	simm.s32 $0x4  }
0x7: {  	s1 =	sand.u32 $0x1, s1;
	s2 =	smul.u32 $0x2800, s13;
	[smem:$0x7FF] =	sst s4  }
0x8: {  	s5 =	sadd.s32 $0x15A00, s0;
	s11 =	sadd.s32 $0x1E00, s0;
	s7 =	smul.u32 $0x24, s13  }
0x9: {  	s12 =	sadd.s32 $0xBC00, s0;
	s8 =	smul.u32 $0x78, s13;
	p1 =	slt.u32 s13, $0x4  }
0xa: {  	s23 =	sshll.u32 s13, $0x6;
	s24 =	smul.u32 $0x780, s13;
	s13 =	sshll.u32 s13, $0x4  }
0xb: {  	s21 =	smul.u32 $0x28000, s1;
	_ =	strace $0x8000004D;
	s6 =	ssub.s32 $0x2, s1  }
0xc: {  	p0 =	seq.s32 s1, $0x0;
	s13 =	sor.u32 $0x9C00, s13;
	p2 =	sne.s32 s1, $0x0  }
0xd: {  	s22 =	sshrl.u32 s6, $0x1;
	s9 =	sadd.s32 $0x780, s7;
	s25 =	sadd.s32 s11, s24  }
0xe: {  	s26 =	sadd.s32 s12, s24;
	s24 =	simm.s32 $0x9000;
	s4 =	sadd.s32 s2, s21  }
0xf: {  	s9 =	smov.u32 @p0 s8;
	p0 =	seq.s32 s1, $0x1;
	[dreg:$0x4] =	wrdreg s25  }
0x10: {  	s2 =	sadd.s32 s2, s3;
	[dreg:$0x5] =	wrdreg s26;
	s21 =	simm.s32 $0x100  }
0x11: {  	s25 =	simm.s32 $0x1;
	s26 =	simm.s32 $0x2;
	s1 =	simm.s32 $0x0  }
0x12: {  	s4 =	sshrl.u32 s4, $0x3;
	p1 =	por !p1, !p0;
	s10 =	sshll.u32 s9, $0x4  }
.Ltmp0:
0x13: {  	s15 =	sshrl.u32 s2, $0x3;
	s0 =	sadd.s32 s4, s0;
	(pc) =	sbr.rel .LBB2_1-.Ltmp0, $4  }
0x14: {  	s4 =	ssub.s32 s6, s22;
	s6 =	sor.u32 $0x1C05, s23;
	p1 =	por !p1, !p1  }
0x15: {  	s9 =	sadd.s32 s11, s10;
	s10 =	sadd.s32 s12, s10;
	s11 =	sadd.s32 s11, s13  }
0x16: {  	s12 =	sadd.s32 s12, s13;
	s22 =	simm.s32 $0x8800;
	s23 =	simm.s32 $0x180  }
0x17: {  	s13 =	sadd.s32 $0x1AA00, s0;
	s14 =	smax.u32 s4, $0x1;
	s0 =	simm.s32 $0x3D80  }
.LBB2_8:
0x18: {  	[spmem:s3] =	stream.indirect.scatter.add.f32 [tilespmem:s24], [sflag:$0x4], $0x10, s4, s18, $0xb8;
	[tilespmem:$0xC000] =	vst v63  }
0x19: {  	_ =	swait.ge [sflag:s25], $0x800  }
0x1a: {  	[sflag:s25] =	ssyncset.done $0x0  }
0x1b: {  	[sflag:s25] =	ssyncadd.s32 $0xFFFFF800  }
0x1c: {  	_ =	swait.ge [sflag:s26], $0x800  }
0x1d: {  	[sflag:s26] =	ssyncset.done $0x0  }
0x1e: {  	[sflag:s26] =	ssyncadd.s32 $0xFFFFF800  }
0x1f: {  	_ =	swait.ge [sflag:s29], $0x800  }
0x20: {  	[sflag:s29] =	ssyncset.done $0x0  }
0x21: {  	[sflag:s29] =	ssyncadd.s32 $0xFFFFF800  }
0x22: {  	_ =	swait.ge [sflag:s31], $0x800  }
0x23: {  	s2 =	simm.s32 @p1 $0x80;
	[sflag:s31] =	ssyncset.done $0x0  }
0x24: {  	s4 =	simm.s32 @p1 $0x1200;
	s7 =	simm.s32 @p1 $0x7800;
	[sflag:s31] =	ssyncadd.s32 $0xFFFFF800  }
0x25: {  	[tilespmem:s7], [sflag:$0x1] =	stream.indirect.gather @p1 [hbm4b:s5+s2], $0x10, s4, s2, $0xb8;
	[tilespmem:$0xC000] =	vst v63  }
0x26: {  	s4 =	simm.s32 @p1 $0x1  }
0x27: {  	_ =	swait.ge @p1 [sflag:s4], $0x800  }
0x28: {  	[sflag:s4] =	ssyncset.done @p1 $0x0  }
0x29: {  	s8 =	simm.s32 @p1 $0x4E00;
	[sflag:s4] =	ssyncadd.s32 @p1 $0xFFFFF800  }
0x2a: {  	[spmem:s3] =	stream.indirect.scatter.add.f32 @p1 [tilespmem:s7], [sflag:$0x1], $0x10, s8, s2, $0xb8;
	[tilespmem:$0xC000] =	vst v63  }
0x2b: {  	_ =	swait.ge @p1 [sflag:s4], $0x800  }
0x2c: {  	[sflag:s4] =	ssyncset.done @p1 $0x0  }
0x2d: {  	[sflag:s4] =	ssyncadd.s32 @p1 $0xFFFFF800  }
.LBB2_9:
0x2e: {  	s1 =	sadd.s32 $0x1, s1  }
0x2f: {  	p3 =	sne.s32 s1, s14  }
.Ltmp1:
0x30: {  	[bflag:$0x0] =	sbarrier.arrive $0xFFFF;
	(pc) =	sbr.rel @!p3 .LBB2_10-.Ltmp1, $4  }
0x31: {  	[hbm:s13], [sflag:s6] =	dma.local [spmem:s15], $0x500  }
0x32: {  	_ =	swait.ge [sflag:s16], $0x500  }
0x33: {  	[sflag:s16] =	ssyncset.done $0x0  }
0x34: {  	[sflag:s16] =	ssyncadd.s32 $0xFFFFFB00  }
.LBB2_1:
0x35: {  	s2 =	rddreg [dreg:$0x1]  }
0x36: {  	[spmem:s15], [sflag:s6] =	dma.local [hbm:s2], $0x500  }
.Ltmp2:
0x37: {  	_ =	swait.ge [sflag:s16], $0x500;
	(pc) =	sbr.rel @p2 .LBB2_5-.Ltmp2, $3  }
0x38: {  	[sflag:s16] =	ssyncset.done $0x0  }
0x39: {  	[sflag:s16] =	ssyncadd.s32 $0xFFFFFB00  }
0x3a: {  	[bflag:$0x0] =	sbarrier.arrive $0xFFFF;
	_ =	sdelay $0x1  }
0x3b: {  	s2 =	simm.s32 $0x0;
	s4 =	rddreg [dreg:$0x4]  }
0x3c: {  	[tilespmem:s2], [sflag:$0x5] =	stream.linear.gather [hbm4b:s4+s2], $0x3C00, $0x38;
	[tilespmem:$0xC000] =	vst v63  }
0x3d: {  	_ =	swait.ge [sflag:s16], $0x3C00  }
0x3e: {  	[sflag:s16] =	ssyncset.done $0x0  }
0x3f: {  	s7 =	rddreg [dreg:$0x5];
	[sflag:s16] =	ssyncadd.s32 $0xFFFFC400  }
0x40: {  	[tilespmem:s17], [sflag:$0x5] =	stream.linear.gather [hbm4b:s7+s2], $0x3C00, $0x38;
	[tilespmem:$0xC000] =	vst v63  }
0x41: {  	_ =	swait.ge [sflag:s16], $0x3C00  }
0x42: {  	[sflag:s16] =	ssyncset.done $0x0  }
0x43: {  	[sflag:s16] =	ssyncadd.s32 $0xFFFFC400  }
0x44: {  	[tilespmem:s19], [sflag:$0x1] =	stream.indirect.gather [hbm4b:s5+s18], $0x10, s2, s18, $0xb8;
	[tilespmem:$0xC000] =	vst v63  }
0x45: {  	_ = 	snop  }
0x46: {  	[tilespmem:s20], [sflag:$0x2] =	stream.indirect.gather [hbm4b:s5+s18], $0x10, s18, s18, $0xb8;
	[tilespmem:$0xC000] =	vst v63  }
0x47: {  	_ = 	snop  }
0x48: {  	[tilespmem:s22], [sflag:$0x3] =	stream.indirect.gather [hbm4b:s5+s18], $0x10, s21, s18, $0xb8;
	[tilespmem:$0xC000] =	vst v63  }
0x49: {  	_ = 	snop  }
0x4a: {  	[tilespmem:s24], [sflag:$0x4] =	stream.indirect.gather [hbm4b:s5+s18], $0x10, s23, s18, $0xb8;
	[tilespmem:$0xC000] =	vst v63  }
0x4b: {  	_ =	swait.ge [sflag:s25], $0x800  }
0x4c: {  	[sflag:s25] =	ssyncset.done $0x0  }
0x4d: {  	[sflag:s25] =	ssyncadd.s32 $0xFFFFF800  }
0x4e: {  	[spmem:s3] =	stream.indirect.scatter.add.f32 [tilespmem:s19], [sflag:$0x1], $0x10, s17, s18, $0xb8;
	[tilespmem:$0xC000] =	vst v63  }
0x4f: {  	_ =	swait.ge [sflag:s26], $0x800  }
0x50: {  	[sflag:s26] =	ssyncset.done $0x0  }
0x51: {  	[sflag:s26] =	ssyncadd.s32 $0xFFFFF800  }
0x52: {  	[spmem:s3] =	stream.indirect.scatter.add.f32 [tilespmem:s20], [sflag:$0x2], $0x10, s28, s18, $0xb8;
	[tilespmem:$0xC000] =	vst v63  }
0x53: {  	_ =	swait.ge [sflag:s29], $0x800  }
0x54: {  	[sflag:s29] =	ssyncset.done $0x0  }
0x55: {  	[sflag:s29] =	ssyncadd.s32 $0xFFFFF800  }
0x56: {  	[spmem:s3] =	stream.indirect.scatter.add.f32 [tilespmem:s22], [sflag:$0x3], $0x10, s30, s18, $0xb8;
	[tilespmem:$0xC000] =	vst v63  }
0x57: {  	_ =	swait.ge [sflag:s31], $0x800  }
0x58: {  	[sflag:s31] =	ssyncset.done $0x0  }
0x59: {  	[sflag:s31] =	ssyncadd.s32 $0xFFFFF800  }
0x5a: {  	[spmem:s3] =	stream.indirect.scatter.add.f32 [tilespmem:s24], [sflag:$0x4], $0x10, s0, s18, $0xb8;
	[tilespmem:$0xC000] =	vst v63  }
0x5b: {  	_ =	swait.ge [sflag:s25], $0x800  }
0x5c: {  	[sflag:s25] =	ssyncset.done $0x0  }
0x5d: {  	s8 =	simm.s32 $0x200;
	[sflag:s25] =	ssyncadd.s32 $0xFFFFF800  }
0x5e: {  	[tilespmem:s19], [sflag:$0x1] =	stream.indirect.gather [hbm4b:s5+s18], $0x10, s8, s18, $0xb8;
	[tilespmem:$0xC000] =	vst v63  }
0x5f: {  	_ =	swait.ge [sflag:s26], $0x800  }
0x60: {  	[sflag:s26] =	ssyncset.done $0x0  }
0x61: {  	s4 =	simm.s32 $0x280;
	[sflag:s26] =	ssyncadd.s32 $0xFFFFF800  }
0x62: {  	[tilespmem:s20], [sflag:$0x2] =	stream.indirect.gather [hbm4b:s5+s18], $0x10, s4, s18, $0xb8;
	[tilespmem:$0xC000] =	vst v63  }
0x63: {  	_ =	swait.ge [sflag:s29], $0x800  }
0x64: {  	[sflag:s29] =	ssyncset.done $0x0  }
0x65: {  	s7 =	simm.s32 $0x300;
	[sflag:s29] =	ssyncadd.s32 $0xFFFFF800  }
0x66: {  	[tilespmem:s22], [sflag:$0x3] =	stream.indirect.gather [hbm4b:s5+s18], $0x10, s7, s18, $0xb8;
	[tilespmem:$0xC000] =	vst v63  }
0x67: {  	_ =	swait.ge [sflag:s31], $0x800  }
0x68: {  	[sflag:s31] =	ssyncset.done $0x0  }
0x69: {  	s8 =	simm.s32 $0x380;
	[sflag:s31] =	ssyncadd.s32 $0xFFFFF800  }
0x6a: {  	[tilespmem:s24], [sflag:$0x4] =	stream.indirect.gather [hbm4b:s5+s18], $0x10, s8, s18, $0xb8;
	[tilespmem:$0xC000] =	vst v63  }
0x6b: {  	_ =	swait.ge [sflag:s25], $0x800  }
0x6c: {  	[sflag:s25] =	ssyncset.done $0x0  }
0x6d: {  	s4 =	simm.s32 $0x3E00;
	[sflag:s25] =	ssyncadd.s32 $0xFFFFF800  }
0x6e: {  	[spmem:s3] =	stream.indirect.scatter.add.f32 [tilespmem:s19], [sflag:$0x1], $0x10, s4, s18, $0xb8;
	[tilespmem:$0xC000] =	vst v63  }
0x6f: {  	_ =	swait.ge [sflag:s26], $0x800  }
0x70: {  	[sflag:s26] =	ssyncset.done $0x0  }
0x71: {  	s7 =	simm.s32 $0x3E80;
	[sflag:s26] =	ssyncadd.s32 $0xFFFFF800  }
0x72: {  	[spmem:s3] =	stream.indirect.scatter.add.f32 [tilespmem:s20], [sflag:$0x2], $0x10, s7, s18, $0xb8;
	[tilespmem:$0xC000] =	vst v63  }
0x73: {  	_ =	swait.ge [sflag:s29], $0x800  }
0x74: {  	[sflag:s29] =	ssyncset.done $0x0  }
0x75: {  	s8 =	simm.s32 $0x3F00;
	[sflag:s29] =	ssyncadd.s32 $0xFFFFF800  }
0x76: {  	[spmem:s3] =	stream.indirect.scatter.add.f32 [tilespmem:s22], [sflag:$0x3], $0x10, s8, s18, $0xb8;
	[tilespmem:$0xC000] =	vst v63  }
0x77: {  	_ =	swait.ge [sflag:s31], $0x800  }
0x78: {  	[sflag:s31] =	ssyncset.done $0x0  }
0x79: {  	s2 =	simm.s32 $0x800;
	s4 =	simm.s32 $0x3F80;
	[sflag:s31] =	ssyncadd.s32 $0xFFFFF800  }
.LBB2_3:
0x7a: {  	[spmem:s3] =	stream.indirect.scatter.add.f32 [tilespmem:s24], [sflag:$0x4], $0x10, s4, s18, $0xb8;
	[tilespmem:$0xC000] =	vst v63  }
0x7b: {  	s4 =	smov.u32 s2  }
0x7c: {  	p3 =	sne.s32 s2, $0xE000;
	s2 =	sadd.s32 $0x800, s2;
	_ =	swait.ge [sflag:s25], $0x800  }
0x7d: {  	s4 =	sshra.s32 s4, $0x2;
	[sflag:s25] =	ssyncset.done $0x0  }
0x7e: {  	s7 =	sadd.s32 $0x200, s4;
	[sflag:s25] =	ssyncadd.s32 $0xFFFFF800  }
0x7f: {  	[tilespmem:s19], [sflag:$0x1] =	stream.indirect.gather [hbm4b:s5+s18], $0x10, s7, s18, $0xb8;
	[tilespmem:$0xC000] =	vst v63  }
0x80: {  	_ =	swait.ge [sflag:s26], $0x800  }
0x81: {  	[sflag:s26] =	ssyncset.done $0x0  }
0x82: {  	s7 =	sadd.s32 $0x280, s4;
	[sflag:s26] =	ssyncadd.s32 $0xFFFFF800  }
0x83: {  	[tilespmem:s20], [sflag:$0x2] =	stream.indirect.gather [hbm4b:s5+s18], $0x10, s7, s18, $0xb8;
	[tilespmem:$0xC000] =	vst v63  }
0x84: {  	_ =	swait.ge [sflag:s29], $0x800  }
0x85: {  	[sflag:s29] =	ssyncset.done $0x0  }
0x86: {  	s7 =	sadd.s32 $0x300, s4;
	[sflag:s29] =	ssyncadd.s32 $0xFFFFF800  }
0x87: {  	[tilespmem:s22], [sflag:$0x3] =	stream.indirect.gather [hbm4b:s5+s18], $0x10, s7, s18, $0xb8;
	[tilespmem:$0xC000] =	vst v63  }
0x88: {  	_ =	swait.ge [sflag:s31], $0x800  }
0x89: {  	[sflag:s31] =	ssyncset.done $0x0  }
0x8a: {  	s7 =	sadd.s32 $0x380, s4;
	[sflag:s31] =	ssyncadd.s32 $0xFFFFF800  }
0x8b: {  	[tilespmem:s24], [sflag:$0x4] =	stream.indirect.gather [hbm4b:s5+s18], $0x10, s7, s18, $0xb8;
	[tilespmem:$0xC000] =	vst v63  }
0x8c: {  	_ =	swait.ge [sflag:s25], $0x800  }
0x8d: {  	[sflag:s25] =	ssyncset.done $0x0  }
0x8e: {  	s7 =	sadd.s32 $0x3E00, s4;
	[sflag:s25] =	ssyncadd.s32 $0xFFFFF800  }
0x8f: {  	[spmem:s3] =	stream.indirect.scatter.add.f32 [tilespmem:s19], [sflag:$0x1], $0x10, s7, s18, $0xb8;
	[tilespmem:$0xC000] =	vst v63  }
0x90: {  	_ =	swait.ge [sflag:s26], $0x800  }
0x91: {  	[sflag:s26] =	ssyncset.done $0x0  }
0x92: {  	s7 =	sadd.s32 $0x3E80, s4;
	[sflag:s26] =	ssyncadd.s32 $0xFFFFF800  }
0x93: {  	[spmem:s3] =	stream.indirect.scatter.add.f32 [tilespmem:s20], [sflag:$0x2], $0x10, s7, s18, $0xb8;
	[tilespmem:$0xC000] =	vst v63  }
0x94: {  	_ =	swait.ge [sflag:s29], $0x800  }
0x95: {  	[sflag:s29] =	ssyncset.done $0x0  }
.Ltmp3:
0x96: {  	s7 =	sadd.s32 $0x3F00, s4;
	[sflag:s29] =	ssyncadd.s32 $0xFFFFF800;
	(pc) =	sbr.rel @p3 .LBB2_3-.Ltmp3, $4  }
0x97: {  	[spmem:s3] =	stream.indirect.scatter.add.f32 [tilespmem:s22], [sflag:$0x3], $0x10, s7, s18, $0xb8;
	[tilespmem:$0xC000] =	vst v63  }
0x98: {  	_ =	swait.ge [sflag:s31], $0x800  }
0x99: {  	[sflag:s31] =	ssyncset.done $0x0  }
0x9a: {  	s4 =	sadd.s32 $0x3F80, s4;
	[sflag:s31] =	ssyncadd.s32 $0xFFFFF800  }
0x9b: {  	[spmem:s3] =	stream.indirect.scatter.add.f32 [tilespmem:s24], [sflag:$0x4], $0x10, s4, s18, $0xb8;
	[tilespmem:$0xC000] =	vst v63  }
0x9c: {  	_ =	swait.ge [sflag:s25], $0x800  }
0x9d: {  	[sflag:s25] =	ssyncset.done $0x0  }
0x9e: {  	[sflag:s25] =	ssyncadd.s32 $0xFFFFF800  }
0x9f: {  	_ =	swait.ge [sflag:s26], $0x800  }
0xa0: {  	[sflag:s26] =	ssyncset.done $0x0  }
0xa1: {  	[sflag:s26] =	ssyncadd.s32 $0xFFFFF800  }
0xa2: {  	_ =	swait.ge [sflag:s29], $0x800  }
0xa3: {  	[sflag:s29] =	ssyncset.done $0x0  }
0xa4: {  	[sflag:s29] =	ssyncadd.s32 $0xFFFFF800  }
0xa5: {  	_ =	swait.ge [sflag:s31], $0x800  }
0xa6: {  	[sflag:s31] =	ssyncset.done $0x0  }
0xa7: {  	[sflag:s31] =	ssyncadd.s32 $0xFFFFF800  }
.LBB2_5:
.Ltmp4:
0xa8: {  	(pc) =	sbr.rel @!p0 .LBB2_9-.Ltmp4, $1  }
0xa9: {  	_ =	sdelay $0x3  }
0xaa: {  	s2 =	simm.s32 $0x0  }
0xab: {  	[tilespmem:s2], [sflag:$0x5] =	stream.linear.gather [hbm4b:s9+s2], $0x1200, $0x38;
	[tilespmem:$0xC000] =	vst v63  }
0xac: {  	_ =	swait.ge [sflag:s16], $0x1200  }
0xad: {  	[sflag:s16] =	ssyncset.done $0x0  }
0xae: {  	[sflag:s16] =	ssyncadd.s32 $0xFFFFEE00  }
0xaf: {  	[tilespmem:s17], [sflag:$0x5] =	stream.linear.gather [hbm4b:s10+s2], $0x1200, $0x38;
	[tilespmem:$0xC000] =	vst v63  }
0xb0: {  	_ =	swait.ge [sflag:s16], $0x1200  }
0xb1: {  	[sflag:s16] =	ssyncset.done $0x0  }
0xb2: {  	s4 =	simm.s32 @p1 $0x1200;
	s2 =	simm.s32 @p1 $0x0;
	[sflag:s16] =	ssyncadd.s32 $0xFFFFEE00  }
0xb3: {  	[tilespmem:s4], [sflag:$0x5] =	stream.linear.gather @p1 [hbm4b:s11+s2], $0x80, $0x38;
	[tilespmem:$0xC000] =	vst v63  }
0xb4: {  	s4 =	simm.s32 @p1 $0x5  }
0xb5: {  	_ =	swait.ge @p1 [sflag:s4], $0x80  }
0xb6: {  	[sflag:s4] =	ssyncset.done @p1 $0x0  }
0xb7: {  	s7 =	simm.s32 @p1 $0x4E00;
	[sflag:s4] =	ssyncadd.s32 @p1 $0xFFFFFF80  }
0xb8: {  	[tilespmem:s7], [sflag:$0x5] =	stream.linear.gather @p1 [hbm4b:s12+s2], $0x80, $0x38;
	[tilespmem:$0xC000] =	vst v63  }
0xb9: {  	_ =	swait.ge @p1 [sflag:s4], $0x80  }
0xba: {  	[sflag:s4] =	ssyncset.done @p1 $0x0  }
0xbb: {  	s7 =	simm.s32 $0x0;
	[sflag:s4] =	ssyncadd.s32 @p1 $0xFFFFFF80  }
0xbc: {  	[tilespmem:s19], [sflag:$0x1] =	stream.indirect.gather [hbm4b:s5+s18], $0x10, s7, s18, $0xb8;
	[tilespmem:$0xC000] =	vst v63  }
0xbd: {  	_ = 	snop  }
0xbe: {  	[tilespmem:s20], [sflag:$0x2] =	stream.indirect.gather [hbm4b:s5+s18], $0x10, s18, s18, $0xb8;
	[tilespmem:$0xC000] =	vst v63  }
0xbf: {  	_ = 	snop  }
0xc0: {  	[tilespmem:s22], [sflag:$0x3] =	stream.indirect.gather [hbm4b:s5+s18], $0x10, s21, s18, $0xb8;
	[tilespmem:$0xC000] =	vst v63  }
0xc1: {  	_ = 	snop  }
0xc2: {  	[tilespmem:s24], [sflag:$0x4] =	stream.indirect.gather [hbm4b:s5+s18], $0x10, s23, s18, $0xb8;
	[tilespmem:$0xC000] =	vst v63  }
0xc3: {  	_ =	swait.ge [sflag:s25], $0x800  }
0xc4: {  	[sflag:s25] =	ssyncset.done $0x0  }
0xc5: {  	[sflag:s25] =	ssyncadd.s32 $0xFFFFF800  }
0xc6: {  	[spmem:s3] =	stream.indirect.scatter.add.f32 [tilespmem:s19], [sflag:$0x1], $0x10, s17, s18, $0xb8;
	[tilespmem:$0xC000] =	vst v63  }
0xc7: {  	_ =	swait.ge [sflag:s26], $0x800  }
0xc8: {  	[sflag:s26] =	ssyncset.done $0x0  }
0xc9: {  	[sflag:s26] =	ssyncadd.s32 $0xFFFFF800  }
0xca: {  	[spmem:s3] =	stream.indirect.scatter.add.f32 [tilespmem:s20], [sflag:$0x2], $0x10, s28, s18, $0xb8;
	[tilespmem:$0xC000] =	vst v63  }
0xcb: {  	_ =	swait.ge [sflag:s29], $0x800  }
0xcc: {  	[sflag:s29] =	ssyncset.done $0x0  }
0xcd: {  	[sflag:s29] =	ssyncadd.s32 $0xFFFFF800  }
0xce: {  	[spmem:s3] =	stream.indirect.scatter.add.f32 [tilespmem:s22], [sflag:$0x3], $0x10, s30, s18, $0xb8;
	[tilespmem:$0xC000] =	vst v63  }
0xcf: {  	_ =	swait.ge [sflag:s31], $0x800  }
0xd0: {  	[sflag:s31] =	ssyncset.done $0x0  }
0xd1: {  	[sflag:s31] =	ssyncadd.s32 $0xFFFFF800  }
0xd2: {  	[spmem:s3] =	stream.indirect.scatter.add.f32 [tilespmem:s24], [sflag:$0x4], $0x10, s0, s18, $0xb8;
	[tilespmem:$0xC000] =	vst v63  }
0xd3: {  	_ =	swait.ge [sflag:s25], $0x800  }
0xd4: {  	[sflag:s25] =	ssyncset.done $0x0  }
0xd5: {  	s8 =	simm.s32 $0x200;
	[sflag:s25] =	ssyncadd.s32 $0xFFFFF800  }
0xd6: {  	[tilespmem:s19], [sflag:$0x1] =	stream.indirect.gather [hbm4b:s5+s18], $0x10, s8, s18, $0xb8;
	[tilespmem:$0xC000] =	vst v63  }
0xd7: {  	_ =	swait.ge [sflag:s26], $0x800  }
0xd8: {  	[sflag:s26] =	ssyncset.done $0x0  }
0xd9: {  	s4 =	simm.s32 $0x280;
	[sflag:s26] =	ssyncadd.s32 $0xFFFFF800  }
0xda: {  	[tilespmem:s20], [sflag:$0x2] =	stream.indirect.gather [hbm4b:s5+s18], $0x10, s4, s18, $0xb8;
	[tilespmem:$0xC000] =	vst v63  }
0xdb: {  	_ =	swait.ge [sflag:s29], $0x800  }
0xdc: {  	[sflag:s29] =	ssyncset.done $0x0  }
0xdd: {  	s7 =	simm.s32 $0x300;
	[sflag:s29] =	ssyncadd.s32 $0xFFFFF800  }
0xde: {  	[tilespmem:s22], [sflag:$0x3] =	stream.indirect.gather [hbm4b:s5+s18], $0x10, s7, s18, $0xb8;
	[tilespmem:$0xC000] =	vst v63  }
0xdf: {  	_ =	swait.ge [sflag:s31], $0x800  }
0xe0: {  	[sflag:s31] =	ssyncset.done $0x0  }
0xe1: {  	s8 =	simm.s32 $0x380;
	[sflag:s31] =	ssyncadd.s32 $0xFFFFF800  }
0xe2: {  	[tilespmem:s24], [sflag:$0x4] =	stream.indirect.gather [hbm4b:s5+s18], $0x10, s8, s18, $0xb8;
	[tilespmem:$0xC000] =	vst v63  }
0xe3: {  	_ =	swait.ge [sflag:s25], $0x800  }
0xe4: {  	[sflag:s25] =	ssyncset.done $0x0  }
0xe5: {  	s4 =	simm.s32 $0x3E00;
	[sflag:s25] =	ssyncadd.s32 $0xFFFFF800  }
0xe6: {  	[spmem:s3] =	stream.indirect.scatter.add.f32 [tilespmem:s19], [sflag:$0x1], $0x10, s4, s18, $0xb8;
	[tilespmem:$0xC000] =	vst v63  }
0xe7: {  	_ =	swait.ge [sflag:s26], $0x800  }
0xe8: {  	[sflag:s26] =	ssyncset.done $0x0  }
0xe9: {  	s7 =	simm.s32 $0x3E80;
	[sflag:s26] =	ssyncadd.s32 $0xFFFFF800  }
0xea: {  	[spmem:s3] =	stream.indirect.scatter.add.f32 [tilespmem:s20], [sflag:$0x2], $0x10, s7, s18, $0xb8;
	[tilespmem:$0xC000] =	vst v63  }
0xeb: {  	_ =	swait.ge [sflag:s29], $0x800  }
0xec: {  	[sflag:s29] =	ssyncset.done $0x0  }
0xed: {  	s8 =	simm.s32 $0x3F00;
	[sflag:s29] =	ssyncadd.s32 $0xFFFFF800  }
0xee: {  	[spmem:s3] =	stream.indirect.scatter.add.f32 [tilespmem:s22], [sflag:$0x3], $0x10, s8, s18, $0xb8;
	[tilespmem:$0xC000] =	vst v63  }
0xef: {  	_ =	swait.ge [sflag:s31], $0x800  }
0xf0: {  	[sflag:s31] =	ssyncset.done $0x0  }
0xf1: {  	s2 =	simm.s32 $0x800;
	s4 =	simm.s32 $0x3F80;
	[sflag:s31] =	ssyncadd.s32 $0xFFFFF800  }
.LBB2_7:
0xf2: {  	[spmem:s3] =	stream.indirect.scatter.add.f32 [tilespmem:s24], [sflag:$0x4], $0x10, s4, s18, $0xb8;
	[tilespmem:$0xC000] =	vst v63  }
0xf3: {  	s4 =	smov.u32 s2  }
0xf4: {  	p3 =	sne.s32 s2, $0x3800;
	s2 =	sadd.s32 $0x800, s2;
	_ =	swait.ge [sflag:s25], $0x800  }
0xf5: {  	s4 =	sshra.s32 s4, $0x2;
	[sflag:s25] =	ssyncset.done $0x0  }
0xf6: {  	s7 =	sadd.s32 $0x200, s4;
	[sflag:s25] =	ssyncadd.s32 $0xFFFFF800  }
0xf7: {  	[tilespmem:s19], [sflag:$0x1] =	stream.indirect.gather [hbm4b:s5+s18], $0x10, s7, s18, $0xb8;
	[tilespmem:$0xC000] =	vst v63  }
0xf8: {  	_ =	swait.ge [sflag:s26], $0x800  }
0xf9: {  	[sflag:s26] =	ssyncset.done $0x0  }
0xfa: {  	s7 =	sadd.s32 $0x280, s4;
	[sflag:s26] =	ssyncadd.s32 $0xFFFFF800  }
0xfb: {  	[tilespmem:s20], [sflag:$0x2] =	stream.indirect.gather [hbm4b:s5+s18], $0x10, s7, s18, $0xb8;
	[tilespmem:$0xC000] =	vst v63  }
0xfc: {  	_ =	swait.ge [sflag:s29], $0x800  }
0xfd: {  	[sflag:s29] =	ssyncset.done $0x0  }
0xfe: {  	s7 =	sadd.s32 $0x300, s4;
	[sflag:s29] =	ssyncadd.s32 $0xFFFFF800  }
0xff: {  	[tilespmem:s22], [sflag:$0x3] =	stream.indirect.gather [hbm4b:s5+s18], $0x10, s7, s18, $0xb8;
	[tilespmem:$0xC000] =	vst v63  }
0x100: {  	_ =	swait.ge [sflag:s31], $0x800  }
0x101: {  	[sflag:s31] =	ssyncset.done $0x0  }
0x102: {  	s7 =	sadd.s32 $0x380, s4;
	[sflag:s31] =	ssyncadd.s32 $0xFFFFF800  }
0x103: {  	[tilespmem:s24], [sflag:$0x4] =	stream.indirect.gather [hbm4b:s5+s18], $0x10, s7, s18, $0xb8;
	[tilespmem:$0xC000] =	vst v63  }
0x104: {  	_ =	swait.ge [sflag:s25], $0x800  }
0x105: {  	[sflag:s25] =	ssyncset.done $0x0  }
0x106: {  	s7 =	sadd.s32 $0x3E00, s4;
	[sflag:s25] =	ssyncadd.s32 $0xFFFFF800  }
0x107: {  	[spmem:s3] =	stream.indirect.scatter.add.f32 [tilespmem:s19], [sflag:$0x1], $0x10, s7, s18, $0xb8;
	[tilespmem:$0xC000] =	vst v63  }
0x108: {  	_ =	swait.ge [sflag:s26], $0x800  }
0x109: {  	[sflag:s26] =	ssyncset.done $0x0  }
0x10a: {  	s7 =	sadd.s32 $0x3E80, s4;
	[sflag:s26] =	ssyncadd.s32 $0xFFFFF800  }
0x10b: {  	[spmem:s3] =	stream.indirect.scatter.add.f32 [tilespmem:s20], [sflag:$0x2], $0x10, s7, s18, $0xb8;
	[tilespmem:$0xC000] =	vst v63  }
0x10c: {  	_ =	swait.ge [sflag:s29], $0x800  }
0x10d: {  	[sflag:s29] =	ssyncset.done $0x0  }
.Ltmp5:
0x10e: {  	s7 =	sadd.s32 $0x3F00, s4;
	[sflag:s29] =	ssyncadd.s32 $0xFFFFF800;
	(pc) =	sbr.rel @p3 .LBB2_7-.Ltmp5, $4  }
0x10f: {  	[spmem:s3] =	stream.indirect.scatter.add.f32 [tilespmem:s22], [sflag:$0x3], $0x10, s7, s18, $0xb8;
	[tilespmem:$0xC000] =	vst v63  }
0x110: {  	_ =	swait.ge [sflag:s31], $0x800  }
0x111: {  	[sflag:s31] =	ssyncset.done $0x0  }
0x112: {  	s4 =	sadd.s32 $0x3F80, s4;
	[sflag:s31] =	ssyncadd.s32 $0xFFFFF800  }
.Ltmp6:
0x113: {  	_ = 	snop;
	(pc) =	sbr.rel .LBB2_8-.Ltmp6, $1  }
0x114: {  	_ =	sdelay $0x3  }
.LBB2_10:
0x115: {  	_ =	sfence.sel $0x180000  }
0x116: {  	[bflag:$0x0] =	sbarrier.arrive $0xFFFF  }
0x117: {  	_ =	strace $0x9000004D  }
0x118: {  	s0 =	stileid.u32;
	[bflag:$0x2] =	sbarrier.arrive $0xFFFF  }
0x119: {  	p0 =	sne.s32 s0, $0x0;
	s0 =	rddreg [dreg:$0x3]  }
0x11a: {  	s0 =	sadd.s32 @!p0 $0x100000, s0  }
0x11b: {  	[sflag:s0] =	ssyncadd.tile.s32 @!p0 $0x1;
	_ =	shalt  }
.Lfunc_end2:
_tile_overlayer_lowered:
.L_overlay_start_2:
0x11c: {  	(tag) =	ssettag $0x2  }
0x11d: {  	s0 =	rddreg [dreg:$0x0];
	s2 =	stileid.u32  }
0x11e: {  	s1 =	rddreg [dreg:$0x1];
	p0 =	sne.s32 s2, $0x0  }
0x11f: {  	s3 =	rddreg [dreg:$0x2];
	[bflag:$0x3] =	sbarrier.arrive $0xFFFF;
	s2 =	simm.s32 @!p0 $0x1C05  }
0x120: {  	[timem:s3], [sflag:s2] =	dma.local @!p0 [hbm:s0], s1  }
0x121: {  	s0 =	simm.s32 @!p0 $0x5  }
0x122: {  	_ =	swait.ge @!p0 [sflag:s0], s1  }
0x123: {  	s1 =	ssub.s32 @!p0 $0x0, s1;
	[sflag:s0] =	ssyncset.done @!p0 $0x0  }
0x124: {  	[sflag:s0] =	ssyncadd.s32 @!p0 s1  }
0x125: {  	[bflag:$0x3] =	sbarrier.arrive $0xFFFF  }
0x126: {  	_ =	shalt  }

// kernel: kernel.8.cloned.1.call-start
scs
__scs_entry_jumppad:
0x0: {  	(pc) =	sbr.rel $0x88, $3  }
0x1: {  	(tag) =	ssettag $0x0;
	lr =	simm.s32 $0x1  }
0x2: {  	[smem:$0x3F9B] =	sst lr;
	_ =	strace $0xD0000000  }
0x3: {  	_ = 	snop  }
0x4: {  	_ = 	snop  }
0x5: {  	_ = 	snop  }
0x6: {  	_ = 	snop  }
0x7: {  	_ = 	snop  }
__scs_overlays_trampoline_lowered:
0x8: {  	[smem:$0x3FAA] =	sst s0  }
0x9: {  	[smem:$0x3FAB] =	sst s1  }
0xa: {  	[smem:$0x3FAC] =	sst s2  }
0xb: {  	[smem:$0x3FAD] =	sst s3  }
0xc: {  	[smem:$0x3FAE] =	sst s4  }
0xd: {  	[smem:$0x3FAF] =	sst s5  }
0xe: {  	[smem:$0x3FB0] =	sst s6  }
0xf: {  	[smem:$0x3FB1] =	sst s7  }
0x10: {  	[smem:$0x3FB2] =	sst s8  }
0x11: {  	[smem:$0x3FB3] =	sst s9;
	s0 =	simm.s32 @!p0 $0x0  }
0x12: {  	s1 =	sld [smem:$0x3F99];
	s0 =	simm.s32 @p0 $0x1  }
0x13: {  	[smem:$0x3FB4] =	sst s0;
	s0 =	simm.s32 @!p1 $0x0  }
0x14: {  	s2 =	sld [smem:$0x3F98];
	s0 =	simm.s32 @p1 $0x1  }
0x15: {  	[smem:$0x3FB5] =	sst s0;
	s0 =	simm.s32 @!p2 $0x0  }
0x16: {  	s3 =	sld [smem:$0x3FDB];
	s0 =	simm.s32 @p2 $0x1  }
0x17: {  	s4 =	simm.s32 $0x1BF5;
	[smem:$0x3FB7] =	sst s0  }
0x18: {  	s0 =	sld [smem:$0x3F9A];
	_ =	swait.ge [sflag:s4], $0x0  }
0x19: {  	s7 =	sld [smem:$0x3F9B]  }
0x1a: {  	s8 =	sadd.s32 $0xFFFFE003, lr  }
0x1b: {  	s9 =	sadd.s32 $0xFFFFFEF7, lr;
	s5 =	simm.s32 $0xFFFFFFFF;
	p2 =	slt.u32 s8, $0xFFFFF086  }
0x1c: {  	p1 =	slt.u32 s9, $0xF7A;
	s5 =	simm.s32 @!p2 $0x0  }
0x1d: {  	s5 =	simm.s32 @p1 $0x1;
	p0 =	seq.s32 s7, s2  }
0x1e: {  	s7 =	smul.u32 @!p0 $0xF7A, s2;
	p2 =	seq.s32 @!p0 s5, $0x0  }
0x1f: {  	s9 =	smul.u32 $0xF7A, s1;
	s8 =	simm.s32 @!p0 $0x1BF5;
	p2 =	por !p2, p0  }
0x20: {  	[sflag:s8] =	ssyncset.s32 @!p0 $0xFFFFF086;
	s6 =	sadd.s32 @!p0 s3, s7;
	s7 =	simm.s32 @!p0 $0x108  }
0x21: {  	s3 =	sadd.s32 s3, s9;
	s6 =	sadd.s32 @!p0 $0x88, s6;
	s7 =	simm.s32 @p2 $0x1082  }
0x22: {  	[simem:s7], [sflag:s8] =	dma.local @!p0 [hbm:s6], $0xF7A  }
0x23: {  	s9 =	sor.u32 $0xD0000000, s2;
	s6 =	simm.s32 $0x108;
	_ =	swait.ge @!p0 [sflag:s8], $0x0  }
0x24: {  	s3 =	sadd.s32 $0x88, s3;
	s6 =	simm.s32 @!p1 $0x1082;
	[sflag:s4] =	ssyncset.s32 $0xFFFFF086  }
0x25: {  	[simem:s6], [sflag:s4] =	dma.local [hbm:s3], $0xF7A  }
0x26: {  	[smem:$0x3F9B] =	sst s1;
	(tag) =	ssettag s2;
	_ =	strace s9  }
0x27: {  	s1 =	sld [smem:$0x3FAB]  }
0x28: {  	s2 =	sld [smem:$0x3FAC]  }
0x29: {  	s4 =	sld [smem:$0x3FAE]  }
0x2a: {  	p0 =	seq.s32 s5, $0x0;
	s5 =	sld [smem:$0x3FAF]  }
0x2b: {  	s6 =	sld [smem:$0x3FB0]  }
0x2c: {  	s7 =	sld [smem:$0x3FB1]  }
0x2d: {  	s3 =	simm.s32 $0x108;
	s8 =	sld [smem:$0x3FB2]  }
0x2e: {  	s3 =	simm.s32 @!p0 $0x1082;
	s9 =	sld [smem:$0x3FB3]  }
0x2f: {  	lr =	sadd.s32 s0, s3;
	s0 =	sld [smem:$0x3FAA]  }
0x30: {  	s3 =	sld [smem:$0x3FAD]  }
0x31: {  	[smem:$0x3FB6] =	sst s10  }
0x32: {  	s10 =	sld [smem:$0x3FB4];
	_ =	sdelay $0x3  }
0x33: {  	p0 =	seq.s32 s10, $0x1;
	s10 =	sld [smem:$0x3FB6];
	_ =	sdelay $0x3  }
0x34: {  	[smem:$0x3FB6] =	sst s10  }
0x35: {  	s10 =	sld [smem:$0x3FB5];
	_ =	sdelay $0x3  }
0x36: {  	p1 =	seq.s32 s10, $0x1;
	s10 =	sld [smem:$0x3FB6];
	_ =	sdelay $0x3  }
0x37: {  	[smem:$0x3FB6] =	sst s10  }
0x38: {  	s10 =	sld [smem:$0x3FB7]  }
0x39: {  	_ = 	snop;
	(pc) =	sbr.ind lr, $3  }
0x3a: {  	_ = 	snop  }
0x3b: {  	_ = 	snop  }
0x3c: {  	p2 =	seq.s32 s10, $0x1;
	s10 =	sld [smem:$0x3FB6]  }
0x3d: {  	_ =	shalt  }
0x3e: {  	_ =	shalt  }
0x3f: {  	_ =	shalt  }
0x40: {  	_ =	shalt  }
0x41: {  	_ =	shalt  }
0x42: {  	_ =	shalt  }
0x43: {  	_ =	shalt  }
0x44: {  	_ =	shalt  }
0x45: {  	_ =	shalt  }
0x46: {  	_ =	shalt  }
0x47: {  	_ =	shalt  }
0x48: {  	_ =	shalt  }
0x49: {  	_ =	shalt  }
0x4a: {  	_ =	shalt  }
0x4b: {  	_ =	shalt  }
0x4c: {  	_ =	shalt  }
0x4d: {  	_ =	shalt  }
0x4e: {  	_ =	shalt  }
0x4f: {  	_ =	shalt  }
0x50: {  	_ =	shalt  }
0x51: {  	_ =	shalt  }
0x52: {  	_ =	shalt  }
0x53: {  	_ =	shalt  }
0x54: {  	_ =	shalt  }
0x55: {  	_ =	shalt  }
0x56: {  	_ =	shalt  }
0x57: {  	_ =	shalt  }
0x58: {  	_ =	shalt  }
0x59: {  	_ =	shalt  }
0x5a: {  	_ =	shalt  }
0x5b: {  	_ =	shalt  }
0x5c: {  	_ =	shalt  }
0x5d: {  	_ =	shalt  }
0x5e: {  	_ =	shalt  }
0x5f: {  	_ =	shalt  }
0x60: {  	_ =	shalt  }
0x61: {  	_ =	shalt  }
0x62: {  	_ =	shalt  }
0x63: {  	_ =	shalt  }
0x64: {  	_ =	shalt  }
0x65: {  	_ =	shalt  }
0x66: {  	_ =	shalt  }
0x67: {  	_ =	shalt  }
0x68: {  	_ =	shalt  }
0x69: {  	_ =	shalt  }
0x6a: {  	_ =	shalt  }
0x6b: {  	_ =	shalt  }
0x6c: {  	_ =	shalt  }
0x6d: {  	_ =	shalt  }
0x6e: {  	_ =	shalt  }
0x6f: {  	_ =	shalt  }
0x70: {  	_ =	shalt  }
0x71: {  	_ =	shalt  }
0x72: {  	_ =	shalt  }
0x73: {  	_ =	shalt  }
0x74: {  	_ =	shalt  }
0x75: {  	_ =	shalt  }
0x76: {  	_ =	shalt  }
0x77: {  	_ =	shalt  }
0x78: {  	_ =	shalt  }
0x79: {  	_ =	shalt  }
0x7a: {  	_ =	shalt  }
0x7b: {  	_ =	shalt  }
0x7c: {  	_ =	shalt  }
0x7d: {  	_ =	shalt  }
0x7e: {  	_ =	shalt  }
0x7f: {  	_ =	shalt  }
0x80: {  	_ =	shalt  }
0x81: {  	_ =	shalt  }
0x82: {  	_ =	shalt  }
0x83: {  	_ =	shalt  }
0x84: {  	_ =	shalt  }
0x85: {  	_ =	shalt  }
0x86: {  	_ =	shalt  }
0x87: {  	_ =	shalt  }
.Lfunc_end0:
.L_simem_size_0:
called_computation_lowered:
.L_overlay_start_0:
0x88: {  	s2 =	sld [smem:$0x3FD9]  }
0x89: {  	s3 =	sld [smem:$0x3FFE];
	_ =	sdelay $0x1  }
0x8a: {  	s1 =	srdreg.scid  }
0x8b: {  	s0 =	sand.u32 $0x1, s1  }
0x8c: {  	s16 =	sshll.u32 s0, $0xA;
	s2 =	sadd.s32 s3, s2  }
0x8d: {  	s2 =	sadd.s32 s2, s16  }
0x8e: {  	[smem:$0x3FC2] =	sst s2  }
0x8f: {  	_ = 	snop  }
0x90: {  	(tm) =	ssettm $0x1  }
0x91: {  	s17 =	sld [smem:$0x3FFB];
	_ =	sdelay $0x3  }
0x92: {  	_ =	strace s17  }
0x93: {  	s2 =	sld [smem:$0x3FFC];
	_ =	sdelay $0x3  }
0x94: {  	_ =	strace s2  }
0x95: {  	s2 =	sld [smem:$0x3FFD];
	_ =	sdelay $0x3  }
0x96: {  	_ =	strace s2  }
0x97: {  	_ =	strace $0x8FFFFFFF  }
0x98: {  	s18 =	sld [smem:$0x3FDB];
	_ =	sdelay $0x1  }
0x99: {  	s19 =	simm.s32 $_scs_section_size  }
0x9a: {  	s4 =	simm.s32 $_size__tile_overlayer_lowered;
	s5 =	simm.s32 $_tile_overlayer_lowered  }
0x9b: {  	s22 =	simm.s32 $0x1BFF;
	s21 =	sshll.u32 s5, $0x1;
	s2 =	sadd.s32 s19, s18  }
0x9c: {  	s6 =	simm.s32 $0x0;
	s20 =	sshll.u32 s4, $0x1;
	s4 =	sadd.s32 s21, s2  }
0x9d: {  	[timem:s6], [sflag:s22] =	dma.local [hbm:s4], s20  }
0x9e: {  	_ =	swait.ge [sflag:s22], s20  }
0x9f: {  	s3 =	ssub.s32 $0x0, s20;
	[sflag:s22] =	ssyncset.done $0x0  }
0xa0: {  	[sflag:s22] =	ssyncadd.s32 s3;
	_ =	sdelay $0x1  }
0xa1: {  	s23 =	simm.s32 $0x1B8B  }
0xa2: {  	_ =	swait.ge [sflag:s23], $0x1  }
0xa3: {  	[sflag:s23] =	ssyncset.done $0x0  }
0xa4: {  	s25 =	simm.s32 $0x1B8E;
	s24 =	sld [smem:$0x3FFE];
	[sflag:s23] =	ssyncadd.s32 $0xFFFFFFFF  }
0xa5: {  	s26 =	simm.s32 $execute0_lowered;
	[smem:$0x3FD2] =	sst s25  }
0xa6: {  	s4 =	sshll.u32 s26, $0x1;
	_ =	strace $0x80000046;
	[dreg:$0x1] =	wrdreg $0xFFFFFFFF  }
0xa7: {  	s28 =	simm.s32 $_size_execute0_lowered;
	s2 =	sadd.s32 s2, s4;
	[dreg:$0x0] =	wrdreg $0x0  }
0xa8: {  	s4 =	sshll.u32 s28, $0x1;
	[dreg:$0x2] =	wrdreg s2  }
0xa9: {  	[dreg:$0x3] =	wrdreg s4  }
0xaa: {  	[dreg:$0x4] =	wrdreg $0xC0  }
0xab: {  	_ =	task [dreg:s6], $0x5FFFF  }
0xac: {  	[dreg:$0x1] =	wrdreg $0xFFFFFFFF  }
0xad: {  	[dreg:$0x0] =	wrdreg $0x60  }
0xae: {  	[dreg:$0x2] =	wrdreg s24  }
0xaf: {  	[dreg:$0x3] =	wrdreg $0x67800  }
0xb0: {  	[dreg:$0x4] =	wrdreg $0x9  }
0xb1: {  	_ =	task.clear_ibuf [dreg:s6], $0x5FFFF;
	_ =	strace $0x90000046  }
0xb2: {  	s29 =	simm.s32 $0x9;
	_ =	strace $0x80000048  }
0xb3: {  	_ =	swait.ge [sflag:s29], $0x1  }
0xb4: {  	[sflag:s29] =	ssyncadd.s32 $0xFFFFFFFF  }
0xb5: {  	_ =	strace $0x90000048  }
0xb6: {  	_ =	sfence  }
0xb7: {  	s30 =	sld [smem:$0x0];
	_ =	sdelay $0x2  }
0xb8: {  	s31 =	sshll.u32 s1, $0xD;
	s1 =	sshrl.u32 s1, $0x2  }
0xb9: {  	s3 =	sand.u32 $0x4000, s31;
	s1 =	sadd.s32 s1, s30  }
0xba: {  	s0 =	sor.u32 s3, s0;
	s1 =	sshll.u32 s1, $0x11  }
0xbb: {  	s0 =	sor.u32 s1, s0  }
0xbc: {  	s0 =	sadd.s32 $0x8F2B, s0  }
0xbd: {  	[sflag:s0] =	ssyncadd.remote.s32 $0x1  }
0xbe: {  	_ =	sfence.sel $0xFFFF  }
0xbf: {  	[dreg:$0x0] =	wrdreg $0xFFFFFFFF;
	(pc) =	sbr.abs _section_cstart, $3  }
0xc0: {  	[dreg:$0x1] =	wrdreg $0xFFFFFFFF  }
0xc1: {  	_ =	task.clear_ibuf [dreg:s6], $0x2FFFF;
	_ =	strace $0x9FFFFFFF  }
0xc2: {  	(tm) =	ssettm $0x7FFFFFFF  }
0xc3: {  	_ =	shalt  }
tec
execute0_lowered:
.L_overlay_start_1:
0x0: {  	(tag) =	ssettag $0x1  }
0x1: {  	s4 =	rddreg [dreg:$0x0];
	s0 =	srdreg.scid  }
0x2: {  	s2 =	rddreg [dreg:$0x1];
	s1 =	stileid.u32  }
0x3: {  	s3 =	simm.s32 $0x0;
	s15 =	simm.s32 $0x2;
	s16 =	simm.s32 $0x80  }
0x4: {  	s17 =	simm.s32 $0x3C00;
	s18 =	simm.s32 $0x1;
	s19 =	simm.s32 $0x3D00  }
0x5: {  	s20 =	simm.s32 $0x3F80;
	s21 =	simm.s32 $0x0;
	s6 =	smul.u32 $0x2800, s1  }
0x6: {  	s14 =	sand.u32 $0x1, s0;
	s0 =	rddreg [dreg:$0x2];
	s8 =	smul.u32 $0x24, s1  }
0x7: {  	[smem:$0x7FF] =	sst s3;
	s7 =	sadd.s32 $0xBC00, s4;
	s28 =	smul.u32 $0xA00, s1  }
0x8: {  	p1 =	slt.u32 s1, $0x4;
	s30 =	smul.u32 $0x780, s1;
	s31 =	sshll.u32 s1, $0x4  }
0x9: {  	s5 =	smul.u32 $0x28000, s14;
	_ =	strace $0x80000047;
	s26 =	ssub.s32 $0x2, s14  }
0xa: {  	p0 =	seq.s32 s14, $0x0;
	s11 =	sadd.s32 s31, s7;
	p2 =	sne.s32 s14, $0x0  }
0xb: {  	s10 =	sshrl.u32 s26, $0x1;
	s5 =	sadd.s32 s6, s5;
	s6 =	smul.u32 $0x78, s1  }
0xc: {  	s8 =	sadd.s32 $0x780, s8;
	s29 =	sshrl.u32 s28, $0x2;
	s5 =	sshrl.u32 s5, $0x3  }
0xd: {  	s10 =	ssub.s32 s26, s10;
	s9 =	sadd.s32 s5, s4;
	s8 =	smov.u32 @p0 s6  }
0xe: {  	s4 =	sadd.s32 s29, s2;
	p0 =	seq.s32 s14, $0x1;
	s5 =	sadd.s32 s7, s30  }
0xf: {  	s14 =	simm.s32 $0x3C80;
	p1 =	por !p1, !p0;
	s8 =	sshll.u32 s8, $0x4  }
0x10: {  	s12 =	sadd.s32 $0x180, s4;
	s13 =	sadd.s32 $0x200, s4;
	p1 =	por !p1, !p1  }
0x11: {  	s6 =	sadd.s32 s7, s8;
	s7 =	sadd.s32 $0x9C00, s11;
	s8 =	sadd.s32 $0x15A00, s9  }
0x12: {  	v0 =	vimm.f32 $0.0e+00;
	v1 =	vimm.f32 $1.000000000e+00;
	s9 =	smax.u32 s10, $0x1;
	s10 =	sadd.s32 $0x80, s4;
	s11 =	sadd.s32 $0x100, s4  }
.LBB2_1:
0x13: {  	[tilespmem:$0x3C80] =	vst v0  }
0x14: {  	[tilespmem:$0x3C00] =	vst v1  }
0x15: {  	[tilespmem:$0x3C90] =	vst v0  }
0x16: {  	[tilespmem:$0x3C10] =	vst v1  }
0x17: {  	[tilespmem:$0x3CA0] =	vst v0  }
0x18: {  	[tilespmem:$0x3C20] =	vst v1  }
0x19: {  	[tilespmem:$0x3CB0] =	vst v0  }
0x1a: {  	[tilespmem:$0x3C30] =	vst v1  }
0x1b: {  	[tilespmem:$0x3CC0] =	vst v0  }
0x1c: {  	[tilespmem:$0x3C40] =	vst v1  }
0x1d: {  	[tilespmem:$0x3CD0] =	vst v0  }
0x1e: {  	[tilespmem:$0x3C50] =	vst v1  }
0x1f: {  	[tilespmem:$0x3CE0] =	vst v0  }
0x20: {  	[tilespmem:$0x3C60] =	vst v1  }
0x21: {  	[tilespmem:$0x3CF0] =	vst v0  }
0x22: {  	[tilespmem:$0x3C70] =	vst v1  }
0x23: {  	[spmem:s4] =	stream.linear.scatter [tilespmem:s14], [sflag:$0x2], $0x80, $0x38;
	[tilespmem:$0x6A00] =	vst v63  }
0x24: {  	_ =	swait.ge [sflag:s15], $0x80  }
0x25: {  	[sflag:s15] =	ssyncset.done $0x0  }
0x26: {  	[sflag:s15] =	ssyncadd.s32 $0xFFFFFF80  }
0x27: {  	[spmem:s10] =	stream.linear.scatter [tilespmem:s14], [sflag:$0x2], $0x80, $0x38;
	[tilespmem:$0x6A00] =	vst v63  }
0x28: {  	_ =	swait.ge [sflag:s15], $0x80  }
0x29: {  	[sflag:s15] =	ssyncset.done $0x0  }
0x2a: {  	[sflag:s15] =	ssyncadd.s32 $0xFFFFFF80  }
0x2b: {  	[spmem:s11] =	stream.linear.scatter [tilespmem:s14], [sflag:$0x2], $0x80, $0x38;
	[tilespmem:$0x6A00] =	vst v63  }
0x2c: {  	_ =	swait.ge [sflag:s15], $0x80  }
0x2d: {  	[sflag:s15] =	ssyncset.done $0x0  }
0x2e: {  	[sflag:s15] =	ssyncadd.s32 $0xFFFFFF80  }
0x2f: {  	[spmem:s12] =	stream.linear.scatter [tilespmem:s14], [sflag:$0x2], $0x80, $0x38;
	[tilespmem:$0x6A00] =	vst v63  }
0x30: {  	_ =	swait.ge [sflag:s15], $0x80  }
0x31: {  	[sflag:s15] =	ssyncset.done $0x0  }
0x32: {  	[sflag:s15] =	ssyncadd.s32 $0xFFFFFF80  }
0x33: {  	[spmem:s13] =	stream.linear.scatter [tilespmem:s14], [sflag:$0x2], $0x80, $0x38;
	[tilespmem:$0x6A00] =	vst v63  }
.Ltmp0:
0x34: {  	_ =	swait.ge [sflag:s15], $0x80;
	(pc) =	sbr.rel @p2 .LBB2_7-.Ltmp0, $3  }
0x35: {  	[sflag:s15] =	ssyncset.done $0x0  }
0x36: {  	[sflag:s15] =	ssyncadd.s32 $0xFFFFFF80  }
0x37: {  	[bflag:$0x0] =	sbarrier.arrive $0xFFFF;
	_ =	sdelay $0x1  }
0x38: {  	s22 =	simm.s32 $0x0  }
0x39: {  	[tilespmem:s22], [sflag:$0x2] =	stream.linear.gather [hbm4b:s5+s22], $0x3C00, $0x38;
	[tilespmem:$0x6A00] =	vst v63  }
0x3a: {  	_ =	swait.ge [sflag:s15], $0x3C00  }
0x3b: {  	[sflag:s15] =	ssyncset.done $0x0  }
0x3c: {  	[sflag:s15] =	ssyncadd.s32 $0xFFFFC400  }
.LBB2_3:
0x3d: {  	p3 =	sne.s32 s22, $0xEE00  }
.Ltmp1:
0x3e: {  	_ = 	snop;
	(pc) =	sbr.rel @p3 .LBB2_3-.Ltmp1, $3  }
0x3f: {  	_ =	sdelay $0x1  }
0x40: {  	s23 =	sshra.s32 s22, $0x2;
	s22 =	sadd.s32 $0x200, s22  }
0x41: {  	[spmem:s2] =	stream.indirect.scatter.add.f32 [tilespmem:s17], [sflag:$0x1], $0x1, s23, s16, $0xb8;
	[tilespmem:$0x6A00] =	vst v63  }
0x42: {  	_ =	swait.ge [sflag:s18], $0x80  }
0x43: {  	s22 =	simm.s32 $0x77;
	[sflag:s18] =	ssyncset.done $0x0  }
.LBB2_5:
0x44: {  	p3 =	sne.s32 s22, $0x1;
	s22 =	sadd.s32 $0xFFFFFFFF, s22;
	[sflag:s18] =	ssyncadd.s32 $0xFFFFFF80  }
.Ltmp2:
0x45: {  	(pc) =	sbr.rel @p3 .LBB2_5-.Ltmp2, $3  }
0x46: {  	_ =	sdelay $0x1  }
0x47: {  	_ =	swait.ge [sflag:s18], $0x80  }
0x48: {  	[sflag:s18] =	ssyncset.done $0x0  }
0x49: {  	[sflag:s18] =	ssyncadd.s32 $0xFFFFFF80  }
.LBB2_7:
.Ltmp3:
0x4a: {  	(pc) =	sbr.rel @!p0 .LBB2_13-.Ltmp3, $1  }
0x4b: {  	_ =	sdelay $0x3  }
0x4c: {  	[tilespmem:s3], [sflag:$0x2] =	stream.linear.gather [hbm4b:s6+s3], $0x1200, $0x38;
	[tilespmem:$0x6A00] =	vst v63  }
0x4d: {  	_ =	swait.ge [sflag:s15], $0x1200  }
0x4e: {  	[sflag:s15] =	ssyncset.done $0x0  }
0x4f: {  	s22 =	simm.s32 @p1 $0x0;
	s23 =	simm.s32 @p1 $0x1200;
	[sflag:s15] =	ssyncadd.s32 $0xFFFFEE00  }
0x50: {  	[tilespmem:s23], [sflag:$0x2] =	stream.linear.gather @p1 [hbm4b:s7+s22], $0x80, $0x38;
	[tilespmem:$0x6A00] =	vst v63  }
0x51: {  	s22 =	simm.s32 $0x24  }
0x52: {  	s22 =	simm.s32 @p1 $0x25  }
0x53: {  	p3 =	sne.s32 s22, $0x1  }
.Ltmp4:
0x54: {  	s23 =	simm.s32 @p1 $0x2;
	(pc) =	sbr.rel @!p3 .LBB2_10-.Ltmp4, $4  }
0x55: {  	_ =	swait.ge @p1 [sflag:s23], $0x80  }
0x56: {  	[sflag:s23] =	ssyncset.done @p1 $0x0  }
0x57: {  	s24 =	sadd.s32 $0xFFFFFFFF, s22;
	[sflag:s23] =	ssyncadd.s32 @p1 $0xFFFFFF80;
	s23 =	simm.s32 $0x0  }
0x58: {  	[spmem:s2] =	stream.indirect.scatter.add.f32 [tilespmem:s17], [sflag:$0x1], $0x1, s23, s16, $0xb8;
	[tilespmem:$0x6A00] =	vst v63  }
.LBB2_9:
0x59: {  	p4 =	sne.s32 s24, $0x1  }
.Ltmp5:
0x5a: {  	_ = 	snop;
	(pc) =	sbr.rel @p4 .LBB2_9-.Ltmp5, $3  }
0x5b: {  	_ = 	snop  }
0x5c: {  	s24 =	sadd.s32 $0xFFFFFFFF, s24;
	s23 =	sadd.s32 $0x80, s23;
	_ =	sdelay $0x1  }
0x5d: {  	[spmem:s2] =	stream.indirect.scatter.add.f32 [tilespmem:s17], [sflag:$0x1], $0x1, s23, s16, $0xb8;
	[tilespmem:$0x6A00] =	vst v63  }
.LBB2_10:
.Ltmp6:
0x5e: {  	(pc) =	sbr.rel @!p3 .LBB2_12-.Ltmp6, $3  }
0x5f: {  	_ =	sdelay $0x1  }
0x60: {  	_ =	swait.ge [sflag:s18], $0x80  }
0x61: {  	s22 =	sadd.s32 $0xFFFFFFFF, s22;
	[sflag:s18] =	ssyncset.done $0x0  }
.LBB2_11:
0x62: {  	p3 =	sne.s32 s22, $0x1;
	s22 =	sadd.s32 $0xFFFFFFFF, s22;
	[sflag:s18] =	ssyncadd.s32 $0xFFFFFF80  }
.Ltmp7:
0x63: {  	(pc) =	sbr.rel @p3 .LBB2_11-.Ltmp7, $3  }
0x64: {  	_ =	sdelay $0x1  }
0x65: {  	_ =	swait.ge [sflag:s18], $0x80  }
0x66: {  	[sflag:s18] =	ssyncset.done $0x0  }
.LBB2_12:
0x67: {  	[sflag:s18] =	ssyncadd.s32 $0xFFFFFF80  }
.LBB2_13:
0x68: {  	s22 =	simm.s32 $0x0  }
0x69: {  	[bflag:$0x0] =	sbarrier.arrive $0xFFFF;
	v2 =	vmov s22  }
0x6a: {  	[tilespmem:s19], [sflag:$0x2] =	stream.linear.gather [spmem:s4], $0x280, $0x38;
	[tilespmem:$0x6A00] =	vst v63  }
0x6b: {  	_ =	swait.ge [sflag:s15], $0x280  }
0x6c: {  	[sflag:s15] =	ssyncset.done $0x0  }
0x6d: {  	[sflag:s15] =	ssyncadd.s32 $0xFFFFFD80  }
0x6e: {  	s31 =	simm.s32 $0x1;
	v2 =	vld.idx.msk [tilespmem:v2+s19+$0x0], $0xffff  }
0x6f: {  	v3 =	vmov s31;
	_ =	sdelay $0x2  }
0x70: {  	s22 =	simm.s32 $0x3F80  }
0x71: {  	[tilespmem:s22+$0x0] =	vst v2  }
0x72: {  	s23 =	simm.s32 $0x2;
	v2 =	vld.idx.msk [tilespmem:v3+s19+$0x0], $0xffff  }
0x73: {  	v3 =	vmov s23;
	s23 =	simm.s32 $0x3  }
.LBB2_14:
0x74: {  	p3 =	sne.s32 s23, $0x27F;
	_ =	sdelay $0x1  }
.Ltmp8:
0x75: {  	s22 =	sadd.s32 $0x10, s22;
	(pc) =	sbr.rel @p3 .LBB2_14-.Ltmp8, $3  }
0x76: {  	[tilespmem:s22+$0x0] =	vst v2  }
0x77: {  	v2 =	vld.idx.msk [tilespmem:v3+s19+$0x0], $0xffff;
	_ =	sdelay $0x1  }
0x78: {  	v3 =	vmov s23;
	s23 =	sadd.s32 $0x1, s23  }
0x79: {  	_ =	sdelay $0x1  }
0x7a: {  	s22 =	sadd.s32 $0x10, s22  }
0x7b: {  	[tilespmem:s22+$0x0] =	vst v2  }
0x7c: {  	v2 =	vld.idx.msk [tilespmem:v3+s19+$0x0], $0xffff;
	_ =	sdelay $0x2  }
0x7d: {  	s21 =	sadd.s32 $0x1, s21  }
0x7e: {  	p3 =	sne.s32 s21, s9;
	s22 =	sadd.s32 $0x10, s22  }
.Ltmp9:
0x7f: {  	[tilespmem:s22+$0x0] =	vst v2;
	(pc) =	sbr.rel @p3 .LBB2_1-.Ltmp9, $4  }
0x80: {  	[hbm4b:s8+s3] =	stream.linear.scatter [tilespmem:s20], [sflag:$0x2], $0x2800, $0x38;
	[tilespmem:$0x6A00] =	vst v63  }
0x81: {  	_ =	swait.ge [sflag:s15], $0x2800  }
0x82: {  	[sflag:s15] =	ssyncset.done $0x0  }
0x83: {  	[sflag:s15] =	ssyncadd.s32 $0xFFFFD800  }
0x84: {  	_ =	sfence.sel $0x180000  }
0x85: {  	[bflag:$0x0] =	sbarrier.arrive $0xFFFF  }
0x86: {  	p0 =	sne.s32 s1, $0x0;
	_ =	strace $0x90000047  }
0x87: {  	s0 =	sadd.s32 @!p0 $0x100000, s0;
	[bflag:$0x2] =	sbarrier.arrive $0xFFFF  }
0x88: {  	[sflag:s0] =	ssyncadd.tile.s32 @!p0 $0x1;
	_ =	shalt  }
.Lfunc_end2:
_tile_overlayer_lowered:
.L_overlay_start_2:
0x89: {  	(tag) =	ssettag $0x2  }
0x8a: {  	s0 =	rddreg [dreg:$0x0];
	s2 =	stileid.u32  }
0x8b: {  	s1 =	rddreg [dreg:$0x1];
	p0 =	sne.s32 s2, $0x0  }
0x8c: {  	s3 =	rddreg [dreg:$0x2];
	[bflag:$0x3] =	sbarrier.arrive $0xFFFF;
	s2 =	simm.s32 @!p0 $0x1C02  }
0x8d: {  	[timem:s3], [sflag:s2] =	dma.local @!p0 [hbm:s0], s1  }
0x8e: {  	s0 =	simm.s32 @!p0 $0x2  }
0x8f: {  	_ =	swait.ge @!p0 [sflag:s0], s1  }
0x90: {  	s1 =	ssub.s32 @!p0 $0x0, s1;
	[sflag:s0] =	ssyncset.done @!p0 $0x0  }
0x91: {  	[sflag:s0] =	ssyncadd.s32 @!p0 s1  }
0x92: {  	[bflag:$0x3] =	sbarrier.arrive $0xFFFF  }
0x93: {  	_ =	shalt  }

</sc_bundles>
